<compile_context>
chip_gen: v7x
topology: tpu7x:2x2x1
jax: 0.10.2.dev20260603
libtpu: 0.0.44.dev20260713+nightly
codegen_flags: <defaults>
</compile_context>

<pallas_src>
import functools

import jax
import jax.numpy as jnp
from jax import lax
from jax.experimental import pallas as pl
from jax.experimental.pallas import tpu as pltpu
from jax.experimental.pallas import tpu_sc as plsc

B = 4096
DIM = 32
HIST = 50
NHIST = B * HIST

NC = 2
NS = 16
NW = NC * NS

CH = 128
BPW_S = B // NW
BPW_H = NHIST // NW
NCH_H = BPW_H // CH


def _sc_small_body(xu0, xi1, eut, ect, gu, gic, idxv, slab, obuf):
    wid = lax.axis_index("s") * NC + lax.axis_index("c")
    sbase = wid * BPW_S
    iota16 = lax.iota(jnp.int32, 16)

    def slab_gather(x_hbm, et, out_hbm):
        pltpu.sync_copy(x_hbm.at[pl.ds(sbase, BPW_S)], idxv)

        def group(g, carry):
            chunk = idxv[pl.ds(g * 16, 16)]
            for lane in range(16):
                idx = jnp.max(jnp.where(iota16 == lane, chunk, 0))
                i0 = (idx // 128) * 128
                lv = jnp.full((16,), idx - i0, jnp.int32)
                pltpu.sync_copy(et.at[:, pl.ds(i0, 128)], slab)
                row = g * 16 + lane
                for k in range(2):
                    v = plsc.load_gather(slab, [iota16 + 16 * k, lv])
                    obuf[row, pl.ds(16 * k, 16)] = v
            return carry

        lax.fori_loop(0, BPW_S // 16, group, 0)
        pltpu.sync_copy(obuf, out_hbm.at[pl.ds(sbase, BPW_S)])

    slab_gather(xu0, eut, gu)
    slab_gather(xi1, ect, gic)


_sc_small = functools.partial(
    pl.kernel,
    out_type=[
        jax.ShapeDtypeStruct((B, DIM), jnp.float32),
        jax.ShapeDtypeStruct((B, DIM), jnp.float32),
    ],
    mesh=plsc.VectorSubcoreMesh(core_axis_name="c", subcore_axis_name="s"),
    scratch_types=[
        pltpu.VMEM((BPW_S,), jnp.int32),
        pltpu.VMEM((DIM, 128), jnp.float32),
        pltpu.VMEM((BPW_S, DIM), jnp.float32),
    ],
    compiler_params=pltpu.CompilerParams(use_tc_tiling_on_sc=True,
                                         needs_layout_passes=False),
)(_sc_small_body)


def _sc_movie_body(xu1f, xi0, em, gh, gim, idxb, rowb, sem):
    wid = lax.axis_index("s") * NC + lax.axis_index("c")

    def row_chunk(idx_hbm, out_hbm, base):
        pltpu.sync_copy(idx_hbm.at[pl.ds(base, CH)], idxb)
        pltpu.async_copy(em.at[idxb], rowb, sem).wait()
        pltpu.sync_copy(rowb, out_hbm.at[pl.ds(base, CH)])

    row_chunk(xi0, gim, wid * BPW_S)

    hbase = wid * BPW_H

    def step(i, carry):
        row_chunk(xu1f, gh, hbase + i * CH)
        return carry

    lax.fori_loop(0, NCH_H, step, 0)


_sc_movie = functools.partial(
    pl.kernel,
    out_type=[
        jax.ShapeDtypeStruct((NHIST, DIM), jnp.float32),
        jax.ShapeDtypeStruct((B, DIM), jnp.float32),
    ],
    mesh=plsc.VectorSubcoreMesh(core_axis_name="c", subcore_axis_name="s"),
    scratch_types=[
        pltpu.VMEM((CH,), jnp.int32),
        pltpu.VMEM((CH, DIM), jnp.float32),
        pltpu.SemaphoreType.DMA,
    ],
    compiler_params=pltpu.CompilerParams(use_tc_tiling_on_sc=False),
)(_sc_movie_body)


BLK = 512


def _tc_body(gu, gh, gim, gic,
             wu1, bu1, wu2, bu2, wi1, bi1, wi2, bi2,
             out):
    f32 = jnp.float32
    uh = (
        jnp.dot(gu[...], wu1[0:DIM, :], preferred_element_type=f32)
        + jnp.dot(gh[...], wu1[DIM:, :], preferred_element_type=f32)
        + bu1[...]
    )
    uh = jnp.maximum(uh, 0.0)
    uo = jnp.dot(uh, wu2[...], preferred_element_type=f32) + bu2[...]

    ih = (
        jnp.dot(gim[...], wi1[0:DIM, :], preferred_element_type=f32)
        + jnp.dot(gic[...], wi1[DIM:, :], preferred_element_type=f32)
        + bi1[...]
    )
    ih = jnp.maximum(ih, 0.0)
    io = jnp.dot(ih, wi2[...], preferred_element_type=f32) + bi2[...]

    s = jnp.sum(uo * io, axis=1, keepdims=True)
    out[...] = 1.0 / (1.0 + jnp.exp(-s))


def _tc_towers(gu, gh, gim, gic, Wu1, bu1, Wu2, bu2, Wi1, bi1, Wi2, bi2):
    full = lambda shape: pl.BlockSpec(shape, lambda i: (0, 0))
    return pl.pallas_call(
        _tc_body,
        grid=(B // BLK,),
        in_specs=[
            pl.BlockSpec((BLK, DIM), lambda i: (i, 0)),
            pl.BlockSpec((BLK, HIST * DIM), lambda i: (i, 0)),
            pl.BlockSpec((BLK, DIM), lambda i: (i, 0)),
            pl.BlockSpec((BLK, DIM), lambda i: (i, 0)),
            full(Wu1.shape), full((1, 64)), full(Wu2.shape), full((1, 32)),
            full(Wi1.shape), full((1, 64)), full(Wi2.shape), full((1, 32)),
        ],
        out_specs=pl.BlockSpec((BLK, 1), lambda i: (i, 0)),
        out_shape=jax.ShapeDtypeStruct((B, 1), jnp.float32),
    )(gu, gh, gim, gic,
      Wu1, bu1.reshape(1, 64), Wu2, bu2.reshape(1, 32),
      Wi1, bi1.reshape(1, 64), Wi2, bi2.reshape(1, 32))


@jax.jit
def kernel(X_user_0, X_user_1, X_item_0, X_item_1, E_user, E_movie, E_cate,
           Wu1, bu1, Wu2, bu2, Wi1, bi1, Wi2, bi2):
    xu1f = X_user_1.reshape(NHIST)
    gu, gic = _sc_small(X_user_0, X_item_1, E_user.T, E_cate.T)
    dep = (gu[0, 0] * 0.0).astype(jnp.int32)
    gh, gim = _sc_movie(xu1f, X_item_0 + dep, E_movie)
    gh = gh.reshape(B, HIST * DIM)
    out = _tc_towers(gu, gh, gim, gic,
                     Wu1, bu1, Wu2, bu2, Wi1, bi1, Wi2, bi2)
    return out.reshape(B)

# --- scband reference (transcript-rebuilt; emitter-appended) ---
"""Pipeline reference for scband-dssm-1211180777679 (READ-ONLY COPY).

The authoritative reference and input builder live on the scoring server;
editing this copy changes nothing except your own understanding.
"""

import jax, jax.numpy as jnp
import numpy as np

B = 4096
VOCAB_BIG = 1000000
VOCAB_CATE = 1000
DIM = 32
HIST = 50
USER_IN = DIM + HIST * DIM  # 1632
ITEM_IN = DIM + DIM         # 64


def setup_inputs(seed: int = 0) -> dict:
    key = jax.random.key(seed)
    ks = jax.random.split(key, 16)
    X_user_0 = jax.random.randint(ks[0], (B,), 0, VOCAB_BIG, dtype=jnp.int64 if jax.config.jax_enable_x64 else jnp.int32)
    X_user_1 = jax.random.randint(ks[1], (B, HIST), 0, VOCAB_BIG, dtype=jnp.int64 if jax.config.jax_enable_x64 else jnp.int32)
    X_item_0 = jax.random.randint(ks[2], (B,), 0, VOCAB_BIG, dtype=jnp.int64 if jax.config.jax_enable_x64 else jnp.int32)
    X_item_1 = jax.random.randint(ks[3], (B,), 0, VOCAB_CATE, dtype=jnp.int64 if jax.config.jax_enable_x64 else jnp.int32)
    E_user = jax.random.normal(ks[4], (VOCAB_BIG, DIM), dtype=jnp.float32) * 0.01
    E_movie = jax.random.normal(ks[5], (VOCAB_BIG, DIM), dtype=jnp.float32) * 0.01
    E_cate = jax.random.normal(ks[6], (VOCAB_CATE, DIM), dtype=jnp.float32) * 0.01
    Wu1 = jax.random.normal(ks[7], (USER_IN, 64), dtype=jnp.float32) * 0.02
    bu1 = jnp.zeros((64,), dtype=jnp.float32)
    Wu2 = jax.random.normal(ks[8], (64, 32), dtype=jnp.float32) * 0.02
    bu2 = jnp.zeros((32,), dtype=jnp.float32)
    Wi1 = jax.random.normal(ks[9], (ITEM_IN, 64), dtype=jnp.float32) * 0.02
    bi1 = jnp.zeros((64,), dtype=jnp.float32)
    Wi2 = jax.random.normal(ks[10], (64, 32), dtype=jnp.float32) * 0.02
    bi2 = jnp.zeros((32,), dtype=jnp.float32)
    return {
        "X_user_0": X_user_0, "X_user_1": X_user_1,
        "X_item_0": X_item_0, "X_item_1": X_item_1,
        "E_user": E_user, "E_movie": E_movie, "E_cate": E_cate,
        "Wu1": Wu1, "bu1": bu1, "Wu2": Wu2, "bu2": bu2,
        "Wi1": Wi1, "bi1": bi1, "Wi2": Wi2, "bi2": bi2,
    }


def reference(X_user_0, X_user_1, X_item_0, X_item_1,
              E_user, E_movie, E_cate,
              Wu1, bu1, Wu2, bu2, Wi1, bi1, Wi2, bi2):
    # user tower embeddings
    u_sparse = jnp.take(E_user, X_user_0, axis=0)                       # [B, DIM]
    u_hist = jnp.take(E_movie, X_user_1, axis=0).reshape(B, -1)        # [B, HIST*DIM]
    user_emb = jnp.concatenate([u_sparse, u_hist], axis=1)             # [B, USER_IN]
    # user DNN (dropout=0 -> identity)
    uh = jnp.maximum(user_emb @ Wu1 + bu1, 0.0)
    user_out = uh @ Wu2 + bu2                                          # [B, 32]
    # item tower embeddings
    i_movie = jnp.take(E_movie, X_item_0, axis=0)                      # [B, DIM]
    i_cate = jnp.take(E_cate, X_item_1, axis=0)                        # [B, DIM]
    item_emb = jnp.concatenate([i_movie, i_cate], axis=1)              # [B, ITEM_IN]
    ih = jnp.maximum(item_emb @ Wi1 + bi1, 0.0)
    item_out = ih @ Wi2 + bi2                                          # [B, 32]
    return jax.nn.sigmoid(jnp.sum(user_out * item_out, axis=1))        # [B]

if __name__ == "__main__":
    import jax
    _d = setup_inputs()
    print(jax.jit(kernel)(*tuple(_d.values())))

</pallas_src>

<mosaic_0001>
#map = affine_map<(d0, d1) -> (0)>
#map1 = affine_map<(d0, d1) -> (0, 0)>
module attributes {stable_mosaic.version = 14 : i64} {
  func.func @_sc_movie_body(%arg0: i32, %arg1: i32, %arg2: memref<204800xi32, #tpu.memory_space<hbm>>, %arg3: memref<4096xi32, #tpu.memory_space<hbm>>, %arg4: memref<1000000x32xf32, #tpu.memory_space<hbm>>, %arg5: memref<204800x32xf32, #tpu.memory_space<hbm>>, %arg6: memref<4096x32xf32, #tpu.memory_space<hbm>>, %arg7: memref<128xi32, #tpu.memory_space<vmem>>, %arg8: memref<128x32xf32, #tpu.memory_space<vmem>>, %arg9: memref<!tpu.dma_semaphore, #tpu.memory_space<semaphore_mem>>) attributes {dimension_semantics = [#tpu.dimension_semantics<core_parallel>, #tpu.dimension_semantics<subcore_parallel>], iteration_bounds = array<i64: 2, 16>, scalar_prefetch = 0 : i64, scratch_operands = 3 : i64, tpu.core_type = #tpu.core_type<sc_vector_subcore>, window_params = [{transform_indices = #map}, {transform_indices = #map}, {transform_indices = #map1}, {transform_indices = #map1}, {transform_indices = #map1}]} {
    %mul3A = arith.constant 2 : i32
    %mul3A_0 = arith.muli %arg1, %mul3A : i32
    %add3A = arith.addi %mul3A_0, %arg0 : i32
    %mul3A_1 = arith.constant 128 : i32
    %mul3A_2 = arith.muli %add3A, %mul3A_1 : i32
    "tpu.region"() ({
      %run_scoped3A = tpu.sem_alloc : memref<!tpu.dma_semaphore, #tpu.memory_space<semaphore_mem>>
      %dma_start3A_14 = tpu.memref_slice %arg3[%mul3A_2] : memref<4096xi32, #tpu.memory_space<hbm>> -> memref<128xi32, #tpu.memory_space<hbm>>
      %dma_start3A_15 = tpu.memref_slice %arg3[%mul3A_2] : memref<4096xi32, #tpu.memory_space<hbm>> -> memref<128xi32, #tpu.memory_space<hbm>>
      tpu.enqueue_dma source(%dma_start3A_15 : memref<128xi32, #tpu.memory_space<hbm>>) target(%arg7 : memref<128xi32, #tpu.memory_space<vmem>>) target_semaphore(%run_scoped3A : memref<!tpu.dma_semaphore, #tpu.memory_space<semaphore_mem>>)
      %dma_wait3A_16 = tpu.memref_slice %arg3[%mul3A_2] : memref<4096xi32, #tpu.memory_space<hbm>> -> memref<128xi32, #tpu.memory_space<hbm>>
      %dma_wait3A_17 = tpu.memref_slice %arg3[%mul3A_2] : memref<4096xi32, #tpu.memory_space<hbm>> -> memref<128xi32, #tpu.memory_space<hbm>>
      tpu.wait_dma2 semaphore(%run_scoped3A : memref<!tpu.dma_semaphore, #tpu.memory_space<semaphore_mem>>) src(%dma_wait3A_17 : memref<128xi32, #tpu.memory_space<hbm>>) dst(%arg7 : memref<128xi32, #tpu.memory_space<vmem>>)
      tpu.yield
    }) : () -> ()
    %dma_start3A = arith.constant 0 : i32
    %dma_start3A_3 = arith.constant 0 : i32
    %dma_start3A_4 = tpu.memref_slice %arg4[%dma_start3A, %dma_start3A_3] : memref<1000000x32xf32, #tpu.memory_space<hbm>> -> memref<1000000x32xf32, #tpu.memory_space<hbm>>
    tpu.enqueue_indirect_dma source(%dma_start3A_4 : memref<1000000x32xf32, #tpu.memory_space<hbm>>) target(%arg8 : memref<128x32xf32, #tpu.memory_space<vmem>>) offsets(%arg7 : memref<128xi32, #tpu.memory_space<vmem>>) semaphore(%arg9 : memref<!tpu.dma_semaphore, #tpu.memory_space<semaphore_mem>>)
    %dma_wait3A = arith.constant 0 : i32
    %dma_wait3A_5 = arith.constant 0 : i32
    %dma_wait3A_6 = tpu.memref_slice %arg4[%dma_wait3A, %dma_wait3A_5] : memref<1000000x32xf32, #tpu.memory_space<hbm>> -> memref<1000000x32xf32, #tpu.memory_space<hbm>>
    tpu.wait_indirect_dma semaphore(%arg9 : memref<!tpu.dma_semaphore, #tpu.memory_space<semaphore_mem>>) src(%dma_wait3A_6 : memref<1000000x32xf32, #tpu.memory_space<hbm>>) dst(%arg8 : memref<128x32xf32, #tpu.memory_space<vmem>>)
    "tpu.region"() ({
      %run_scoped3A = tpu.sem_alloc : memref<!tpu.dma_semaphore, #tpu.memory_space<semaphore_mem>>
      %dma_start3A_14 = arith.constant 0 : i32
      %dma_start3A_15 = tpu.memref_slice %arg6[%mul3A_2, %dma_start3A_14] : memref<4096x32xf32, #tpu.memory_space<hbm>> -> memref<128x32xf32, #tpu.memory_space<hbm>>
      %dma_start3A_16 = arith.constant 0 : i32
      %dma_start3A_17 = tpu.memref_slice %arg6[%mul3A_2, %dma_start3A_16] : memref<4096x32xf32, #tpu.memory_space<hbm>> -> memref<128x32xf32, #tpu.memory_space<hbm>>
      tpu.enqueue_dma source(%arg8 : memref<128x32xf32, #tpu.memory_space<vmem>>) target(%dma_start3A_17 : memref<128x32xf32, #tpu.memory_space<hbm>>) target_semaphore(%run_scoped3A : memref<!tpu.dma_semaphore, #tpu.memory_space<semaphore_mem>>)
      %dma_wait3A_18 = arith.constant 0 : i32
      %dma_wait3A_19 = tpu.memref_slice %arg6[%mul3A_2, %dma_wait3A_18] : memref<4096x32xf32, #tpu.memory_space<hbm>> -> memref<128x32xf32, #tpu.memory_space<hbm>>
      %dma_wait3A_20 = arith.constant 0 : i32
      %dma_wait3A_21 = tpu.memref_slice %arg6[%mul3A_2, %dma_wait3A_20] : memref<4096x32xf32, #tpu.memory_space<hbm>> -> memref<128x32xf32, #tpu.memory_space<hbm>>
      tpu.wait_dma2 semaphore(%run_scoped3A : memref<!tpu.dma_semaphore, #tpu.memory_space<semaphore_mem>>) src(%arg8 : memref<128x32xf32, #tpu.memory_space<vmem>>) dst(%dma_wait3A_21 : memref<128x32xf32, #tpu.memory_space<hbm>>)
      tpu.yield
    }) : () -> ()
    %mul3A_7 = arith.constant 6400 : i32
    %mul3A_8 = arith.muli %add3A, %mul3A_7 : i32
    %scan3A = arith.constant 0 : i32
    %scan3A_9 = arith.constant 0 : i32
    %scan3A_10 = arith.constant 50 : i32
    %scan3A_11 = arith.addi %scan3A_9, %scan3A_10 : i32
    %scan3A_12 = arith.constant 1 : i32
    scf.for %scan3A_14 = %scan3A_9 to %scan3A_11 step %scan3A_12  : i32 {
      %mul3A_15 = arith.constant 128 : i32
      %mul3A_16 = arith.muli %scan3A_14, %mul3A_15 : i32
      %add3A_17 = arith.addi %mul3A_8, %mul3A_16 : i32
      "tpu.region"() ({
        %run_scoped3A = tpu.sem_alloc : memref<!tpu.dma_semaphore, #tpu.memory_space<semaphore_mem>>
        %dma_start3A_24 = tpu.memref_slice %arg2[%add3A_17] : memref<204800xi32, #tpu.memory_space<hbm>> -> memref<128xi32, #tpu.memory_space<hbm>>
        %dma_start3A_25 = tpu.memref_slice %arg2[%add3A_17] : memref<204800xi32, #tpu.memory_space<hbm>> -> memref<128xi32, #tpu.memory_space<hbm>>
        tpu.enqueue_dma source(%dma_start3A_25 : memref<128xi32, #tpu.memory_space<hbm>>) target(%arg7 : memref<128xi32, #tpu.memory_space<vmem>>) target_semaphore(%run_scoped3A : memref<!tpu.dma_semaphore, #tpu.memory_space<semaphore_mem>>)
        %dma_wait3A_26 = tpu.memref_slice %arg2[%add3A_17] : memref<204800xi32, #tpu.memory_space<hbm>> -> memref<128xi32, #tpu.memory_space<hbm>>
        %dma_wait3A_27 = tpu.memref_slice %arg2[%add3A_17] : memref<204800xi32, #tpu.memory_space<hbm>> -> memref<128xi32, #tpu.memory_space<hbm>>
        tpu.wait_dma2 semaphore(%run_scoped3A : memref<!tpu.dma_semaphore, #tpu.memory_space<semaphore_mem>>) src(%dma_wait3A_27 : memref<128xi32, #tpu.memory_space<hbm>>) dst(%arg7 : memref<128xi32, #tpu.memory_space<vmem>>)
        tpu.yield
      }) : () -> ()
      %dma_start3A_18 = arith.constant 0 : i32
      %dma_start3A_19 = arith.constant 0 : i32
      %dma_start3A_20 = tpu.memref_slice %arg4[%dma_start3A_18, %dma_start3A_19] : memref<1000000x32xf32, #tpu.memory_space<hbm>> -> memref<1000000x32xf32, #tpu.memory_space<hbm>>
      tpu.enqueue_indirect_dma source(%dma_start3A_20 : memref<1000000x32xf32, #tpu.memory_space<hbm>>) target(%arg8 : memref<128x32xf32, #tpu.memory_space<vmem>>) offsets(%arg7 : memref<128xi32, #tpu.memory_space<vmem>>) semaphore(%arg9 : memref<!tpu.dma_semaphore, #tpu.memory_space<semaphore_mem>>)
      %dma_wait3A_21 = arith.constant 0 : i32
      %dma_wait3A_22 = arith.constant 0 : i32
      %dma_wait3A_23 = tpu.memref_slice %arg4[%dma_wait3A_21, %dma_wait3A_22] : memref<1000000x32xf32, #tpu.memory_space<hbm>> -> memref<1000000x32xf32, #tpu.memory_space<hbm>>
      tpu.wait_indirect_dma semaphore(%arg9 : memref<!tpu.dma_semaphore, #tpu.memory_space<semaphore_mem>>) src(%dma_wait3A_23 : memref<1000000x32xf32, #tpu.memory_space<hbm>>) dst(%arg8 : memref<128x32xf32, #tpu.memory_space<vmem>>)
      "tpu.region"() ({
        %run_scoped3A = tpu.sem_alloc : memref<!tpu.dma_semaphore, #tpu.memory_space<semaphore_mem>>
        %dma_start3A_24 = arith.constant 0 : i32
        %dma_start3A_25 = tpu.memref_slice %arg5[%add3A_17, %dma_start3A_24] : memref<204800x32xf32, #tpu.memory_space<hbm>> -> memref<128x32xf32, #tpu.memory_space<hbm>>
        %dma_start3A_26 = arith.constant 0 : i32
        %dma_start3A_27 = tpu.memref_slice %arg5[%add3A_17, %dma_start3A_26] : memref<204800x32xf32, #tpu.memory_space<hbm>> -> memref<128x32xf32, #tpu.memory_space<hbm>>
        tpu.enqueue_dma source(%arg8 : memref<128x32xf32, #tpu.memory_space<vmem>>) target(%dma_start3A_27 : memref<128x32xf32, #tpu.memory_space<hbm>>) target_semaphore(%run_scoped3A : memref<!tpu.dma_semaphore, #tpu.memory_space<semaphore_mem>>)
        %dma_wait3A_28 = arith.constant 0 : i32
        %dma_wait3A_29 = tpu.memref_slice %arg5[%add3A_17, %dma_wait3A_28] : memref<204800x32xf32, #tpu.memory_space<hbm>> -> memref<128x32xf32, #tpu.memory_space<hbm>>
        %dma_wait3A_30 = arith.constant 0 : i32
        %dma_wait3A_31 = tpu.memref_slice %arg5[%add3A_17, %dma_wait3A_30] : memref<204800x32xf32, #tpu.memory_space<hbm>> -> memref<128x32xf32, #tpu.memory_space<hbm>>
        tpu.wait_dma2 semaphore(%run_scoped3A : memref<!tpu.dma_semaphore, #tpu.memory_space<semaphore_mem>>) src(%arg8 : memref<128x32xf32, #tpu.memory_space<vmem>>) dst(%dma_wait3A_31 : memref<128x32xf32, #tpu.memory_space<hbm>>)
        tpu.yield
      }) : () -> ()
    }
    %scan3A_13 = arith.constant 50 : i32
    return
  }
}

#map = affine_map<(d0, d1) -> (0)>
#map1 = affine_map<(d0, d1) -> (0, 0)>
module attributes {stable_mosaic.version = 14 : i64} {
  func.func @_sc_small_body(%arg0: i32, %arg1: i32, %arg2: memref<4096xi32, #tpu.memory_space<hbm>>, %arg3: memref<4096xi32, #tpu.memory_space<hbm>>, %arg4: memref<32x1000000xf32, #tpu.memory_space<hbm>>, %arg5: memref<32x1000xf32, #tpu.memory_space<hbm>>, %arg6: memref<4096x32xf32, #tpu.memory_space<hbm>>, %arg7: memref<4096x32xf32, #tpu.memory_space<hbm>>, %arg8: memref<128xi32, #tpu.memory_space<vmem>>, %arg9: memref<32x128xf32, #tpu.memory_space<vmem>>, %arg10: memref<128x32xf32, #tpu.memory_space<vmem>>) attributes {dimension_semantics = [#tpu.dimension_semantics<core_parallel>, #tpu.dimension_semantics<subcore_parallel>], iteration_bounds = array<i64: 2, 16>, scalar_prefetch = 0 : i64, scratch_operands = 3 : i64, tpu.core_type = #tpu.core_type<sc_vector_subcore>, window_params = [{transform_indices = #map}, {transform_indices = #map}, {transform_indices = #map1}, {transform_indices = #map1}, {transform_indices = #map1}, {transform_indices = #map1}]} {
    %mul3A = arith.constant 2 : i32
    %mul3A_0 = arith.muli %arg1, %mul3A : i32
    %add3A = arith.addi %mul3A_0, %arg0 : i32
    %mul3A_1 = arith.constant 128 : i32
    %mul3A_2 = arith.muli %add3A, %mul3A_1 : i32
    %iota3A = tpu.iota {dimensions = array<i32: 0>} : vector<16xi32>
    "tpu.region"() ({
      %run_scoped3A = tpu.sem_alloc : memref<!tpu.dma_semaphore, #tpu.memory_space<semaphore_mem>>
      %dma_start3A = tpu.memref_slice %arg2[%mul3A_2] : memref<4096xi32, #tpu.memory_space<hbm>> -> memref<128xi32, #tpu.memory_space<hbm>>
      %dma_start3A_14 = tpu.memref_slice %arg2[%mul3A_2] : memref<4096xi32, #tpu.memory_space<hbm>> -> memref<128xi32, #tpu.memory_space<hbm>>
      tpu.enqueue_dma source(%dma_start3A_14 : memref<128xi32, #tpu.memory_space<hbm>>) target(%arg8 : memref<128xi32, #tpu.memory_space<vmem>>) target_semaphore(%run_scoped3A : memref<!tpu.dma_semaphore, #tpu.memory_space<semaphore_mem>>)
      %dma_wait3A = tpu.memref_slice %arg2[%mul3A_2] : memref<4096xi32, #tpu.memory_space<hbm>> -> memref<128xi32, #tpu.memory_space<hbm>>
      %dma_wait3A_15 = tpu.memref_slice %arg2[%mul3A_2] : memref<4096xi32, #tpu.memory_space<hbm>> -> memref<128xi32, #tpu.memory_space<hbm>>
      tpu.wait_dma2 semaphore(%run_scoped3A : memref<!tpu.dma_semaphore, #tpu.memory_space<semaphore_mem>>) src(%dma_wait3A_15 : memref<128xi32, #tpu.memory_space<hbm>>) dst(%arg8 : memref<128xi32, #tpu.memory_space<vmem>>)
      tpu.yield
    }) : () -> ()
    %scan3A = arith.constant 0 : i32
    %scan3A_3 = arith.constant 0 : i32
    %scan3A_4 = arith.constant 8 : i32
    %scan3A_5 = arith.addi %scan3A_3, %scan3A_4 : i32
    %scan3A_6 = arith.constant 1 : i32
    scf.for %scan3A_14 = %scan3A_3 to %scan3A_5 step %scan3A_6  : i32 {
      %mul3A_15 = arith.constant 16 : i32
      %mul3A_16 = arith.muli %scan3A_14, %mul3A_15 : i32
      %get3A = arith.index_cast %mul3A_16 : i32 to index
      %get3A_17 = tpu.vector_load %arg8[%get3A] {strides = array<i32>} : memref<128xi32, #tpu.memory_space<vmem>>, vector<16xi32>,
      %eq3A = arith.constant 0 : i32
      %eq3A_18 = vector.broadcast %eq3A : i32 to vector<16xi32>
      %eq3A_19 = arith.cmpi eq, %iota3A, %eq3A_18 : vector<16xi32>
      %jit3A = arith.constant 0 : i32
      %broadcast_in_dim3A = vector.broadcast %jit3A : i32 to vector<16xi32>
      %select_n3A = arith.select %eq3A_19, %get3A_17, %broadcast_in_dim3A : vector<16xi1>, vector<16xi32>
      %reduce_max3A = arith.constant true
      %reduce_max3A_20 = vector.broadcast %reduce_max3A : i1 to vector<16xi1>
      %reduce_max3A_21 = arith.constant -2147483648 : i32
      %reduce_max3A_22 = vector.broadcast %reduce_max3A_21 : i32 to vector<16xi32>
      %reduce_max3A_23 = arith.xori %select_n3A, %reduce_max3A_22 : vector<16xi32>
      %reduce_max3A_24 = tpu.scan <max>, %reduce_max3A_23 masked %reduce_max3A_20 : vector<16xi32>, vector<16xi1> -> vector<16xi32>
      %reduce_max3A_25 = arith.xori %reduce_max3A_24, %reduce_max3A_22 : vector<16xi32>
      %reduce_max3A_26 = vector.extract %reduce_max3A_25[15] : i32 from vector<16xi32>
      %jit3A_27 = arith.constant 128 : i32
      %div3A = arith.divsi %reduce_max3A_26, %jit3A_27 : i32
      %sign3A = arith.constant 0 : i32
      %sign3A_28 = arith.cmpi sgt, %reduce_max3A_26, %sign3A : i32
      %sign3A_29 = arith.extui %sign3A_28 : i1 to i32
      %sign3A_30 = arith.constant 0 : i32
      %sign3A_31 = arith.cmpi slt, %reduce_max3A_26, %sign3A_30 : i32
      %sign3A_32 = arith.extui %sign3A_31 : i1 to i32
      %sign3A_33 = arith.subi %sign3A_29, %sign3A_32 : i32
      %sign3A_34 = arith.constant 0 : i32
      %sign3A_35 = arith.cmpi sgt, %jit3A_27, %sign3A_34 : i32
      %sign3A_36 = arith.extui %sign3A_35 : i1 to i32
      %sign3A_37 = arith.constant 0 : i32
      %sign3A_38 = arith.cmpi slt, %jit3A_27, %sign3A_37 : i32
      %sign3A_39 = arith.extui %sign3A_38 : i1 to i32
      %sign3A_40 = arith.subi %sign3A_36, %sign3A_39 : i32
      %ne3A = arith.cmpi ne, %sign3A_33, %sign3A_40 : i32
      %rem3A = arith.remsi %reduce_max3A_26, %jit3A_27 : i32
      %ne3A_41 = arith.constant 0 : i32
      %ne3A_42 = arith.cmpi ne, %rem3A, %ne3A_41 : i32
      %and3A = arith.andi %ne3A, %ne3A_42 : i1
      %sub3A = arith.constant 1 : i32
      %sub3A_43 = arith.subi %div3A, %sub3A : i32
      %select_n3A_44 = arith.select %and3A, %sub3A_43, %div3A : i32
      %mul3A_45 = arith.constant 128 : i32
      %mul3A_46 = arith.muli %select_n3A_44, %mul3A_45 : i32
      %sub3A_47 = arith.subi %reduce_max3A_26, %mul3A_46 : i32
      %broadcast_in_dim3A_48 = vector.broadcast %sub3A_47 : i32 to vector<16xi32>
      "tpu.region"() ({
        %run_scoped3A = tpu.sem_alloc : memref<!tpu.dma_semaphore, #tpu.memory_space<semaphore_mem>>
        %dma_start3A = arith.constant 0 : i32
        %dma_start3A_965 = tpu.memref_slice %arg4[%dma_start3A, %mul3A_46] : memref<32x1000000xf32, #tpu.memory_space<hbm>> -> memref<32x128xf32, #tpu.memory_space<hbm>>
        %dma_start3A_966 = arith.constant 0 : i32
        %dma_start3A_967 = tpu.memref_slice %arg4[%dma_start3A_966, %mul3A_46] : memref<32x1000000xf32, #tpu.memory_space<hbm>> -> memref<32x128xf32, #tpu.memory_space<hbm>>
        tpu.enqueue_dma source(%dma_start3A_967 : memref<32x128xf32, #tpu.memory_space<hbm>>) target(%arg9 : memref<32x128xf32, #tpu.memory_space<vmem>>) target_semaphore(%run_scoped3A : memref<!tpu.dma_semaphore, #tpu.memory_space<semaphore_mem>>)
        %dma_wait3A = arith.constant 0 : i32
        %dma_wait3A_968 = tpu.memref_slice %arg4[%dma_wait3A, %mul3A_46] : memref<32x1000000xf32, #tpu.memory_space<hbm>> -> memref<32x128xf32, #tpu.memory_space<hbm>>
        %dma_wait3A_969 = arith.constant 0 : i32
        %dma_wait3A_970 = tpu.memref_slice %arg4[%dma_wait3A_969, %mul3A_46] : memref<32x1000000xf32, #tpu.memory_space<hbm>> -> memref<32x128xf32, #tpu.memory_space<hbm>>
        tpu.wait_dma2 semaphore(%run_scoped3A : memref<!tpu.dma_semaphore, #tpu.memory_space<semaphore_mem>>) src(%dma_wait3A_970 : memref<32x128xf32, #tpu.memory_space<hbm>>) dst(%arg9 : memref<32x128xf32, #tpu.memory_space<vmem>>)
        tpu.yield
      }) : () -> ()
      %mul3A_49 = arith.constant 16 : i32
      %mul3A_50 = arith.muli %scan3A_14, %mul3A_49 : i32
      %add3A_51 = arith.constant 0 : i32
      %add3A_52 = arith.addi %mul3A_50, %add3A_51 : i32
      %add3A_53 = arith.constant 0 : i32
      %add3A_54 = vector.broadcast %add3A_53 : i32 to vector<16xi32>
      %add3A_55 = arith.addi %iota3A, %add3A_54 : vector<16xi32>
      %gather3A = tpu.vector_load_idx %arg9[%add3A_55, %broadcast_in_dim3A_48] : memref<32x128xf32, #tpu.memory_space<vmem>>[vector<16xi32>, vector<16xi32>], vector<16xf32>,
      %swap3A = arith.index_cast %add3A_52 : i32 to index
      %swap3A_56 = arith.constant 0 : index
      %swap3A_57 = tpu.vector_load %arg10[%swap3A, %swap3A_56] {strides = array<i32>} : memref<128x32xf32, #tpu.memory_space<vmem>>, vector<16xf32>,
      tpu.vector_store %arg10[%swap3A, %swap3A_56], %gather3A {strides = array<i32>} : memref<128x32xf32, #tpu.memory_space<vmem>>, vector<16xf32>,
      %add3A_58 = arith.constant 16 : i32
      %add3A_59 = vector.broadcast %add3A_58 : i32 to vector<16xi32>
      %add3A_60 = arith.addi %iota3A, %add3A_59 : vector<16xi32>
      %gather3A_61 = tpu.vector_load_idx %arg9[%add3A_60, %broadcast_in_dim3A_48] : memref<32x128xf32, #tpu.memory_space<vmem>>[vector<16xi32>, vector<16xi32>], vector<16xf32>,
      %swap3A_62 = arith.index_cast %add3A_52 : i32 to index
      %swap3A_63 = arith.constant 16 : index
      %swap3A_64 = tpu.vector_load %arg10[%swap3A_62, %swap3A_63] {strides = array<i32>} : memref<128x32xf32, #tpu.memory_space<vmem>>, vector<16xf32>,
      tpu.vector_store %arg10[%swap3A_62, %swap3A_63], %gather3A_61 {strides = array<i32>} : memref<128x32xf32, #tpu.memory_space<vmem>>, vector<16xf32>,
      %eq3A_65 = arith.constant 1 : i32
      %eq3A_66 = vector.broadcast %eq3A_65 : i32 to vector<16xi32>
      %eq3A_67 = arith.cmpi eq, %iota3A, %eq3A_66 : vector<16xi32>
      %jit3A_68 = arith.constant 0 : i32
      %broadcast_in_dim3A_69 = vector.broadcast %jit3A_68 : i32 to vector<16xi32>
      %select_n3A_70 = arith.select %eq3A_67, %get3A_17, %broadcast_in_dim3A_69 : vector<16xi1>, vector<16xi32>
      %reduce_max3A_71 = arith.constant true
      %reduce_max3A_72 = vector.broadcast %reduce_max3A_71 : i1 to vector<16xi1>
      %reduce_max3A_73 = arith.constant -2147483648 : i32
      %reduce_max3A_74 = vector.broadcast %reduce_max3A_73 : i32 to vector<16xi32>
      %reduce_max3A_75 = arith.xori %select_n3A_70, %reduce_max3A_74 : vector<16xi32>
      %reduce_max3A_76 = tpu.scan <max>, %reduce_max3A_75 masked %reduce_max3A_72 : vector<16xi32>, vector<16xi1> -> vector<16xi32>
      %reduce_max3A_77 = arith.xori %reduce_max3A_76, %reduce_max3A_74 : vector<16xi32>
      %reduce_max3A_78 = vector.extract %reduce_max3A_77[15] : i32 from vector<16xi32>
      %jit3A_79 = arith.constant 128 : i32
      %div3A_80 = arith.divsi %reduce_max3A_78, %jit3A_79 : i32
      %sign3A_81 = arith.constant 0 : i32
      %sign3A_82 = arith.cmpi sgt, %reduce_max3A_78, %sign3A_81 : i32
      %sign3A_83 = arith.extui %sign3A_82 : i1 to i32
      %sign3A_84 = arith.constant 0 : i32
      %sign3A_85 = arith.cmpi slt, %reduce_max3A_78, %sign3A_84 : i32
      %sign3A_86 = arith.extui %sign3A_85 : i1 to i32
      %sign3A_87 = arith.subi %sign3A_83, %sign3A_86 : i32
      %sign3A_88 = arith.constant 0 : i32
      %sign3A_89 = arith.cmpi sgt, %jit3A_79, %sign3A_88 : i32
      %sign3A_90 = arith.extui %sign3A_89 : i1 to i32
      %sign3A_91 = arith.constant 0 : i32
      %sign3A_92 = arith.cmpi slt, %jit3A_79, %sign3A_91 : i32
      %sign3A_93 = arith.extui %sign3A_92 : i1 to i32
      %sign3A_94 = arith.subi %sign3A_90, %sign3A_93 : i32
      %ne3A_95 = arith.cmpi ne, %sign3A_87, %sign3A_94 : i32
      %rem3A_96 = arith.remsi %reduce_max3A_78, %jit3A_79 : i32
      %ne3A_97 = arith.constant 0 : i32
      %ne3A_98 = arith.cmpi ne, %rem3A_96, %ne3A_97 : i32
      %and3A_99 = arith.andi %ne3A_95, %ne3A_98 : i1
      %sub3A_100 = arith.constant 1 : i32
      %sub3A_101 = arith.subi %div3A_80, %sub3A_100 : i32
      %select_n3A_102 = arith.select %and3A_99, %sub3A_101, %div3A_80 : i32
      %mul3A_103 = arith.constant 128 : i32
      %mul3A_104 = arith.muli %select_n3A_102, %mul3A_103 : i32
      %sub3A_105 = arith.subi %reduce_max3A_78, %mul3A_104 : i32
      %broadcast_in_dim3A_106 = vector.broadcast %sub3A_105 : i32 to vector<16xi32>
      "tpu.region"() ({
        %run_scoped3A = tpu.sem_alloc : memref<!tpu.dma_semaphore, #tpu.memory_space<semaphore_mem>>
        %dma_start3A = arith.constant 0 : i32
        %dma_start3A_965 = tpu.memref_slice %arg4[%dma_start3A, %mul3A_104] : memref<32x1000000xf32, #tpu.memory_space<hbm>> -> memref<32x128xf32, #tpu.memory_space<hbm>>
        %dma_start3A_966 = arith.constant 0 : i32
        %dma_start3A_967 = tpu.memref_slice %arg4[%dma_start3A_966, %mul3A_104] : memref<32x1000000xf32, #tpu.memory_space<hbm>> -> memref<32x128xf32, #tpu.memory_space<hbm>>
        tpu.enqueue_dma source(%dma_start3A_967 : memref<32x128xf32, #tpu.memory_space<hbm>>) target(%arg9 : memref<32x128xf32, #tpu.memory_space<vmem>>) target_semaphore(%run_scoped3A : memref<!tpu.dma_semaphore, #tpu.memory_space<semaphore_mem>>)
        %dma_wait3A = arith.constant 0 : i32
        %dma_wait3A_968 = tpu.memref_slice %arg4[%dma_wait3A, %mul3A_104] : memref<32x1000000xf32, #tpu.memory_space<hbm>> -> memref<32x128xf32, #tpu.memory_space<hbm>>
        %dma_wait3A_969 = arith.constant 0 : i32
        %dma_wait3A_970 = tpu.memref_slice %arg4[%dma_wait3A_969, %mul3A_104] : memref<32x1000000xf32, #tpu.memory_space<hbm>> -> memref<32x128xf32, #tpu.memory_space<hbm>>
        tpu.wait_dma2 semaphore(%run_scoped3A : memref<!tpu.dma_semaphore, #tpu.memory_space<semaphore_mem>>) src(%dma_wait3A_970 : memref<32x128xf32, #tpu.memory_space<hbm>>) dst(%arg9 : memref<32x128xf32, #tpu.memory_space<vmem>>)
        tpu.yield
      }) : () -> ()
      %mul3A_107 = arith.constant 16 : i32
      %mul3A_108 = arith.muli %scan3A_14, %mul3A_107 : i32
      %add3A_109 = arith.constant 1 : i32
      %add3A_110 = arith.addi %mul3A_108, %add3A_109 : i32
      %add3A_111 = arith.constant 0 : i32
      %add3A_112 = vector.broadcast %add3A_111 : i32 to vector<16xi32>
      %add3A_113 = arith.addi %iota3A, %add3A_112 : vector<16xi32>
      %gather3A_114 = tpu.vector_load_idx %arg9[%add3A_113, %broadcast_in_dim3A_106] : memref<32x128xf32, #tpu.memory_space<vmem>>[vector<16xi32>, vector<16xi32>], vector<16xf32>,
      %swap3A_115 = arith.index_cast %add3A_110 : i32 to index
      %swap3A_116 = arith.constant 0 : index
      %swap3A_117 = tpu.vector_load %arg10[%swap3A_115, %swap3A_116] {strides = array<i32>} : memref<128x32xf32, #tpu.memory_space<vmem>>, vector<16xf32>,
      tpu.vector_store %arg10[%swap3A_115, %swap3A_116], %gather3A_114 {strides = array<i32>} : memref<128x32xf32, #tpu.memory_space<vmem>>, vector<16xf32>,
      %add3A_118 = arith.constant 16 : i32
      %add3A_119 = vector.broadcast %add3A_118 : i32 to vector<16xi32>
      %add3A_120 = arith.addi %iota3A, %add3A_119 : vector<16xi32>
      %gather3A_121 = tpu.vector_load_idx %arg9[%add3A_120, %broadcast_in_dim3A_106] : memref<32x128xf32, #tpu.memory_space<vmem>>[vector<16xi32>, vector<16xi32>], vector<16xf32>,
      %swap3A_122 = arith.index_cast %add3A_110 : i32 to index
      %swap3A_123 = arith.constant 16 : index
      %swap3A_124 = tpu.vector_load %arg10[%swap3A_122, %swap3A_123] {strides = array<i32>} : memref<128x32xf32, #tpu.memory_space<vmem>>, vector<16xf32>,
      tpu.vector_store %arg10[%swap3A_122, %swap3A_123], %gather3A_121 {strides = array<i32>} : memref<128x32xf32, #tpu.memory_space<vmem>>, vector<16xf32>,
      %eq3A_125 = arith.constant 2 : i32
      %eq3A_126 = vector.broadcast %eq3A_125 : i32 to vector<16xi32>
      %eq3A_127 = arith.cmpi eq, %iota3A, %eq3A_126 : vector<16xi32>
      %jit3A_128 = arith.constant 0 : i32
      %broadcast_in_dim3A_129 = vector.broadcast %jit3A_128 : i32 to vector<16xi32>
      %select_n3A_130 = arith.select %eq3A_127, %get3A_17, %broadcast_in_dim3A_129 : vector<16xi1>, vector<16xi32>
      %reduce_max3A_131 = arith.constant true
      %reduce_max3A_132 = vector.broadcast %reduce_max3A_131 : i1 to vector<16xi1>
      %reduce_max3A_133 = arith.constant -2147483648 : i32
      %reduce_max3A_134 = vector.broadcast %reduce_max3A_133 : i32 to vector<16xi32>
      %reduce_max3A_135 = arith.xori %select_n3A_130, %reduce_max3A_134 : vector<16xi32>
      %reduce_max3A_136 = tpu.scan <max>, %reduce_max3A_135 masked %reduce_max3A_132 : vector<16xi32>, vector<16xi1> -> vector<16xi32>
      %reduce_max3A_137 = arith.xori %reduce_max3A_136, %reduce_max3A_134 : vector<16xi32>
      %reduce_max3A_138 = vector.extract %reduce_max3A_137[15] : i32 from vector<16xi32>
      %jit3A_139 = arith.constant 128 : i32
      %div3A_140 = arith.divsi %reduce_max3A_138, %jit3A_139 : i32
      %sign3A_141 = arith.constant 0 : i32
      %sign3A_142 = arith.cmpi sgt, %reduce_max3A_138, %sign3A_141 : i32
      %sign3A_143 = arith.extui %sign3A_142 : i1 to i32
      %sign3A_144 = arith.constant 0 : i32
      %sign3A_145 = arith.cmpi slt, %reduce_max3A_138, %sign3A_144 : i32
      %sign3A_146 = arith.extui %sign3A_145 : i1 to i32
      %sign3A_147 = arith.subi %sign3A_143, %sign3A_146 : i32
      %sign3A_148 = arith.constant 0 : i32
      %sign3A_149 = arith.cmpi sgt, %jit3A_139, %sign3A_148 : i32
      %sign3A_150 = arith.extui %sign3A_149 : i1 to i32
      %sign3A_151 = arith.constant 0 : i32
      %sign3A_152 = arith.cmpi slt, %jit3A_139, %sign3A_151 : i32
      %sign3A_153 = arith.extui %sign3A_152 : i1 to i32
      %sign3A_154 = arith.subi %sign3A_150, %sign3A_153 : i32
      %ne3A_155 = arith.cmpi ne, %sign3A_147, %sign3A_154 : i32
      %rem3A_156 = arith.remsi %reduce_max3A_138, %jit3A_139 : i32
      %ne3A_157 = arith.constant 0 : i32
      %ne3A_158 = arith.cmpi ne, %rem3A_156, %ne3A_157 : i32
      %and3A_159 = arith.andi %ne3A_155, %ne3A_158 : i1
      %sub3A_160 = arith.constant 1 : i32
      %sub3A_161 = arith.subi %div3A_140, %sub3A_160 : i32
      %select_n3A_162 = arith.select %and3A_159, %sub3A_161, %div3A_140 : i32
      %mul3A_163 = arith.constant 128 : i32
      %mul3A_164 = arith.muli %select_n3A_162, %mul3A_163 : i32
      %sub3A_165 = arith.subi %reduce_max3A_138, %mul3A_164 : i32
      %broadcast_in_dim3A_166 = vector.broadcast %sub3A_165 : i32 to vector<16xi32>
      "tpu.region"() ({
        %run_scoped3A = tpu.sem_alloc : memref<!tpu.dma_semaphore, #tpu.memory_space<semaphore_mem>>
        %dma_start3A = arith.constant 0 : i32
        %dma_start3A_965 = tpu.memref_slice %arg4[%dma_start3A, %mul3A_164] : memref<32x1000000xf32, #tpu.memory_space<hbm>> -> memref<32x128xf32, #tpu.memory_space<hbm>>
        %dma_start3A_966 = arith.constant 0 : i32
        %dma_start3A_967 = tpu.memref_slice %arg4[%dma_start3A_966, %mul3A_164] : memref<32x1000000xf32, #tpu.memory_space<hbm>> -> memref<32x128xf32, #tpu.memory_space<hbm>>
        tpu.enqueue_dma source(%dma_start3A_967 : memref<32x128xf32, #tpu.memory_space<hbm>>) target(%arg9 : memref<32x128xf32, #tpu.memory_space<vmem>>) target_semaphore(%run_scoped3A : memref<!tpu.dma_semaphore, #tpu.memory_space<semaphore_mem>>)
        %dma_wait3A = arith.constant 0 : i32
        %dma_wait3A_968 = tpu.memref_slice %arg4[%dma_wait3A, %mul3A_164] : memref<32x1000000xf32, #tpu.memory_space<hbm>> -> memref<32x128xf32, #tpu.memory_space<hbm>>
        %dma_wait3A_969 = arith.constant 0 : i32
        %dma_wait3A_970 = tpu.memref_slice %arg4[%dma_wait3A_969, %mul3A_164] : memref<32x1000000xf32, #tpu.memory_space<hbm>> -> memref<32x128xf32, #tpu.memory_space<hbm>>
        tpu.wait_dma2 semaphore(%run_scoped3A : memref<!tpu.dma_semaphore, #tpu.memory_space<semaphore_mem>>) src(%dma_wait3A_970 : memref<32x128xf32, #tpu.memory_space<hbm>>) dst(%arg9 : memref<32x128xf32, #tpu.memory_space<vmem>>)
        tpu.yield
      }) : () -> ()
      %mul3A_167 = arith.constant 16 : i32
      %mul3A_168 = arith.muli %scan3A_14, %mul3A_167 : i32
      %add3A_169 = arith.constant 2 : i32
      %add3A_170 = arith.addi %mul3A_168, %add3A_169 : i32
      %add3A_171 = arith.constant 0 : i32
      %add3A_172 = vector.broadcast %add3A_171 : i32 to vector<16xi32>
      %add3A_173 = arith.addi %iota3A, %add3A_172 : vector<16xi32>
      %gather3A_174 = tpu.vector_load_idx %arg9[%add3A_173, %broadcast_in_dim3A_166] : memref<32x128xf32, #tpu.memory_space<vmem>>[vector<16xi32>, vector<16xi32>], vector<16xf32>,
      %swap3A_175 = arith.index_cast %add3A_170 : i32 to index
      %swap3A_176 = arith.constant 0 : index
      %swap3A_177 = tpu.vector_load %arg10[%swap3A_175, %swap3A_176] {strides = array<i32>} : memref<128x32xf32, #tpu.memory_space<vmem>>, vector<16xf32>,
      tpu.vector_store %arg10[%swap3A_175, %swap3A_176], %gather3A_174 {strides = array<i32>} : memref<128x32xf32, #tpu.memory_space<vmem>>, vector<16xf32>,
      %add3A_178 = arith.constant 16 : i32
      %add3A_179 = vector.broadcast %add3A_178 : i32 to vector<16xi32>
      %add3A_180 = arith.addi %iota3A, %add3A_179 : vector<16xi32>
      %gather3A_181 = tpu.vector_load_idx %arg9[%add3A_180, %broadcast_in_dim3A_166] : memref<32x128xf32, #tpu.memory_space<vmem>>[vector<16xi32>, vector<16xi32>], vector<16xf32>,
      %swap3A_182 = arith.index_cast %add3A_170 : i32 to index
      %swap3A_183 = arith.constant 16 : index
      %swap3A_184 = tpu.vector_load %arg10[%swap3A_182, %swap3A_183] {strides = array<i32>} : memref<128x32xf32, #tpu.memory_space<vmem>>, vector<16xf32>,
      tpu.vector_store %arg10[%swap3A_182, %swap3A_183], %gather3A_181 {strides = array<i32>} : memref<128x32xf32, #tpu.memory_space<vmem>>, vector<16xf32>,
      %eq3A_185 = arith.constant 3 : i32
      %eq3A_186 = vector.broadcast %eq3A_185 : i32 to vector<16xi32>
      %eq3A_187 = arith.cmpi eq, %iota3A, %eq3A_186 : vector<16xi32>
      %jit3A_188 = arith.constant 0 : i32
      %broadcast_in_dim3A_189 = vector.broadcast %jit3A_188 : i32 to vector<16xi32>
      %select_n3A_190 = arith.select %eq3A_187, %get3A_17, %broadcast_in_dim3A_189 : vector<16xi1>, vector<16xi32>
      %reduce_max3A_191 = arith.constant true
      %reduce_max3A_192 = vector.broadcast %reduce_max3A_191 : i1 to vector<16xi1>
      %reduce_max3A_193 = arith.constant -2147483648 : i32
      %reduce_max3A_194 = vector.broadcast %reduce_max3A_193 : i32 to vector<16xi32>
      %reduce_max3A_195 = arith.xori %select_n3A_190, %reduce_max3A_194 : vector<16xi32>
      %reduce_max3A_196 = tpu.scan <max>, %reduce_max3A_195 masked %reduce_max3A_192 : vector<16xi32>, vector<16xi1> -> vector<16xi32>
      %reduce_max3A_197 = arith.xori %reduce_max3A_196, %reduce_max3A_194 : vector<16xi32>
      %reduce_max3A_198 = vector.extract %reduce_max3A_197[15] : i32 from vector<16xi32>
      %jit3A_199 = arith.constant 128 : i32
      %div3A_200 = arith.divsi %reduce_max3A_198, %jit3A_199 : i32
      %sign3A_201 = arith.constant 0 : i32
      %sign3A_202 = arith.cmpi sgt, %reduce_max3A_198, %sign3A_201 : i32
      %sign3A_203 = arith.extui %sign3A_202 : i1 to i32
      %sign3A_204 = arith.constant 0 : i32
      %sign3A_205 = arith.cmpi slt, %reduce_max3A_198, %sign3A_204 : i32
      %sign3A_206 = arith.extui %sign3A_205 : i1 to i32
      %sign3A_207 = arith.subi %sign3A_203, %sign3A_206 : i32
      %sign3A_208 = arith.constant 0 : i32
      %sign3A_209 = arith.cmpi sgt, %jit3A_199, %sign3A_208 : i32
      %sign3A_210 = arith.extui %sign3A_209 : i1 to i32
      %sign3A_211 = arith.constant 0 : i32
      %sign3A_212 = arith.cmpi slt, %jit3A_199, %sign3A_211 : i32
      %sign3A_213 = arith.extui %sign3A_212 : i1 to i32
      %sign3A_214 = arith.subi %sign3A_210, %sign3A_213 : i32
      %ne3A_215 = arith.cmpi ne, %sign3A_207, %sign3A_214 : i32
      %rem3A_216 = arith.remsi %reduce_max3A_198, %jit3A_199 : i32
      %ne3A_217 = arith.constant 0 : i32
      %ne3A_218 = arith.cmpi ne, %rem3A_216, %ne3A_217 : i32
      %and3A_219 = arith.andi %ne3A_215, %ne3A_218 : i1
      %sub3A_220 = arith.constant 1 : i32
      %sub3A_221 = arith.subi %div3A_200, %sub3A_220 : i32
      %select_n3A_222 = arith.select %and3A_219, %sub3A_221, %div3A_200 : i32
      %mul3A_223 = arith.constant 128 : i32
      %mul3A_224 = arith.muli %select_n3A_222, %mul3A_223 : i32
      %sub3A_225 = arith.subi %reduce_max3A_198, %mul3A_224 : i32
      %broadcast_in_dim3A_226 = vector.broadcast %sub3A_225 : i32 to vector<16xi32>
      "tpu.region"() ({
        %run_scoped3A = tpu.sem_alloc : memref<!tpu.dma_semaphore, #tpu.memory_space<semaphore_mem>>
        %dma_start3A = arith.constant 0 : i32
        %dma_start3A_965 = tpu.memref_slice %arg4[%dma_start3A, %mul3A_224] : memref<32x1000000xf32, #tpu.memory_space<hbm>> -> memref<32x128xf32, #tpu.memory_space<hbm>>
        %dma_start3A_966 = arith.constant 0 : i32
        %dma_start3A_967 = tpu.memref_slice %arg4[%dma_start3A_966, %mul3A_224] : memref<32x1000000xf32, #tpu.memory_space<hbm>> -> memref<32x128xf32, #tpu.memory_space<hbm>>
        tpu.enqueue_dma source(%dma_start3A_967 : memref<32x128xf32, #tpu.memory_space<hbm>>) target(%arg9 : memref<32x128xf32, #tpu.memory_space<vmem>>) target_semaphore(%run_scoped3A : memref<!tpu.dma_semaphore, #tpu.memory_space<semaphore_mem>>)
        %dma_wait3A = arith.constant 0 : i32
        %dma_wait3A_968 = tpu.memref_slice %arg4[%dma_wait3A, %mul3A_224] : memref<32x1000000xf32, #tpu.memory_space<hbm>> -> memref<32x128xf32, #tpu.memory_space<hbm>>
        %dma_wait3A_969 = arith.constant 0 : i32
        %dma_wait3A_970 = tpu.memref_slice %arg4[%dma_wait3A_969, %mul3A_224] : memref<32x1000000xf32, #tpu.memory_space<hbm>> -> memref<32x128xf32, #tpu.memory_space<hbm>>
        tpu.wait_dma2 semaphore(%run_scoped3A : memref<!tpu.dma_semaphore, #tpu.memory_space<semaphore_mem>>) src(%dma_wait3A_970 : memref<32x128xf32, #tpu.memory_space<hbm>>) dst(%arg9 : memref<32x128xf32, #tpu.memory_space<vmem>>)
        tpu.yield
      }) : () -> ()
      %mul3A_227 = arith.constant 16 : i32
      %mul3A_228 = arith.muli %scan3A_14, %mul3A_227 : i32
      %add3A_229 = arith.constant 3 : i32
      %add3A_230 = arith.addi %mul3A_228, %add3A_229 : i32
      %add3A_231 = arith.constant 0 : i32
      %add3A_232 = vector.broadcast %add3A_231 : i32 to vector<16xi32>
      %add3A_233 = arith.addi %iota3A, %add3A_232 : vector<16xi32>
      %gather3A_234 = tpu.vector_load_idx %arg9[%add3A_233, %broadcast_in_dim3A_226] : memref<32x128xf32, #tpu.memory_space<vmem>>[vector<16xi32>, vector<16xi32>], vector<16xf32>,
      %swap3A_235 = arith.index_cast %add3A_230 : i32 to index
      %swap3A_236 = arith.constant 0 : index
      %swap3A_237 = tpu.vector_load %arg10[%swap3A_235, %swap3A_236] {strides = array<i32>} : memref<128x32xf32, #tpu.memory_space<vmem>>, vector<16xf32>,
      tpu.vector_store %arg10[%swap3A_235, %swap3A_236], %gather3A_234 {strides = array<i32>} : memref<128x32xf32, #tpu.memory_space<vmem>>, vector<16xf32>,
      %add3A_238 = arith.constant 16 : i32
      %add3A_239 = vector.broadcast %add3A_238 : i32 to vector<16xi32>
      %add3A_240 = arith.addi %iota3A, %add3A_239 : vector<16xi32>
      %gather3A_241 = tpu.vector_load_idx %arg9[%add3A_240, %broadcast_in_dim3A_226] : memref<32x128xf32, #tpu.memory_space<vmem>>[vector<16xi32>, vector<16xi32>], vector<16xf32>,
      %swap3A_242 = arith.index_cast %add3A_230 : i32 to index
      %swap3A_243 = arith.constant 16 : index
      %swap3A_244 = tpu.vector_load %arg10[%swap3A_242, %swap3A_243] {strides = array<i32>} : memref<128x32xf32, #tpu.memory_space<vmem>>, vector<16xf32>,
      tpu.vector_store %arg10[%swap3A_242, %swap3A_243], %gather3A_241 {strides = array<i32>} : memref<128x32xf32, #tpu.memory_space<vmem>>, vector<16xf32>,
      %eq3A_245 = arith.constant 4 : i32
      %eq3A_246 = vector.broadcast %eq3A_245 : i32 to vector<16xi32>
      %eq3A_247 = arith.cmpi eq, %iota3A, %eq3A_246 : vector<16xi32>
      %jit3A_248 = arith.constant 0 : i32
      %broadcast_in_dim3A_249 = vector.broadcast %jit3A_248 : i32 to vector<16xi32>
      %select_n3A_250 = arith.select %eq3A_247, %get3A_17, %broadcast_in_dim3A_249 : vector<16xi1>, vector<16xi32>
      %reduce_max3A_251 = arith.constant true
      %reduce_max3A_252 = vector.broadcast %reduce_max3A_251 : i1 to vector<16xi1>
      %reduce_max3A_253 = arith.constant -2147483648 : i32
      %reduce_max3A_254 = vector.broadcast %reduce_max3A_253 : i32 to vector<16xi32>
      %reduce_max3A_255 = arith.xori %select_n3A_250, %reduce_max3A_254 : vector<16xi32>
      %reduce_max3A_256 = tpu.scan <max>, %reduce_max3A_255 masked %reduce_max3A_252 : vector<16xi32>, vector<16xi1> -> vector<16xi32>
      %reduce_max3A_257 = arith.xori %reduce_max3A_256, %reduce_max3A_254 : vector<16xi32>
      %reduce_max3A_258 = vector.extract %reduce_max3A_257[15] : i32 from vector<16xi32>
      %jit3A_259 = arith.constant 128 : i32
      %div3A_260 = arith.divsi %reduce_max3A_258, %jit3A_259 : i32
      %sign3A_261 = arith.constant 0 : i32
      %sign3A_262 = arith.cmpi sgt, %reduce_max3A_258, %sign3A_261 : i32
      %sign3A_263 = arith.extui %sign3A_262 : i1 to i32
      %sign3A_264 = arith.constant 0 : i32
      %sign3A_265 = arith.cmpi slt, %reduce_max3A_258, %sign3A_264 : i32
      %sign3A_266 = arith.extui %sign3A_265 : i1 to i32
      %sign3A_267 = arith.subi %sign3A_263, %sign3A_266 : i32
      %sign3A_268 = arith.constant 0 : i32
      %sign3A_269 = arith.cmpi sgt, %jit3A_259, %sign3A_268 : i32
      %sign3A_270 = arith.extui %sign3A_269 : i1 to i32
      %sign3A_271 = arith.constant 0 : i32
      %sign3A_272 = arith.cmpi slt, %jit3A_259, %sign3A_271 : i32
      %sign3A_273 = arith.extui %sign3A_272 : i1 to i32
      %sign3A_274 = arith.subi %sign3A_270, %sign3A_273 : i32
      %ne3A_275 = arith.cmpi ne, %sign3A_267, %sign3A_274 : i32
      %rem3A_276 = arith.remsi %reduce_max3A_258, %jit3A_259 : i32
      %ne3A_277 = arith.constant 0 : i32
      %ne3A_278 = arith.cmpi ne, %rem3A_276, %ne3A_277 : i32
      %and3A_279 = arith.andi %ne3A_275, %ne3A_278 : i1
      %sub3A_280 = arith.constant 1 : i32
      %sub3A_281 = arith.subi %div3A_260, %sub3A_280 : i32
      %select_n3A_282 = arith.select %and3A_279, %sub3A_281, %div3A_260 : i32
      %mul3A_283 = arith.constant 128 : i32
      %mul3A_284 = arith.muli %select_n3A_282, %mul3A_283 : i32
      %sub3A_285 = arith.subi %reduce_max3A_258, %mul3A_284 : i32
      %broadcast_in_dim3A_286 = vector.broadcast %sub3A_285 : i32 to vector<16xi32>
      "tpu.region"() ({
        %run_scoped3A = tpu.sem_alloc : memref<!tpu.dma_semaphore, #tpu.memory_space<semaphore_mem>>
        %dma_start3A = arith.constant 0 : i32
        %dma_start3A_965 = tpu.memref_slice %arg4[%dma_start3A, %mul3A_284] : memref<32x1000000xf32, #tpu.memory_space<hbm>> -> memref<32x128xf32, #tpu.memory_space<hbm>>
        %dma_start3A_966 = arith.constant 0 : i32
        %dma_start3A_967 = tpu.memref_slice %arg4[%dma_start3A_966, %mul3A_284] : memref<32x1000000xf32, #tpu.memory_space<hbm>> -> memref<32x128xf32, #tpu.memory_space<hbm>>
        tpu.enqueue_dma source(%dma_start3A_967 : memref<32x128xf32, #tpu.memory_space<hbm>>) target(%arg9 : memref<32x128xf32, #tpu.memory_space<vmem>>) target_semaphore(%run_scoped3A : memref<!tpu.dma_semaphore, #tpu.memory_space<semaphore_mem>>)
        %dma_wait3A = arith.constant 0 : i32
        %dma_wait3A_968 = tpu.memref_slice %arg4[%dma_wait3A, %mul3A_284] : memref<32x1000000xf32, #tpu.memory_space<hbm>> -> memref<32x128xf32, #tpu.memory_space<hbm>>
        %dma_wait3A_969 = arith.constant 0 : i32
        %dma_wait3A_970 = tpu.memref_slice %arg4[%dma_wait3A_969, %mul3A_284] : memref<32x1000000xf32, #tpu.memory_space<hbm>> -> memref<32x128xf32, #tpu.memory_space<hbm>>
        tpu.wait_dma2 semaphore(%run_scoped3A : memref<!tpu.dma_semaphore, #tpu.memory_space<semaphore_mem>>) src(%dma_wait3A_970 : memref<32x128xf32, #tpu.memory_space<hbm>>) dst(%arg9 : memref<32x128xf32, #tpu.memory_space<vmem>>)
        tpu.yield
      }) : () -> ()
      %mul3A_287 = arith.constant 16 : i32
      %mul3A_288 = arith.muli %scan3A_14, %mul3A_287 : i32
      %add3A_289 = arith.constant 4 : i32
      %add3A_290 = arith.addi %mul3A_288, %add3A_289 : i32
      %add3A_291 = arith.constant 0 : i32
      %add3A_292 = vector.broadcast %add3A_291 : i32 to vector<16xi32>
      %add3A_293 = arith.addi %iota3A, %add3A_292 : vector<16xi32>
      %gather3A_294 = tpu.vector_load_idx %arg9[%add3A_293, %broadcast_in_dim3A_286] : memref<32x128xf32, #tpu.memory_space<vmem>>[vector<16xi32>, vector<16xi32>], vector<16xf32>,
      %swap3A_295 = arith.index_cast %add3A_290 : i32 to index
      %swap3A_296 = arith.constant 0 : index
      %swap3A_297 = tpu.vector_load %arg10[%swap3A_295, %swap3A_296] {strides = array<i32>} : memref<128x32xf32, #tpu.memory_space<vmem>>, vector<16xf32>,
      tpu.vector_store %arg10[%swap3A_295, %swap3A_296], %gather3A_294 {strides = array<i32>} : memref<128x32xf32, #tpu.memory_space<vmem>>, vector<16xf32>,
      %add3A_298 = arith.constant 16 : i32
      %add3A_299 = vector.broadcast %add3A_298 : i32 to vector<16xi32>
      %add3A_300 = arith.addi %iota3A, %add3A_299 : vector<16xi32>
      %gather3A_301 = tpu.vector_load_idx %arg9[%add3A_300, %broadcast_in_dim3A_286] : memref<32x128xf32, #tpu.memory_space<vmem>>[vector<16xi32>, vector<16xi32>], vector<16xf32>,
      %swap3A_302 = arith.index_cast %add3A_290 : i32 to index
      %swap3A_303 = arith.constant 16 : index
      %swap3A_304 = tpu.vector_load %arg10[%swap3A_302, %swap3A_303] {strides = array<i32>} : memref<128x32xf32, #tpu.memory_space<vmem>>, vector<16xf32>,
      tpu.vector_store %arg10[%swap3A_302, %swap3A_303], %gather3A_301 {strides = array<i32>} : memref<128x32xf32, #tpu.memory_space<vmem>>, vector<16xf32>,
      %eq3A_305 = arith.constant 5 : i32
      %eq3A_306 = vector.broadcast %eq3A_305 : i32 to vector<16xi32>
      %eq3A_307 = arith.cmpi eq, %iota3A, %eq3A_306 : vector<16xi32>
      %jit3A_308 = arith.constant 0 : i32
      %broadcast_in_dim3A_309 = vector.broadcast %jit3A_308 : i32 to vector<16xi32>
      %select_n3A_310 = arith.select %eq3A_307, %get3A_17, %broadcast_in_dim3A_309 : vector<16xi1>, vector<16xi32>
      %reduce_max3A_311 = arith.constant true
      %reduce_max3A_312 = vector.broadcast %reduce_max3A_311 : i1 to vector<16xi1>
      %reduce_max3A_313 = arith.constant -2147483648 : i32
      %reduce_max3A_314 = vector.broadcast %reduce_max3A_313 : i32 to vector<16xi32>
      %reduce_max3A_315 = arith.xori %select_n3A_310, %reduce_max3A_314 : vector<16xi32>
      %reduce_max3A_316 = tpu.scan <max>, %reduce_max3A_315 masked %reduce_max3A_312 : vector<16xi32>, vector<16xi1> -> vector<16xi32>
      %reduce_max3A_317 = arith.xori %reduce_max3A_316, %reduce_max3A_314 : vector<16xi32>
      %reduce_max3A_318 = vector.extract %reduce_max3A_317[15] : i32 from vector<16xi32>
      %jit3A_319 = arith.constant 128 : i32
      %div3A_320 = arith.divsi %reduce_max3A_318, %jit3A_319 : i32
      %sign3A_321 = arith.constant 0 : i32
      %sign3A_322 = arith.cmpi sgt, %reduce_max3A_318, %sign3A_321 : i32
      %sign3A_323 = arith.extui %sign3A_322 : i1 to i32
      %sign3A_324 = arith.constant 0 : i32
      %sign3A_325 = arith.cmpi slt, %reduce_max3A_318, %sign3A_324 : i32
      %sign3A_326 = arith.extui %sign3A_325 : i1 to i32
      %sign3A_327 = arith.subi %sign3A_323, %sign3A_326 : i32
      %sign3A_328 = arith.constant 0 : i32
      %sign3A_329 = arith.cmpi sgt, %jit3A_319, %sign3A_328 : i32
      %sign3A_330 = arith.extui %sign3A_329 : i1 to i32
      %sign3A_331 = arith.constant 0 : i32
      %sign3A_332 = arith.cmpi slt, %jit3A_319, %sign3A_331 : i32
      %sign3A_333 = arith.extui %sign3A_332 : i1 to i32
      %sign3A_334 = arith.subi %sign3A_330, %sign3A_333 : i32
      %ne3A_335 = arith.cmpi ne, %sign3A_327, %sign3A_334 : i32
      %rem3A_336 = arith.remsi %reduce_max3A_318, %jit3A_319 : i32
      %ne3A_337 = arith.constant 0 : i32
      %ne3A_338 = arith.cmpi ne, %rem3A_336, %ne3A_337 : i32
      %and3A_339 = arith.andi %ne3A_335, %ne3A_338 : i1
      %sub3A_340 = arith.constant 1 : i32
      %sub3A_341 = arith.subi %div3A_320, %sub3A_340 : i32
      %select_n3A_342 = arith.select %and3A_339, %sub3A_341, %div3A_320 : i32
      %mul3A_343 = arith.constant 128 : i32
      %mul3A_344 = arith.muli %select_n3A_342, %mul3A_343 : i32
      %sub3A_345 = arith.subi %reduce_max3A_318, %mul3A_344 : i32
      %broadcast_in_dim3A_346 = vector.broadcast %sub3A_345 : i32 to vector<16xi32>
      "tpu.region"() ({
        %run_scoped3A = tpu.sem_alloc : memref<!tpu.dma_semaphore, #tpu.memory_space<semaphore_mem>>
        %dma_start3A = arith.constant 0 : i32
        %dma_start3A_965 = tpu.memref_slice %arg4[%dma_start3A, %mul3A_344] : memref<32x1000000xf32, #tpu.memory_space<hbm>> -> memref<32x128xf32, #tpu.memory_space<hbm>>
        %dma_start3A_966 = arith.constant 0 : i32
        %dma_start3A_967 = tpu.memref_slice %arg4[%dma_start3A_966, %mul3A_344] : memref<32x1000000xf32, #tpu.memory_space<hbm>> -> memref<32x128xf32, #tpu.memory_space<hbm>>
        tpu.enqueue_dma source(%dma_start3A_967 : memref<32x128xf32, #tpu.memory_space<hbm>>) target(%arg9 : memref<32x128xf32, #tpu.memory_space<vmem>>) target_semaphore(%run_scoped3A : memref<!tpu.dma_semaphore, #tpu.memory_space<semaphore_mem>>)
        %dma_wait3A = arith.constant 0 : i32
        %dma_wait3A_968 = tpu.memref_slice %arg4[%dma_wait3A, %mul3A_344] : memref<32x1000000xf32, #tpu.memory_space<hbm>> -> memref<32x128xf32, #tpu.memory_space<hbm>>
        %dma_wait3A_969 = arith.constant 0 : i32
        %dma_wait3A_970 = tpu.memref_slice %arg4[%dma_wait3A_969, %mul3A_344] : memref<32x1000000xf32, #tpu.memory_space<hbm>> -> memref<32x128xf32, #tpu.memory_space<hbm>>
        tpu.wait_dma2 semaphore(%run_scoped3A : memref<!tpu.dma_semaphore, #tpu.memory_space<semaphore_mem>>) src(%dma_wait3A_970 : memref<32x128xf32, #tpu.memory_space<hbm>>) dst(%arg9 : memref<32x128xf32, #tpu.memory_space<vmem>>)
        tpu.yield
      }) : () -> ()
      %mul3A_347 = arith.constant 16 : i32
      %mul3A_348 = arith.muli %scan3A_14, %mul3A_347 : i32
      %add3A_349 = arith.constant 5 : i32
      %add3A_350 = arith.addi %mul3A_348, %add3A_349 : i32
      %add3A_351 = arith.constant 0 : i32
      %add3A_352 = vector.broadcast %add3A_351 : i32 to vector<16xi32>
      %add3A_353 = arith.addi %iota3A, %add3A_352 : vector<16xi32>
      %gather3A_354 = tpu.vector_load_idx %arg9[%add3A_353, %broadcast_in_dim3A_346] : memref<32x128xf32, #tpu.memory_space<vmem>>[vector<16xi32>, vector<16xi32>], vector<16xf32>,
      %swap3A_355 = arith.index_cast %add3A_350 : i32 to index
      %swap3A_356 = arith.constant 0 : index
      %swap3A_357 = tpu.vector_load %arg10[%swap3A_355, %swap3A_356] {strides = array<i32>} : memref<128x32xf32, #tpu.memory_space<vmem>>, vector<16xf32>,
      tpu.vector_store %arg10[%swap3A_355, %swap3A_356], %gather3A_354 {strides = array<i32>} : memref<128x32xf32, #tpu.memory_space<vmem>>, vector<16xf32>,
      %add3A_358 = arith.constant 16 : i32
      %add3A_359 = vector.broadcast %add3A_358 : i32 to vector<16xi32>
      %add3A_360 = arith.addi %iota3A, %add3A_359 : vector<16xi32>
      %gather3A_361 = tpu.vector_load_idx %arg9[%add3A_360, %broadcast_in_dim3A_346] : memref<32x128xf32, #tpu.memory_space<vmem>>[vector<16xi32>, vector<16xi32>], vector<16xf32>,
      %swap3A_362 = arith.index_cast %add3A_350 : i32 to index
      %swap3A_363 = arith.constant 16 : index
      %swap3A_364 = tpu.vector_load %arg10[%swap3A_362, %swap3A_363] {strides = array<i32>} : memref<128x32xf32, #tpu.memory_space<vmem>>, vector<16xf32>,
      tpu.vector_store %arg10[%swap3A_362, %swap3A_363], %gather3A_361 {strides = array<i32>} : memref<128x32xf32, #tpu.memory_space<vmem>>, vector<16xf32>,
      %eq3A_365 = arith.constant 6 : i32
      %eq3A_366 = vector.broadcast %eq3A_365 : i32 to vector<16xi32>
      %eq3A_367 = arith.cmpi eq, %iota3A, %eq3A_366 : vector<16xi32>
      %jit3A_368 = arith.constant 0 : i32
      %broadcast_in_dim3A_369 = vector.broadcast %jit3A_368 : i32 to vector<16xi32>
      %select_n3A_370 = arith.select %eq3A_367, %get3A_17, %broadcast_in_dim3A_369 : vector<16xi1>, vector<16xi32>
      %reduce_max3A_371 = arith.constant true
      %reduce_max3A_372 = vector.broadcast %reduce_max3A_371 : i1 to vector<16xi1>
      %reduce_max3A_373 = arith.constant -2147483648 : i32
      %reduce_max3A_374 = vector.broadcast %reduce_max3A_373 : i32 to vector<16xi32>
      %reduce_max3A_375 = arith.xori %select_n3A_370, %reduce_max3A_374 : vector<16xi32>
      %reduce_max3A_376 = tpu.scan <max>, %reduce_max3A_375 masked %reduce_max3A_372 : vector<16xi32>, vector<16xi1> -> vector<16xi32>
      %reduce_max3A_377 = arith.xori %reduce_max3A_376, %reduce_max3A_374 : vector<16xi32>
      %reduce_max3A_378 = vector.extract %reduce_max3A_377[15] : i32 from vector<16xi32>
      %jit3A_379 = arith.constant 128 : i32
      %div3A_380 = arith.divsi %reduce_max3A_378, %jit3A_379 : i32
      %sign3A_381 = arith.constant 0 : i32
      %sign3A_382 = arith.cmpi sgt, %reduce_max3A_378, %sign3A_381 : i32
      %sign3A_383 = arith.extui %sign3A_382 : i1 to i32
      %sign3A_384 = arith.constant 0 : i32
      %sign3A_385 = arith.cmpi slt, %reduce_max3A_378, %sign3A_384 : i32
      %sign3A_386 = arith.extui %sign3A_385 : i1 to i32
      %sign3A_387 = arith.subi %sign3A_383, %sign3A_386 : i32
      %sign3A_388 = arith.constant 0 : i32
      %sign3A_389 = arith.cmpi sgt, %jit3A_379, %sign3A_388 : i32
      %sign3A_390 = arith.extui %sign3A_389 : i1 to i32
      %sign3A_391 = arith.constant 0 : i32
      %sign3A_392 = arith.cmpi slt, %jit3A_379, %sign3A_391 : i32
      %sign3A_393 = arith.extui %sign3A_392 : i1 to i32
      %sign3A_394 = arith.subi %sign3A_390, %sign3A_393 : i32
      %ne3A_395 = arith.cmpi ne, %sign3A_387, %sign3A_394 : i32
      %rem3A_396 = arith.remsi %reduce_max3A_378, %jit3A_379 : i32
      %ne3A_397 = arith.constant 0 : i32
      %ne3A_398 = arith.cmpi ne, %rem3A_396, %ne3A_397 : i32
      %and3A_399 = arith.andi %ne3A_395, %ne3A_398 : i1
      %sub3A_400 = arith.constant 1 : i32
      %sub3A_401 = arith.subi %div3A_380, %sub3A_400 : i32
      %select_n3A_402 = arith.select %and3A_399, %sub3A_401, %div3A_380 : i32
      %mul3A_403 = arith.constant 128 : i32
      %mul3A_404 = arith.muli %select_n3A_402, %mul3A_403 : i32
      %sub3A_405 = arith.subi %reduce_max3A_378, %mul3A_404 : i32
      %broadcast_in_dim3A_406 = vector.broadcast %sub3A_405 : i32 to vector<16xi32>
      "tpu.region"() ({
        %run_scoped3A = tpu.sem_alloc : memref<!tpu.dma_semaphore, #tpu.memory_space<semaphore_mem>>
        %dma_start3A = arith.constant 0 : i32
        %dma_start3A_965 = tpu.memref_slice %arg4[%dma_start3A, %mul3A_404] : memref<32x1000000xf32, #tpu.memory_space<hbm>> -> memref<32x128xf32, #tpu.memory_space<hbm>>
        %dma_start3A_966 = arith.constant 0 : i32
        %dma_start3A_967 = tpu.memref_slice %arg4[%dma_start3A_966, %mul3A_404] : memref<32x1000000xf32, #tpu.memory_space<hbm>> -> memref<32x128xf32, #tpu.memory_space<hbm>>
        tpu.enqueue_dma source(%dma_start3A_967 : memref<32x128xf32, #tpu.memory_space<hbm>>) target(%arg9 : memref<32x128xf32, #tpu.memory_space<vmem>>) target_semaphore(%run_scoped3A : memref<!tpu.dma_semaphore, #tpu.memory_space<semaphore_mem>>)
        %dma_wait3A = arith.constant 0 : i32
        %dma_wait3A_968 = tpu.memref_slice %arg4[%dma_wait3A, %mul3A_404] : memref<32x1000000xf32, #tpu.memory_space<hbm>> -> memref<32x128xf32, #tpu.memory_space<hbm>>
        %dma_wait3A_969 = arith.constant 0 : i32
        %dma_wait3A_970 = tpu.memref_slice %arg4[%dma_wait3A_969, %mul3A_404] : memref<32x1000000xf32, #tpu.memory_space<hbm>> -> memref<32x128xf32, #tpu.memory_space<hbm>>
        tpu.wait_dma2 semaphore(%run_scoped3A : memref<!tpu.dma_semaphore, #tpu.memory_space<semaphore_mem>>) src(%dma_wait3A_970 : memref<32x128xf32, #tpu.memory_space<hbm>>) dst(%arg9 : memref<32x128xf32, #tpu.memory_space<vmem>>)
        tpu.yield
      }) : () -> ()
      %mul3A_407 = arith.constant 16 : i32
      %mul3A_408 = arith.muli %scan3A_14, %mul3A_407 : i32
      %add3A_409 = arith.constant 6 : i32
      %add3A_410 = arith.addi %mul3A_408, %add3A_409 : i32
      %add3A_411 = arith.constant 0 : i32
      %add3A_412 = vector.broadcast %add3A_411 : i32 to vector<16xi32>
      %add3A_413 = arith.addi %iota3A, %add3A_412 : vector<16xi32>
      %gather3A_414 = tpu.vector_load_idx %arg9[%add3A_413, %broadcast_in_dim3A_406] : memref<32x128xf32, #tpu.memory_space<vmem>>[vector<16xi32>, vector<16xi32>], vector<16xf32>,
      %swap3A_415 = arith.index_cast %add3A_410 : i32 to index
      %swap3A_416 = arith.constant 0 : index
      %swap3A_417 = tpu.vector_load %arg10[%swap3A_415, %swap3A_416] {strides = array<i32>} : memref<128x32xf32, #tpu.memory_space<vmem>>, vector<16xf32>,
      tpu.vector_store %arg10[%swap3A_415, %swap3A_416], %gather3A_414 {strides = array<i32>} : memref<128x32xf32, #tpu.memory_space<vmem>>, vector<16xf32>,
      %add3A_418 = arith.constant 16 : i32
      %add3A_419 = vector.broadcast %add3A_418 : i32 to vector<16xi32>
      %add3A_420 = arith.addi %iota3A, %add3A_419 : vector<16xi32>
      %gather3A_421 = tpu.vector_load_idx %arg9[%add3A_420, %broadcast_in_dim3A_406] : memref<32x128xf32, #tpu.memory_space<vmem>>[vector<16xi32>, vector<16xi32>], vector<16xf32>,
      %swap3A_422 = arith.index_cast %add3A_410 : i32 to index
      %swap3A_423 = arith.constant 16 : index
      %swap3A_424 = tpu.vector_load %arg10[%swap3A_422, %swap3A_423] {strides = array<i32>} : memref<128x32xf32, #tpu.memory_space<vmem>>, vector<16xf32>,
      tpu.vector_store %arg10[%swap3A_422, %swap3A_423], %gather3A_421 {strides = array<i32>} : memref<128x32xf32, #tpu.memory_space<vmem>>, vector<16xf32>,
      %eq3A_425 = arith.constant 7 : i32
      %eq3A_426 = vector.broadcast %eq3A_425 : i32 to vector<16xi32>
      %eq3A_427 = arith.cmpi eq, %iota3A, %eq3A_426 : vector<16xi32>
      %jit3A_428 = arith.constant 0 : i32
      %broadcast_in_dim3A_429 = vector.broadcast %jit3A_428 : i32 to vector<16xi32>
      %select_n3A_430 = arith.select %eq3A_427, %get3A_17, %broadcast_in_dim3A_429 : vector<16xi1>, vector<16xi32>
      %reduce_max3A_431 = arith.constant true
      %reduce_max3A_432 = vector.broadcast %reduce_max3A_431 : i1 to vector<16xi1>
      %reduce_max3A_433 = arith.constant -2147483648 : i32
      %reduce_max3A_434 = vector.broadcast %reduce_max3A_433 : i32 to vector<16xi32>
      %reduce_max3A_435 = arith.xori %select_n3A_430, %reduce_max3A_434 : vector<16xi32>
      %reduce_max3A_436 = tpu.scan <max>, %reduce_max3A_435 masked %reduce_max3A_432 : vector<16xi32>, vector<16xi1> -> vector<16xi32>
      %reduce_max3A_437 = arith.xori %reduce_max3A_436, %reduce_max3A_434 : vector<16xi32>
      %reduce_max3A_438 = vector.extract %reduce_max3A_437[15] : i32 from vector<16xi32>
      %jit3A_439 = arith.constant 128 : i32
      %div3A_440 = arith.divsi %reduce_max3A_438, %jit3A_439 : i32
      %sign3A_441 = arith.constant 0 : i32
      %sign3A_442 = arith.cmpi sgt, %reduce_max3A_438, %sign3A_441 : i32
      %sign3A_443 = arith.extui %sign3A_442 : i1 to i32
      %sign3A_444 = arith.constant 0 : i32
      %sign3A_445 = arith.cmpi slt, %reduce_max3A_438, %sign3A_444 : i32
      %sign3A_446 = arith.extui %sign3A_445 : i1 to i32
      %sign3A_447 = arith.subi %sign3A_443, %sign3A_446 : i32
      %sign3A_448 = arith.constant 0 : i32
      %sign3A_449 = arith.cmpi sgt, %jit3A_439, %sign3A_448 : i32
      %sign3A_450 = arith.extui %sign3A_449 : i1 to i32
      %sign3A_451 = arith.constant 0 : i32
      %sign3A_452 = arith.cmpi slt, %jit3A_439, %sign3A_451 : i32
      %sign3A_453 = arith.extui %sign3A_452 : i1 to i32
      %sign3A_454 = arith.subi %sign3A_450, %sign3A_453 : i32
      %ne3A_455 = arith.cmpi ne, %sign3A_447, %sign3A_454 : i32
      %rem3A_456 = arith.remsi %reduce_max3A_438, %jit3A_439 : i32
      %ne3A_457 = arith.constant 0 : i32
      %ne3A_458 = arith.cmpi ne, %rem3A_456, %ne3A_457 : i32
      %and3A_459 = arith.andi %ne3A_455, %ne3A_458 : i1
      %sub3A_460 = arith.constant 1 : i32
      %sub3A_461 = arith.subi %div3A_440, %sub3A_460 : i32
      %select_n3A_462 = arith.select %and3A_459, %sub3A_461, %div3A_440 : i32
      %mul3A_463 = arith.constant 128 : i32
      %mul3A_464 = arith.muli %select_n3A_462, %mul3A_463 : i32
      %sub3A_465 = arith.subi %reduce_max3A_438, %mul3A_464 : i32
      %broadcast_in_dim3A_466 = vector.broadcast %sub3A_465 : i32 to vector<16xi32>
      "tpu.region"() ({
        %run_scoped3A = tpu.sem_alloc : memref<!tpu.dma_semaphore, #tpu.memory_space<semaphore_mem>>
        %dma_start3A = arith.constant 0 : i32
        %dma_start3A_965 = tpu.memref_slice %arg4[%dma_start3A, %mul3A_464] : memref<32x1000000xf32, #tpu.memory_space<hbm>> -> memref<32x128xf32, #tpu.memory_space<hbm>>
        %dma_start3A_966 = arith.constant 0 : i32
        %dma_start3A_967 = tpu.memref_slice %arg4[%dma_start3A_966, %mul3A_464] : memref<32x1000000xf32, #tpu.memory_space<hbm>> -> memref<32x128xf32, #tpu.memory_space<hbm>>
        tpu.enqueue_dma source(%dma_start3A_967 : memref<32x128xf32, #tpu.memory_space<hbm>>) target(%arg9 : memref<32x128xf32, #tpu.memory_space<vmem>>) target_semaphore(%run_scoped3A : memref<!tpu.dma_semaphore, #tpu.memory_space<semaphore_mem>>)
        %dma_wait3A = arith.constant 0 : i32
        %dma_wait3A_968 = tpu.memref_slice %arg4[%dma_wait3A, %mul3A_464] : memref<32x1000000xf32, #tpu.memory_space<hbm>> -> memref<32x128xf32, #tpu.memory_space<hbm>>
        %dma_wait3A_969 = arith.constant 0 : i32
        %dma_wait3A_970 = tpu.memref_slice %arg4[%dma_wait3A_969, %mul3A_464] : memref<32x1000000xf32, #tpu.memory_space<hbm>> -> memref<32x128xf32, #tpu.memory_space<hbm>>
        tpu.wait_dma2 semaphore(%run_scoped3A : memref<!tpu.dma_semaphore, #tpu.memory_space<semaphore_mem>>) src(%dma_wait3A_970 : memref<32x128xf32, #tpu.memory_space<hbm>>) dst(%arg9 : memref<32x128xf32, #tpu.memory_space<vmem>>)
        tpu.yield
      }) : () -> ()
      %mul3A_467 = arith.constant 16 : i32
      %mul3A_468 = arith.muli %scan3A_14, %mul3A_467 : i32
      %add3A_469 = arith.constant 7 : i32
      %add3A_470 = arith.addi %mul3A_468, %add3A_469 : i32
      %add3A_471 = arith.constant 0 : i32
      %add3A_472 = vector.broadcast %add3A_471 : i32 to vector<16xi32>
      %add3A_473 = arith.addi %iota3A, %add3A_472 : vector<16xi32>
      %gather3A_474 = tpu.vector_load_idx %arg9[%add3A_473, %broadcast_in_dim3A_466] : memref<32x128xf32, #tpu.memory_space<vmem>>[vector<16xi32>, vector<16xi32>], vector<16xf32>,
      %swap3A_475 = arith.index_cast %add3A_470 : i32 to index
      %swap3A_476 = arith.constant 0 : index
      %swap3A_477 = tpu.vector_load %arg10[%swap3A_475, %swap3A_476] {strides = array<i32>} : memref<128x32xf32, #tpu.memory_space<vmem>>, vector<16xf32>,
      tpu.vector_store %arg10[%swap3A_475, %swap3A_476], %gather3A_474 {strides = array<i32>} : memref<128x32xf32, #tpu.memory_space<vmem>>, vector<16xf32>,
      %add3A_478 = arith.constant 16 : i32
      %add3A_479 = vector.broadcast %add3A_478 : i32 to vector<16xi32>
      %add3A_480 = arith.addi %iota3A, %add3A_479 : vector<16xi32>
      %gather3A_481 = tpu.vector_load_idx %arg9[%add3A_480, %broadcast_in_dim3A_466] : memref<32x128xf32, #tpu.memory_space<vmem>>[vector<16xi32>, vector<16xi32>], vector<16xf32>,
      %swap3A_482 = arith.index_cast %add3A_470 : i32 to index
      %swap3A_483 = arith.constant 16 : index
      %swap3A_484 = tpu.vector_load %arg10[%swap3A_482, %swap3A_483] {strides = array<i32>} : memref<128x32xf32, #tpu.memory_space<vmem>>, vector<16xf32>,
      tpu.vector_store %arg10[%swap3A_482, %swap3A_483], %gather3A_481 {strides = array<i32>} : memref<128x32xf32, #tpu.memory_space<vmem>>, vector<16xf32>,
      %eq3A_485 = arith.constant 8 : i32
      %eq3A_486 = vector.broadcast %eq3A_485 : i32 to vector<16xi32>
      %eq3A_487 = arith.cmpi eq, %iota3A, %eq3A_486 : vector<16xi32>
      %jit3A_488 = arith.constant 0 : i32
      %broadcast_in_dim3A_489 = vector.broadcast %jit3A_488 : i32 to vector<16xi32>
      %select_n3A_490 = arith.select %eq3A_487, %get3A_17, %broadcast_in_dim3A_489 : vector<16xi1>, vector<16xi32>
      %reduce_max3A_491 = arith.constant true
      %reduce_max3A_492 = vector.broadcast %reduce_max3A_491 : i1 to vector<16xi1>
      %reduce_max3A_493 = arith.constant -2147483648 : i32
      %reduce_max3A_494 = vector.broadcast %reduce_max3A_493 : i32 to vector<16xi32>
      %reduce_max3A_495 = arith.xori %select_n3A_490, %reduce_max3A_494 : vector<16xi32>
      %reduce_max3A_496 = tpu.scan <max>, %reduce_max3A_495 masked %reduce_max3A_492 : vector<16xi32>, vector<16xi1> -> vector<16xi32>
      %reduce_max3A_497 = arith.xori %reduce_max3A_496, %reduce_max3A_494 : vector<16xi32>
      %reduce_max3A_498 = vector.extract %reduce_max3A_497[15] : i32 from vector<16xi32>
      %jit3A_499 = arith.constant 128 : i32
      %div3A_500 = arith.divsi %reduce_max3A_498, %jit3A_499 : i32
      %sign3A_501 = arith.constant 0 : i32
      %sign3A_502 = arith.cmpi sgt, %reduce_max3A_498, %sign3A_501 : i32
      %sign3A_503 = arith.extui %sign3A_502 : i1 to i32
      %sign3A_504 = arith.constant 0 : i32
      %sign3A_505 = arith.cmpi slt, %reduce_max3A_498, %sign3A_504 : i32
      %sign3A_506 = arith.extui %sign3A_505 : i1 to i32
      %sign3A_507 = arith.subi %sign3A_503, %sign3A_506 : i32
      %sign3A_508 = arith.constant 0 : i32
      %sign3A_509 = arith.cmpi sgt, %jit3A_499, %sign3A_508 : i32
      %sign3A_510 = arith.extui %sign3A_509 : i1 to i32
      %sign3A_511 = arith.constant 0 : i32
      %sign3A_512 = arith.cmpi slt, %jit3A_499, %sign3A_511 : i32
      %sign3A_513 = arith.extui %sign3A_512 : i1 to i32
      %sign3A_514 = arith.subi %sign3A_510, %sign3A_513 : i32
      %ne3A_515 = arith.cmpi ne, %sign3A_507, %sign3A_514 : i32
      %rem3A_516 = arith.remsi %reduce_max3A_498, %jit3A_499 : i32
      %ne3A_517 = arith.constant 0 : i32
      %ne3A_518 = arith.cmpi ne, %rem3A_516, %ne3A_517 : i32
      %and3A_519 = arith.andi %ne3A_515, %ne3A_518 : i1
      %sub3A_520 = arith.constant 1 : i32
      %sub3A_521 = arith.subi %div3A_500, %sub3A_520 : i32
      %select_n3A_522 = arith.select %and3A_519, %sub3A_521, %div3A_500 : i32
      %mul3A_523 = arith.constant 128 : i32
      %mul3A_524 = arith.muli %select_n3A_522, %mul3A_523 : i32
      %sub3A_525 = arith.subi %reduce_max3A_498, %mul3A_524 : i32
      %broadcast_in_dim3A_526 = vector.broadcast %sub3A_525 : i32 to vector<16xi32>
      "tpu.region"() ({
        %run_scoped3A = tpu.sem_alloc : memref<!tpu.dma_semaphore, #tpu.memory_space<semaphore_mem>>
        %dma_start3A = arith.constant 0 : i32
        %dma_start3A_965 = tpu.memref_slice %arg4[%dma_start3A, %mul3A_524] : memref<32x1000000xf32, #tpu.memory_space<hbm>> -> memref<32x128xf32, #tpu.memory_space<hbm>>
        %dma_start3A_966 = arith.constant 0 : i32
        %dma_start3A_967 = tpu.memref_slice %arg4[%dma_start3A_966, %mul3A_524] : memref<32x1000000xf32, #tpu.memory_space<hbm>> -> memref<32x128xf32, #tpu.memory_space<hbm>>
        tpu.enqueue_dma source(%dma_start3A_967 : memref<32x128xf32, #tpu.memory_space<hbm>>) target(%arg9 : memref<32x128xf32, #tpu.memory_space<vmem>>) target_semaphore(%run_scoped3A : memref<!tpu.dma_semaphore, #tpu.memory_space<semaphore_mem>>)
        %dma_wait3A = arith.constant 0 : i32
        %dma_wait3A_968 = tpu.memref_slice %arg4[%dma_wait3A, %mul3A_524] : memref<32x1000000xf32, #tpu.memory_space<hbm>> -> memref<32x128xf32, #tpu.memory_space<hbm>>
        %dma_wait3A_969 = arith.constant 0 : i32
        %dma_wait3A_970 = tpu.memref_slice %arg4[%dma_wait3A_969, %mul3A_524] : memref<32x1000000xf32, #tpu.memory_space<hbm>> -> memref<32x128xf32, #tpu.memory_space<hbm>>
        tpu.wait_dma2 semaphore(%run_scoped3A : memref<!tpu.dma_semaphore, #tpu.memory_space<semaphore_mem>>) src(%dma_wait3A_970 : memref<32x128xf32, #tpu.memory_space<hbm>>) dst(%arg9 : memref<32x128xf32, #tpu.memory_space<vmem>>)
        tpu.yield
      }) : () -> ()
      %mul3A_527 = arith.constant 16 : i32
      %mul3A_528 = arith.muli %scan3A_14, %mul3A_527 : i32
      %add3A_529 = arith.constant 8 : i32
      %add3A_530 = arith.addi %mul3A_528, %add3A_529 : i32
      %add3A_531 = arith.constant 0 : i32
      %add3A_532 = vector.broadcast %add3A_531 : i32 to vector<16xi32>
      %add3A_533 = arith.addi %iota3A, %add3A_532 : vector<16xi32>
      %gather3A_534 = tpu.vector_load_idx %arg9[%add3A_533, %broadcast_in_dim3A_526] : memref<32x128xf32, #tpu.memory_space<vmem>>[vector<16xi32>, vector<16xi32>], vector<16xf32>,
      %swap3A_535 = arith.index_cast %add3A_530 : i32 to index
      %swap3A_536 = arith.constant 0 : index
      %swap3A_537 = tpu.vector_load %arg10[%swap3A_535, %swap3A_536] {strides = array<i32>} : memref<128x32xf32, #tpu.memory_space<vmem>>, vector<16xf32>,
      tpu.vector_store %arg10[%swap3A_535, %swap3A_536], %gather3A_534 {strides = array<i32>} : memref<128x32xf32, #tpu.memory_space<vmem>>, vector<16xf32>,
      %add3A_538 = arith.constant 16 : i32
      %add3A_539 = vector.broadcast %add3A_538 : i32 to vector<16xi32>
      %add3A_540 = arith.addi %iota3A, %add3A_539 : vector<16xi32>
      %gather3A_541 = tpu.vector_load_idx %arg9[%add3A_540, %broadcast_in_dim3A_526] : memref<32x128xf32, #tpu.memory_space<vmem>>[vector<16xi32>, vector<16xi32>], vector<16xf32>,
      %swap3A_542 = arith.index_cast %add3A_530 : i32 to index
      %swap3A_543 = arith.constant 16 : index
      %swap3A_544 = tpu.vector_load %arg10[%swap3A_542, %swap3A_543] {strides = array<i32>} : memref<128x32xf32, #tpu.memory_space<vmem>>, vector<16xf32>,
      tpu.vector_store %arg10[%swap3A_542, %swap3A_543], %gather3A_541 {strides = array<i32>} : memref<128x32xf32, #tpu.memory_space<vmem>>, vector<16xf32>,
      %eq3A_545 = arith.constant 9 : i32
      %eq3A_546 = vector.broadcast %eq3A_545 : i32 to vector<16xi32>
      %eq3A_547 = arith.cmpi eq, %iota3A, %eq3A_546 : vector<16xi32>
      %jit3A_548 = arith.constant 0 : i32
      %broadcast_in_dim3A_549 = vector.broadcast %jit3A_548 : i32 to vector<16xi32>
      %select_n3A_550 = arith.select %eq3A_547, %get3A_17, %broadcast_in_dim3A_549 : vector<16xi1>, vector<16xi32>
      %reduce_max3A_551 = arith.constant true
      %reduce_max3A_552 = vector.broadcast %reduce_max3A_551 : i1 to vector<16xi1>
      %reduce_max3A_553 = arith.constant -2147483648 : i32
      %reduce_max3A_554 = vector.broadcast %reduce_max3A_553 : i32 to vector<16xi32>
      %reduce_max3A_555 = arith.xori %select_n3A_550, %reduce_max3A_554 : vector<16xi32>
      %reduce_max3A_556 = tpu.scan <max>, %reduce_max3A_555 masked %reduce_max3A_552 : vector<16xi32>, vector<16xi1> -> vector<16xi32>
      %reduce_max3A_557 = arith.xori %reduce_max3A_556, %reduce_max3A_554 : vector<16xi32>
      %reduce_max3A_558 = vector.extract %reduce_max3A_557[15] : i32 from vector<16xi32>
      %jit3A_559 = arith.constant 128 : i32
      %div3A_560 = arith.divsi %reduce_max3A_558, %jit3A_559 : i32
      %sign3A_561 = arith.constant 0 : i32
      %sign3A_562 = arith.cmpi sgt, %reduce_max3A_558, %sign3A_561 : i32
      %sign3A_563 = arith.extui %sign3A_562 : i1 to i32
      %sign3A_564 = arith.constant 0 : i32
      %sign3A_565 = arith.cmpi slt, %reduce_max3A_558, %sign3A_564 : i32
      %sign3A_566 = arith.extui %sign3A_565 : i1 to i32
      %sign3A_567 = arith.subi %sign3A_563, %sign3A_566 : i32
      %sign3A_568 = arith.constant 0 : i32
      %sign3A_569 = arith.cmpi sgt, %jit3A_559, %sign3A_568 : i32
      %sign3A_570 = arith.extui %sign3A_569 : i1 to i32
      %sign3A_571 = arith.constant 0 : i32
      %sign3A_572 = arith.cmpi slt, %jit3A_559, %sign3A_571 : i32
      %sign3A_573 = arith.extui %sign3A_572 : i1 to i32
      %sign3A_574 = arith.subi %sign3A_570, %sign3A_573 : i32
      %ne3A_575 = arith.cmpi ne, %sign3A_567, %sign3A_574 : i32
      %rem3A_576 = arith.remsi %reduce_max3A_558, %jit3A_559 : i32
      %ne3A_577 = arith.constant 0 : i32
      %ne3A_578 = arith.cmpi ne, %rem3A_576, %ne3A_577 : i32
      %and3A_579 = arith.andi %ne3A_575, %ne3A_578 : i1
      %sub3A_580 = arith.constant 1 : i32
      %sub3A_581 = arith.subi %div3A_560, %sub3A_580 : i32
      %select_n3A_582 = arith.select %and3A_579, %sub3A_581, %div3A_560 : i32
      %mul3A_583 = arith.constant 128 : i32
      %mul3A_584 = arith.muli %select_n3A_582, %mul3A_583 : i32
      %sub3A_585 = arith.subi %reduce_max3A_558, %mul3A_584 : i32
      %broadcast_in_dim3A_586 = vector.broadcast %sub3A_585 : i32 to vector<16xi32>
      "tpu.region"() ({
        %run_scoped3A = tpu.sem_alloc : memref<!tpu.dma_semaphore, #tpu.memory_space<semaphore_mem>>
        %dma_start3A = arith.constant 0 : i32
        %dma_start3A_965 = tpu.memref_slice %arg4[%dma_start3A, %mul3A_584] : memref<32x1000000xf32, #tpu.memory_space<hbm>> -> memref<32x128xf32, #tpu.memory_space<hbm>>
        %dma_start3A_966 = arith.constant 0 : i32
        %dma_start3A_967 = tpu.memref_slice %arg4[%dma_start3A_966, %mul3A_584] : memref<32x1000000xf32, #tpu.memory_space<hbm>> -> memref<32x128xf32, #tpu.memory_space<hbm>>
        tpu.enqueue_dma source(%dma_start3A_967 : memref<32x128xf32, #tpu.memory_space<hbm>>) target(%arg9 : memref<32x128xf32, #tpu.memory_space<vmem>>) target_semaphore(%run_scoped3A : memref<!tpu.dma_semaphore, #tpu.memory_space<semaphore_mem>>)
        %dma_wait3A = arith.constant 0 : i32
        %dma_wait3A_968 = tpu.memref_slice %arg4[%dma_wait3A, %mul3A_584] : memref<32x1000000xf32, #tpu.memory_space<hbm>> -> memref<32x128xf32, #tpu.memory_space<hbm>>
        %dma_wait3A_969 = arith.constant 0 : i32
        %dma_wait3A_970 = tpu.memref_slice %arg4[%dma_wait3A_969, %mul3A_584] : memref<32x1000000xf32, #tpu.memory_space<hbm>> -> memref<32x128xf32, #tpu.memory_space<hbm>>
        tpu.wait_dma2 semaphore(%run_scoped3A : memref<!tpu.dma_semaphore, #tpu.memory_space<semaphore_mem>>) src(%dma_wait3A_970 : memref<32x128xf32, #tpu.memory_space<hbm>>) dst(%arg9 : memref<32x128xf32, #tpu.memory_space<vmem>>)
        tpu.yield
      }) : () -> ()
      %mul3A_587 = arith.constant 16 : i32
      %mul3A_588 = arith.muli %scan3A_14, %mul3A_587 : i32
      %add3A_589 = arith.constant 9 : i32
      %add3A_590 = arith.addi %mul3A_588, %add3A_589 : i32
      %add3A_591 = arith.constant 0 : i32
      %add3A_592 = vector.broadcast %add3A_591 : i32 to vector<16xi32>
      %add3A_593 = arith.addi %iota3A, %add3A_592 : vector<16xi32>
      %gather3A_594 = tpu.vector_load_idx %arg9[%add3A_593, %broadcast_in_dim3A_586] : memref<32x128xf32, #tpu.memory_space<vmem>>[vector<16xi32>, vector<16xi32>], vector<16xf32>,
      %swap3A_595 = arith.index_cast %add3A_590 : i32 to index
      %swap3A_596 = arith.constant 0 : index
      %swap3A_597 = tpu.vector_load %arg10[%swap3A_595, %swap3A_596] {strides = array<i32>} : memref<128x32xf32, #tpu.memory_space<vmem>>, vector<16xf32>,
      tpu.vector_store %arg10[%swap3A_595, %swap3A_596], %gather3A_594 {strides = array<i32>} : memref<128x32xf32, #tpu.memory_space<vmem>>, vector<16xf32>,
      %add3A_598 = arith.constant 16 : i32
      %add3A_599 = vector.broadcast %add3A_598 : i32 to vector<16xi32>
      %add3A_600 = arith.addi %iota3A, %add3A_599 : vector<16xi32>
      %gather3A_601 = tpu.vector_load_idx %arg9[%add3A_600, %broadcast_in_dim3A_586] : memref<32x128xf32, #tpu.memory_space<vmem>>[vector<16xi32>, vector<16xi32>], vector<16xf32>,
      %swap3A_602 = arith.index_cast %add3A_590 : i32 to index
      %swap3A_603 = arith.constant 16 : index
      %swap3A_604 = tpu.vector_load %arg10[%swap3A_602, %swap3A_603] {strides = array<i32>} : memref<128x32xf32, #tpu.memory_space<vmem>>, vector<16xf32>,
      tpu.vector_store %arg10[%swap3A_602, %swap3A_603], %gather3A_601 {strides = array<i32>} : memref<128x32xf32, #tpu.memory_space<vmem>>, vector<16xf32>,
      %eq3A_605 = arith.constant 10 : i32
      %eq3A_606 = vector.broadcast %eq3A_605 : i32 to vector<16xi32>
      %eq3A_607 = arith.cmpi eq, %iota3A, %eq3A_606 : vector<16xi32>
      %jit3A_608 = arith.constant 0 : i32
      %broadcast_in_dim3A_609 = vector.broadcast %jit3A_608 : i32 to vector<16xi32>
      %select_n3A_610 = arith.select %eq3A_607, %get3A_17, %broadcast_in_dim3A_609 : vector<16xi1>, vector<16xi32>
      %reduce_max3A_611 = arith.constant true
      %reduce_max3A_612 = vector.broadcast %reduce_max3A_611 : i1 to vector<16xi1>
      %reduce_max3A_613 = arith.constant -2147483648 : i32
      %reduce_max3A_614 = vector.broadcast %reduce_max3A_613 : i32 to vector<16xi32>
      %reduce_max3A_615 = arith.xori %select_n3A_610, %reduce_max3A_614 : vector<16xi32>
      %reduce_max3A_616 = tpu.scan <max>, %reduce_max3A_615 masked %reduce_max3A_612 : vector<16xi32>, vector<16xi1> -> vector<16xi32>
      %reduce_max3A_617 = arith.xori %reduce_max3A_616, %reduce_max3A_614 : vector<16xi32>
      %reduce_max3A_618 = vector.extract %reduce_max3A_617[15] : i32 from vector<16xi32>
      %jit3A_619 = arith.constant 128 : i32
      %div3A_620 = arith.divsi %reduce_max3A_618, %jit3A_619 : i32
      %sign3A_621 = arith.constant 0 : i32
      %sign3A_622 = arith.cmpi sgt, %reduce_max3A_618, %sign3A_621 : i32
      %sign3A_623 = arith.extui %sign3A_622 : i1 to i32
      %sign3A_624 = arith.constant 0 : i32
      %sign3A_625 = arith.cmpi slt, %reduce_max3A_618, %sign3A_624 : i32
      %sign3A_626 = arith.extui %sign3A_625 : i1 to i32
      %sign3A_627 = arith.subi %sign3A_623, %sign3A_626 : i32
      %sign3A_628 = arith.constant 0 : i32
      %sign3A_629 = arith.cmpi sgt, %jit3A_619, %sign3A_628 : i32
      %sign3A_630 = arith.extui %sign3A_629 : i1 to i32
      %sign3A_631 = arith.constant 0 : i32
      %sign3A_632 = arith.cmpi slt, %jit3A_619, %sign3A_631 : i32
      %sign3A_633 = arith.extui %sign3A_632 : i1 to i32
      %sign3A_634 = arith.subi %sign3A_630, %sign3A_633 : i32
      %ne3A_635 = arith.cmpi ne, %sign3A_627, %sign3A_634 : i32
      %rem3A_636 = arith.remsi %reduce_max3A_618, %jit3A_619 : i32
      %ne3A_637 = arith.constant 0 : i32
      %ne3A_638 = arith.cmpi ne, %rem3A_636, %ne3A_637 : i32
      %and3A_639 = arith.andi %ne3A_635, %ne3A_638 : i1
      %sub3A_640 = arith.constant 1 : i32
      %sub3A_641 = arith.subi %div3A_620, %sub3A_640 : i32
      %select_n3A_642 = arith.select %and3A_639, %sub3A_641, %div3A_620 : i32
      %mul3A_643 = arith.constant 128 : i32
      %mul3A_644 = arith.muli %select_n3A_642, %mul3A_643 : i32
      %sub3A_645 = arith.subi %reduce_max3A_618, %mul3A_644 : i32
      %broadcast_in_dim3A_646 = vector.broadcast %sub3A_645 : i32 to vector<16xi32>
      "tpu.region"() ({
        %run_scoped3A = tpu.sem_alloc : memref<!tpu.dma_semaphore, #tpu.memory_space<semaphore_mem>>
        %dma_start3A = arith.constant 0 : i32
        %dma_start3A_965 = tpu.memref_slice %arg4[%dma_start3A, %mul3A_644] : memref<32x1000000xf32, #tpu.memory_space<hbm>> -> memref<32x128xf32, #tpu.memory_space<hbm>>
        %dma_start3A_966 = arith.constant 0 : i32
        %dma_start3A_967 = tpu.memref_slice %arg4[%dma_start3A_966, %mul3A_644] : memref<32x1000000xf32, #tpu.memory_space<hbm>> -> memref<32x128xf32, #tpu.memory_space<hbm>>
        tpu.enqueue_dma source(%dma_start3A_967 : memref<32x128xf32, #tpu.memory_space<hbm>>) target(%arg9 : memref<32x128xf32, #tpu.memory_space<vmem>>) target_semaphore(%run_scoped3A : memref<!tpu.dma_semaphore, #tpu.memory_space<semaphore_mem>>)
        %dma_wait3A = arith.constant 0 : i32
        %dma_wait3A_968 = tpu.memref_slice %arg4[%dma_wait3A, %mul3A_644] : memref<32x1000000xf32, #tpu.memory_space<hbm>> -> memref<32x128xf32, #tpu.memory_space<hbm>>
        %dma_wait3A_969 = arith.constant 0 : i32
        %dma_wait3A_970 = tpu.memref_slice %arg4[%dma_wait3A_969, %mul3A_644] : memref<32x1000000xf32, #tpu.memory_space<hbm>> -> memref<32x128xf32, #tpu.memory_space<hbm>>
        tpu.wait_dma2 semaphore(%run_scoped3A : memref<!tpu.dma_semaphore, #tpu.memory_space<semaphore_mem>>) src(%dma_wait3A_970 : memref<32x128xf32, #tpu.memory_space<hbm>>) dst(%arg9 : memref<32x128xf32, #tpu.memory_space<vmem>>)
        tpu.yield
      }) : () -> ()
      %mul3A_647 = arith.constant 16 : i32
      %mul3A_648 = arith.muli %scan3A_14, %mul3A_647 : i32
      %add3A_649 = arith.constant 10 : i32
      %add3A_650 = arith.addi %mul3A_648, %add3A_649 : i32
      %add3A_651 = arith.constant 0 : i32
      %add3A_652 = vector.broadcast %add3A_651 : i32 to vector<16xi32>
      %add3A_653 = arith.addi %iota3A, %add3A_652 : vector<16xi32>
      %gather3A_654 = tpu.vector_load_idx %arg9[%add3A_653, %broadcast_in_dim3A_646] : memref<32x128xf32, #tpu.memory_space<vmem>>[vector<16xi32>, vector<16xi32>], vector<16xf32>,
      %swap3A_655 = arith.index_cast %add3A_650 : i32 to index
      %swap3A_656 = arith.constant 0 : index
      %swap3A_657 = tpu.vector_load %arg10[%swap3A_655, %swap3A_656] {strides = array<i32>} : memref<128x32xf32, #tpu.memory_space<vmem>>, vector<16xf32>,
      tpu.vector_store %arg10[%swap3A_655, %swap3A_656], %gather3A_654 {strides = array<i32>} : memref<128x32xf32, #tpu.memory_space<vmem>>, vector<16xf32>,
      %add3A_658 = arith.constant 16 : i32
      %add3A_659 = vector.broadcast %add3A_658 : i32 to vector<16xi32>
      %add3A_660 = arith.addi %iota3A, %add3A_659 : vector<16xi32>
      %gather3A_661 = tpu.vector_load_idx %arg9[%add3A_660, %broadcast_in_dim3A_646] : memref<32x128xf32, #tpu.memory_space<vmem>>[vector<16xi32>, vector<16xi32>], vector<16xf32>,
      %swap3A_662 = arith.index_cast %add3A_650 : i32 to index
      %swap3A_663 = arith.constant 16 : index
      %swap3A_664 = tpu.vector_load %arg10[%swap3A_662, %swap3A_663] {strides = array<i32>} : memref<128x32xf32, #tpu.memory_space<vmem>>, vector<16xf32>,
      tpu.vector_store %arg10[%swap3A_662, %swap3A_663], %gather3A_661 {strides = array<i32>} : memref<128x32xf32, #tpu.memory_space<vmem>>, vector<16xf32>,
      %eq3A_665 = arith.constant 11 : i32
      %eq3A_666 = vector.broadcast %eq3A_665 : i32 to vector<16xi32>
      %eq3A_667 = arith.cmpi eq, %iota3A, %eq3A_666 : vector<16xi32>
      %jit3A_668 = arith.constant 0 : i32
      %broadcast_in_dim3A_669 = vector.broadcast %jit3A_668 : i32 to vector<16xi32>
      %select_n3A_670 = arith.select %eq3A_667, %get3A_17, %broadcast_in_dim3A_669 : vector<16xi1>, vector<16xi32>
      %reduce_max3A_671 = arith.constant true
      %reduce_max3A_672 = vector.broadcast %reduce_max3A_671 : i1 to vector<16xi1>
      %reduce_max3A_673 = arith.constant -2147483648 : i32
      %reduce_max3A_674 = vector.broadcast %reduce_max3A_673 : i32 to vector<16xi32>
      %reduce_max3A_675 = arith.xori %select_n3A_670, %reduce_max3A_674 : vector<16xi32>
      %reduce_max3A_676 = tpu.scan <max>, %reduce_max3A_675 masked %reduce_max3A_672 : vector<16xi32>, vector<16xi1> -> vector<16xi32>
      %reduce_max3A_677 = arith.xori %reduce_max3A_676, %reduce_max3A_674 : vector<16xi32>
      %reduce_max3A_678 = vector.extract %reduce_max3A_677[15] : i32 from vector<16xi32>
      %jit3A_679 = arith.constant 128 : i32
      %div3A_680 = arith.divsi %reduce_max3A_678, %jit3A_679 : i32
      %sign3A_681 = arith.constant 0 : i32
      %sign3A_682 = arith.cmpi sgt, %reduce_max3A_678, %sign3A_681 : i32
      %sign3A_683 = arith.extui %sign3A_682 : i1 to i32
      %sign3A_684 = arith.constant 0 : i32
      %sign3A_685 = arith.cmpi slt, %reduce_max3A_678, %sign3A_684 : i32
      %sign3A_686 = arith.extui %sign3A_685 : i1 to i32
      %sign3A_687 = arith.subi %sign3A_683, %sign3A_686 : i32
      %sign3A_688 = arith.constant 0 : i32
      %sign3A_689 = arith.cmpi sgt, %jit3A_679, %sign3A_688 : i32
      %sign3A_690 = arith.extui %sign3A_689 : i1 to i32
      %sign3A_691 = arith.constant 0 : i32
      %sign3A_692 = arith.cmpi slt, %jit3A_679, %sign3A_691 : i32
      %sign3A_693 = arith.extui %sign3A_692 : i1 to i32
      %sign3A_694 = arith.subi %sign3A_690, %sign3A_693 : i32
      %ne3A_695 = arith.cmpi ne, %sign3A_687, %sign3A_694 : i32
      %rem3A_696 = arith.remsi %reduce_max3A_678, %jit3A_679 : i32
      %ne3A_697 = arith.constant 0 : i32
      %ne3A_698 = arith.cmpi ne, %rem3A_696, %ne3A_697 : i32
      %and3A_699 = arith.andi %ne3A_695, %ne3A_698 : i1
      %sub3A_700 = arith.constant 1 : i32
      %sub3A_701 = arith.subi %div3A_680, %sub3A_700 : i32
      %select_n3A_702 = arith.select %and3A_699, %sub3A_701, %div3A_680 : i32
      %mul3A_703 = arith.constant 128 : i32
      %mul3A_704 = arith.muli %select_n3A_702, %mul3A_703 : i32
      %sub3A_705 = arith.subi %reduce_max3A_678, %mul3A_704 : i32
      %broadcast_in_dim3A_706 = vector.broadcast %sub3A_705 : i32 to vector<16xi32>
      "tpu.region"() ({
        %run_scoped3A = tpu.sem_alloc : memref<!tpu.dma_semaphore, #tpu.memory_space<semaphore_mem>>
        %dma_start3A = arith.constant 0 : i32
        %dma_start3A_965 = tpu.memref_slice %arg4[%dma_start3A, %mul3A_704] : memref<32x1000000xf32, #tpu.memory_space<hbm>> -> memref<32x128xf32, #tpu.memory_space<hbm>>
        %dma_start3A_966 = arith.constant 0 : i32
        %dma_start3A_967 = tpu.memref_slice %arg4[%dma_start3A_966, %mul3A_704] : memref<32x1000000xf32, #tpu.memory_space<hbm>> -> memref<32x128xf32, #tpu.memory_space<hbm>>
        tpu.enqueue_dma source(%dma_start3A_967 : memref<32x128xf32, #tpu.memory_space<hbm>>) target(%arg9 : memref<32x128xf32, #tpu.memory_space<vmem>>) target_semaphore(%run_scoped3A : memref<!tpu.dma_semaphore, #tpu.memory_space<semaphore_mem>>)
        %dma_wait3A = arith.constant 0 : i32
        %dma_wait3A_968 = tpu.memref_slice %arg4[%dma_wait3A, %mul3A_704] : memref<32x1000000xf32, #tpu.memory_space<hbm>> -> memref<32x128xf32, #tpu.memory_space<hbm>>
        %dma_wait3A_969 = arith.constant 0 : i32
        %dma_wait3A_970 = tpu.memref_slice %arg4[%dma_wait3A_969, %mul3A_704] : memref<32x1000000xf32, #tpu.memory_space<hbm>> -> memref<32x128xf32, #tpu.memory_space<hbm>>
        tpu.wait_dma2 semaphore(%run_scoped3A : memref<!tpu.dma_semaphore, #tpu.memory_space<semaphore_mem>>) src(%dma_wait3A_970 : memref<32x128xf32, #tpu.memory_space<hbm>>) dst(%arg9 : memref<32x128xf32, #tpu.memory_space<vmem>>)
        tpu.yield
      }) : () -> ()
      %mul3A_707 = arith.constant 16 : i32
      %mul3A_708 = arith.muli %scan3A_14, %mul3A_707 : i32
      %add3A_709 = arith.constant 11 : i32
      %add3A_710 = arith.addi %mul3A_708, %add3A_709 : i32
      %add3A_711 = arith.constant 0 : i32
      %add3A_712 = vector.broadcast %add3A_711 : i32 to vector<16xi32>
      %add3A_713 = arith.addi %iota3A, %add3A_712 : vector<16xi32>
      %gather3A_714 = tpu.vector_load_idx %arg9[%add3A_713, %broadcast_in_dim3A_706] : memref<32x128xf32, #tpu.memory_space<vmem>>[vector<16xi32>, vector<16xi32>], vector<16xf32>,
      %swap3A_715 = arith.index_cast %add3A_710 : i32 to index
      %swap3A_716 = arith.constant 0 : index
      %swap3A_717 = tpu.vector_load %arg10[%swap3A_715, %swap3A_716] {strides = array<i32>} : memref<128x32xf32, #tpu.memory_space<vmem>>, vector<16xf32>,
      tpu.vector_store %arg10[%swap3A_715, %swap3A_716], %gather3A_714 {strides = array<i32>} : memref<128x32xf32, #tpu.memory_space<vmem>>, vector<16xf32>,
      %add3A_718 = arith.constant 16 : i32
      %add3A_719 = vector.broadcast %add3A_718 : i32 to vector<16xi32>
      %add3A_720 = arith.addi %iota3A, %add3A_719 : vector<16xi32>
      %gather3A_721 = tpu.vector_load_idx %arg9[%add3A_720, %broadcast_in_dim3A_706] : memref<32x128xf32, #tpu.memory_space<vmem>>[vector<16xi32>, vector<16xi32>], vector<16xf32>,
      %swap3A_722 = arith.index_cast %add3A_710 : i32 to index
      %swap3A_723 = arith.constant 16 : index
      %swap3A_724 = tpu.vector_load %arg10[%swap3A_722, %swap3A_723] {strides = array<i32>} : memref<128x32xf32, #tpu.memory_space<vmem>>, vector<16xf32>,
      tpu.vector_store %arg10[%swap3A_722, %swap3A_723], %gather3A_721 {strides = array<i32>} : memref<128x32xf32, #tpu.memory_space<vmem>>, vector<16xf32>,
      %eq3A_725 = arith.constant 12 : i32
      %eq3A_726 = vector.broadcast %eq3A_725 : i32 to vector<16xi32>
      %eq3A_727 = arith.cmpi eq, %iota3A, %eq3A_726 : vector<16xi32>
      %jit3A_728 = arith.constant 0 : i32
      %broadcast_in_dim3A_729 = vector.broadcast %jit3A_728 : i32 to vector<16xi32>
      %select_n3A_730 = arith.select %eq3A_727, %get3A_17, %broadcast_in_dim3A_729 : vector<16xi1>, vector<16xi32>
      %reduce_max3A_731 = arith.constant true
      %reduce_max3A_732 = vector.broadcast %reduce_max3A_731 : i1 to vector<16xi1>
      %reduce_max3A_733 = arith.constant -2147483648 : i32
      %reduce_max3A_734 = vector.broadcast %reduce_max3A_733 : i32 to vector<16xi32>
      %reduce_max3A_735 = arith.xori %select_n3A_730, %reduce_max3A_734 : vector<16xi32>
      %reduce_max3A_736 = tpu.scan <max>, %reduce_max3A_735 masked %reduce_max3A_732 : vector<16xi32>, vector<16xi1> -> vector<16xi32>
      %reduce_max3A_737 = arith.xori %reduce_max3A_736, %reduce_max3A_734 : vector<16xi32>
      %reduce_max3A_738 = vector.extract %reduce_max3A_737[15] : i32 from vector<16xi32>
      %jit3A_739 = arith.constant 128 : i32
      %div3A_740 = arith.divsi %reduce_max3A_738, %jit3A_739 : i32
      %sign3A_741 = arith.constant 0 : i32
      %sign3A_742 = arith.cmpi sgt, %reduce_max3A_738, %sign3A_741 : i32
      %sign3A_743 = arith.extui %sign3A_742 : i1 to i32
      %sign3A_744 = arith.constant 0 : i32
      %sign3A_745 = arith.cmpi slt, %reduce_max3A_738, %sign3A_744 : i32
      %sign3A_746 = arith.extui %sign3A_745 : i1 to i32
      %sign3A_747 = arith.subi %sign3A_743, %sign3A_746 : i32
      %sign3A_748 = arith.constant 0 : i32
      %sign3A_749 = arith.cmpi sgt, %jit3A_739, %sign3A_748 : i32
      %sign3A_750 = arith.extui %sign3A_749 : i1 to i32
      %sign3A_751 = arith.constant 0 : i32
      %sign3A_752 = arith.cmpi slt, %jit3A_739, %sign3A_751 : i32
      %sign3A_753 = arith.extui %sign3A_752 : i1 to i32
      %sign3A_754 = arith.subi %sign3A_750, %sign3A_753 : i32
      %ne3A_755 = arith.cmpi ne, %sign3A_747, %sign3A_754 : i32
      %rem3A_756 = arith.remsi %reduce_max3A_738, %jit3A_739 : i32
      %ne3A_757 = arith.constant 0 : i32
      %ne3A_758 = arith.cmpi ne, %rem3A_756, %ne3A_757 : i32
      %and3A_759 = arith.andi %ne3A_755, %ne3A_758 : i1
      %sub3A_760 = arith.constant 1 : i32
      %sub3A_761 = arith.subi %div3A_740, %sub3A_760 : i32
      %select_n3A_762 = arith.select %and3A_759, %sub3A_761, %div3A_740 : i32
      %mul3A_763 = arith.constant 128 : i32
      %mul3A_764 = arith.muli %select_n3A_762, %mul3A_763 : i32
      %sub3A_765 = arith.subi %reduce_max3A_738, %mul3A_764 : i32
      %broadcast_in_dim3A_766 = vector.broadcast %sub3A_765 : i32 to vector<16xi32>
      "tpu.region"() ({
        %run_scoped3A = tpu.sem_alloc : memref<!tpu.dma_semaphore, #tpu.memory_space<semaphore_mem>>
        %dma_start3A = arith.constant 0 : i32
        %dma_start3A_965 = tpu.memref_slice %arg4[%dma_start3A, %mul3A_764] : memref<32x1000000xf32, #tpu.memory_space<hbm>> -> memref<32x128xf32, #tpu.memory_space<hbm>>
        %dma_start3A_966 = arith.constant 0 : i32
        %dma_start3A_967 = tpu.memref_slice %arg4[%dma_start3A_966, %mul3A_764] : memref<32x1000000xf32, #tpu.memory_space<hbm>> -> memref<32x128xf32, #tpu.memory_space<hbm>>
        tpu.enqueue_dma source(%dma_start3A_967 : memref<32x128xf32, #tpu.memory_space<hbm>>) target(%arg9 : memref<32x128xf32, #tpu.memory_space<vmem>>) target_semaphore(%run_scoped3A : memref<!tpu.dma_semaphore, #tpu.memory_space<semaphore_mem>>)
        %dma_wait3A = arith.constant 0 : i32
        %dma_wait3A_968 = tpu.memref_slice %arg4[%dma_wait3A, %mul3A_764] : memref<32x1000000xf32, #tpu.memory_space<hbm>> -> memref<32x128xf32, #tpu.memory_space<hbm>>
        %dma_wait3A_969 = arith.constant 0 : i32
        %dma_wait3A_970 = tpu.memref_slice %arg4[%dma_wait3A_969, %mul3A_764] : memref<32x1000000xf32, #tpu.memory_space<hbm>> -> memref<32x128xf32, #tpu.memory_space<hbm>>
        tpu.wait_dma2 semaphore(%run_scoped3A : memref<!tpu.dma_semaphore, #tpu.memory_space<semaphore_mem>>) src(%dma_wait3A_970 : memref<32x128xf32, #tpu.memory_space<hbm>>) dst(%arg9 : memref<32x128xf32, #tpu.memory_space<vmem>>)
        tpu.yield
      }) : () -> ()
      %mul3A_767 = arith.constant 16 : i32
      %mul3A_768 = arith.muli %scan3A_14, %mul3A_767 : i32
      %add3A_769 = arith.constant 12 : i32
      %add3A_770 = arith.addi %mul3A_768, %add3A_769 : i32
      %add3A_771 = arith.constant 0 : i32
      %add3A_772 = vector.broadcast %add3A_771 : i32 to vector<16xi32>
      %add3A_773 = arith.addi %iota3A, %add3A_772 : vector<16xi32>
      %gather3A_774 = tpu.vector_load_idx %arg9[%add3A_773, %broadcast_in_dim3A_766] : memref<32x128xf32, #tpu.memory_space<vmem>>[vector<16xi32>, vector<16xi32>], vector<16xf32>,
      %swap3A_775 = arith.index_cast %add3A_770 : i32 to index
      %swap3A_776 = arith.constant 0 : index
      %swap3A_777 = tpu.vector_load %arg10[%swap3A_775, %swap3A_776] {strides = array<i32>} : memref<128x32xf32, #tpu.memory_space<vmem>>, vector<16xf32>,
      tpu.vector_store %arg10[%swap3A_775, %swap3A_776], %gather3A_774 {strides = array<i32>} : memref<128x32xf32, #tpu.memory_space<vmem>>, vector<16xf32>,
      %add3A_778 = arith.constant 16 : i32
      %add3A_779 = vector.broadcast %add3A_778 : i32 to vector<16xi32>
      %add3A_780 = arith.addi %iota3A, %add3A_779 : vector<16xi32>
      %gather3A_781 = tpu.vector_load_idx %arg9[%add3A_780, %broadcast_in_dim3A_766] : memref<32x128xf32, #tpu.memory_space<vmem>>[vector<16xi32>, vector<16xi32>], vector<16xf32>,
      %swap3A_782 = arith.index_cast %add3A_770 : i32 to index
      %swap3A_783 = arith.constant 16 : index
      %swap3A_784 = tpu.vector_load %arg10[%swap3A_782, %swap3A_783] {strides = array<i32>} : memref<128x32xf32, #tpu.memory_space<vmem>>, vector<16xf32>,
      tpu.vector_store %arg10[%swap3A_782, %swap3A_783], %gather3A_781 {strides = array<i32>} : memref<128x32xf32, #tpu.memory_space<vmem>>, vector<16xf32>,
      %eq3A_785 = arith.constant 13 : i32
      %eq3A_786 = vector.broadcast %eq3A_785 : i32 to vector<16xi32>
      %eq3A_787 = arith.cmpi eq, %iota3A, %eq3A_786 : vector<16xi32>
      %jit3A_788 = arith.constant 0 : i32
      %broadcast_in_dim3A_789 = vector.broadcast %jit3A_788 : i32 to vector<16xi32>
      %select_n3A_790 = arith.select %eq3A_787, %get3A_17, %broadcast_in_dim3A_789 : vector<16xi1>, vector<16xi32>
      %reduce_max3A_791 = arith.constant true
      %reduce_max3A_792 = vector.broadcast %reduce_max3A_791 : i1 to vector<16xi1>
      %reduce_max3A_793 = arith.constant -2147483648 : i32
      %reduce_max3A_794 = vector.broadcast %reduce_max3A_793 : i32 to vector<16xi32>
      %reduce_max3A_795 = arith.xori %select_n3A_790, %reduce_max3A_794 : vector<16xi32>
      %reduce_max3A_796 = tpu.scan <max>, %reduce_max3A_795 masked %reduce_max3A_792 : vector<16xi32>, vector<16xi1> -> vector<16xi32>
      %reduce_max3A_797 = arith.xori %reduce_max3A_796, %reduce_max3A_794 : vector<16xi32>
      %reduce_max3A_798 = vector.extract %reduce_max3A_797[15] : i32 from vector<16xi32>
      %jit3A_799 = arith.constant 128 : i32
      %div3A_800 = arith.divsi %reduce_max3A_798, %jit3A_799 : i32
      %sign3A_801 = arith.constant 0 : i32
      %sign3A_802 = arith.cmpi sgt, %reduce_max3A_798, %sign3A_801 : i32
      %sign3A_803 = arith.extui %sign3A_802 : i1 to i32
      %sign3A_804 = arith.constant 0 : i32
      %sign3A_805 = arith.cmpi slt, %reduce_max3A_798, %sign3A_804 : i32
      %sign3A_806 = arith.extui %sign3A_805 : i1 to i32
      %sign3A_807 = arith.subi %sign3A_803, %sign3A_806 : i32
      %sign3A_808 = arith.constant 0 : i32
      %sign3A_809 = arith.cmpi sgt, %jit3A_799, %sign3A_808 : i32
      %sign3A_810 = arith.extui %sign3A_809 : i1 to i32
      %sign3A_811 = arith.constant 0 : i32
      %sign3A_812 = arith.cmpi slt, %jit3A_799, %sign3A_811 : i32
      %sign3A_813 = arith.extui %sign3A_812 : i1 to i32
      %sign3A_814 = arith.subi %sign3A_810, %sign3A_813 : i32
      %ne3A_815 = arith.cmpi ne, %sign3A_807, %sign3A_814 : i32
      %rem3A_816 = arith.remsi %reduce_max3A_798, %jit3A_799 : i32
      %ne3A_817 = arith.constant 0 : i32
      %ne3A_818 = arith.cmpi ne, %rem3A_816, %ne3A_817 : i32
      %and3A_819 = arith.andi %ne3A_815, %ne3A_818 : i1
      %sub3A_820 = arith.constant 1 : i32
      %sub3A_821 = arith.subi %div3A_800, %sub3A_820 : i32
      %select_n3A_822 = arith.select %and3A_819, %sub3A_821, %div3A_800 : i32
      %mul3A_823 = arith.constant 128 : i32
      %mul3A_824 = arith.muli %select_n3A_822, %mul3A_823 : i32
      %sub3A_825 = arith.subi %reduce_max3A_798, %mul3A_824 : i32
      %broadcast_in_dim3A_826 = vector.broadcast %sub3A_825 : i32 to vector<16xi32>
      "tpu.region"() ({
        %run_scoped3A = tpu.sem_alloc : memref<!tpu.dma_semaphore, #tpu.memory_space<semaphore_mem>>
        %dma_start3A = arith.constant 0 : i32
        %dma_start3A_965 = tpu.memref_slice %arg4[%dma_start3A, %mul3A_824] : memref<32x1000000xf32, #tpu.memory_space<hbm>> -> memref<32x128xf32, #tpu.memory_space<hbm>>
        %dma_start3A_966 = arith.constant 0 : i32
        %dma_start3A_967 = tpu.memref_slice %arg4[%dma_start3A_966, %mul3A_824] : memref<32x1000000xf32, #tpu.memory_space<hbm>> -> memref<32x128xf32, #tpu.memory_space<hbm>>
        tpu.enqueue_dma source(%dma_start3A_967 : memref<32x128xf32, #tpu.memory_space<hbm>>) target(%arg9 : memref<32x128xf32, #tpu.memory_space<vmem>>) target_semaphore(%run_scoped3A : memref<!tpu.dma_semaphore, #tpu.memory_space<semaphore_mem>>)
        %dma_wait3A = arith.constant 0 : i32
        %dma_wait3A_968 = tpu.memref_slice %arg4[%dma_wait3A, %mul3A_824] : memref<32x1000000xf32, #tpu.memory_space<hbm>> -> memref<32x128xf32, #tpu.memory_space<hbm>>
        %dma_wait3A_969 = arith.constant 0 : i32
        %dma_wait3A_970 = tpu.memref_slice %arg4[%dma_wait3A_969, %mul3A_824] : memref<32x1000000xf32, #tpu.memory_space<hbm>> -> memref<32x128xf32, #tpu.memory_space<hbm>>
        tpu.wait_dma2 semaphore(%run_scoped3A : memref<!tpu.dma_semaphore, #tpu.memory_space<semaphore_mem>>) src(%dma_wait3A_970 : memref<32x128xf32, #tpu.memory_space<hbm>>) dst(%arg9 : memref<32x128xf32, #tpu.memory_space<vmem>>)
        tpu.yield
      }) : () -> ()
      %mul3A_827 = arith.constant 16 : i32
      %mul3A_828 = arith.muli %scan3A_14, %mul3A_827 : i32
      %add3A_829 = arith.constant 13 : i32
      %add3A_830 = arith.addi %mul3A_828, %add3A_829 : i32
      %add3A_831 = arith.constant 0 : i32
      %add3A_832 = vector.broadcast %add3A_831 : i32 to vector<16xi32>
      %add3A_833 = arith.addi %iota3A, %add3A_832 : vector<16xi32>
      %gather3A_834 = tpu.vector_load_idx %arg9[%add3A_833, %broadcast_in_dim3A_826] : memref<32x128xf32, #tpu.memory_space<vmem>>[vector<16xi32>, vector<16xi32>], vector<16xf32>,
      %swap3A_835 = arith.index_cast %add3A_830 : i32 to index
      %swap3A_836 = arith.constant 0 : index
      %swap3A_837 = tpu.vector_load %arg10[%swap3A_835, %swap3A_836] {strides = array<i32>} : memref<128x32xf32, #tpu.memory_space<vmem>>, vector<16xf32>,
      tpu.vector_store %arg10[%swap3A_835, %swap3A_836], %gather3A_834 {strides = array<i32>} : memref<128x32xf32, #tpu.memory_space<vmem>>, vector<16xf32>,
      %add3A_838 = arith.constant 16 : i32
      %add3A_839 = vector.broadcast %add3A_838 : i32 to vector<16xi32>
      %add3A_840 = arith.addi %iota3A, %add3A_839 : vector<16xi32>
      %gather3A_841 = tpu.vector_load_idx %arg9[%add3A_840, %broadcast_in_dim3A_826] : memref<32x128xf32, #tpu.memory_space<vmem>>[vector<16xi32>, vector<16xi32>], vector<16xf32>,
      %swap3A_842 = arith.index_cast %add3A_830 : i32 to index
      %swap3A_843 = arith.constant 16 : index
      %swap3A_844 = tpu.vector_load %arg10[%swap3A_842, %swap3A_843] {strides = array<i32>} : memref<128x32xf32, #tpu.memory_space<vmem>>, vector<16xf32>,
      tpu.vector_store %arg10[%swap3A_842, %swap3A_843], %gather3A_841 {strides = array<i32>} : memref<128x32xf32, #tpu.memory_space<vmem>>, vector<16xf32>,
      %eq3A_845 = arith.constant 14 : i32
      %eq3A_846 = vector.broadcast %eq3A_845 : i32 to vector<16xi32>
      %eq3A_847 = arith.cmpi eq, %iota3A, %eq3A_846 : vector<16xi32>
      %jit3A_848 = arith.constant 0 : i32
      %broadcast_in_dim3A_849 = vector.broadcast %jit3A_848 : i32 to vector<16xi32>
      %select_n3A_850 = arith.select %eq3A_847, %get3A_17, %broadcast_in_dim3A_849 : vector<16xi1>, vector<16xi32>
      %reduce_max3A_851 = arith.constant true
      %reduce_max3A_852 = vector.broadcast %reduce_max3A_851 : i1 to vector<16xi1>
      %reduce_max3A_853 = arith.constant -2147483648 : i32
      %reduce_max3A_854 = vector.broadcast %reduce_max3A_853 : i32 to vector<16xi32>
      %reduce_max3A_855 = arith.xori %select_n3A_850, %reduce_max3A_854 : vector<16xi32>
      %reduce_max3A_856 = tpu.scan <max>, %reduce_max3A_855 masked %reduce_max3A_852 : vector<16xi32>, vector<16xi1> -> vector<16xi32>
      %reduce_max3A_857 = arith.xori %reduce_max3A_856, %reduce_max3A_854 : vector<16xi32>
      %reduce_max3A_858 = vector.extract %reduce_max3A_857[15] : i32 from vector<16xi32>
      %jit3A_859 = arith.constant 128 : i32
      %div3A_860 = arith.divsi %reduce_max3A_858, %jit3A_859 : i32
      %sign3A_861 = arith.constant 0 : i32
      %sign3A_862 = arith.cmpi sgt, %reduce_max3A_858, %sign3A_861 : i32
      %sign3A_863 = arith.extui %sign3A_862 : i1 to i32
      %sign3A_864 = arith.constant 0 : i32
      %sign3A_865 = arith.cmpi slt, %reduce_max3A_858, %sign3A_864 : i32
      %sign3A_866 = arith.extui %sign3A_865 : i1 to i32
      %sign3A_867 = arith.subi %sign3A_863, %sign3A_866 : i32
      %sign3A_868 = arith.constant 0 : i32
      %sign3A_869 = arith.cmpi sgt, %jit3A_859, %sign3A_868 : i32
      %sign3A_870 = arith.extui %sign3A_869 : i1 to i32
      %sign3A_871 = arith.constant 0 : i32
      %sign3A_872 = arith.cmpi slt, %jit3A_859, %sign3A_871 : i32
      %sign3A_873 = arith.extui %sign3A_872 : i1 to i32
      %sign3A_874 = arith.subi %sign3A_870, %sign3A_873 : i32
      %ne3A_875 = arith.cmpi ne, %sign3A_867, %sign3A_874 : i32
      %rem3A_876 = arith.remsi %reduce_max3A_858, %jit3A_859 : i32
      %ne3A_877 = arith.constant 0 : i32
      %ne3A_878 = arith.cmpi ne, %rem3A_876, %ne3A_877 : i32
      %and3A_879 = arith.andi %ne3A_875, %ne3A_878 : i1
      %sub3A_880 = arith.constant 1 : i32
      %sub3A_881 = arith.subi %div3A_860, %sub3A_880 : i32
      %select_n3A_882 = arith.select %and3A_879, %sub3A_881, %div3A_860 : i32
      %mul3A_883 = arith.constant 128 : i32
      %mul3A_884 = arith.muli %select_n3A_882, %mul3A_883 : i32
      %sub3A_885 = arith.subi %reduce_max3A_858, %mul3A_884 : i32
      %broadcast_in_dim3A_886 = vector.broadcast %sub3A_885 : i32 to vector<16xi32>
      "tpu.region"() ({
        %run_scoped3A = tpu.sem_alloc : memref<!tpu.dma_semaphore, #tpu.memory_space<semaphore_mem>>
        %dma_start3A = arith.constant 0 : i32
        %dma_start3A_965 = tpu.memref_slice %arg4[%dma_start3A, %mul3A_884] : memref<32x1000000xf32, #tpu.memory_space<hbm>> -> memref<32x128xf32, #tpu.memory_space<hbm>>
        %dma_start3A_966 = arith.constant 0 : i32
        %dma_start3A_967 = tpu.memref_slice %arg4[%dma_start3A_966, %mul3A_884] : memref<32x1000000xf32, #tpu.memory_space<hbm>> -> memref<32x128xf32, #tpu.memory_space<hbm>>
        tpu.enqueue_dma source(%dma_start3A_967 : memref<32x128xf32, #tpu.memory_space<hbm>>) target(%arg9 : memref<32x128xf32, #tpu.memory_space<vmem>>) target_semaphore(%run_scoped3A : memref<!tpu.dma_semaphore, #tpu.memory_space<semaphore_mem>>)
        %dma_wait3A = arith.constant 0 : i32
        %dma_wait3A_968 = tpu.memref_slice %arg4[%dma_wait3A, %mul3A_884] : memref<32x1000000xf32, #tpu.memory_space<hbm>> -> memref<32x128xf32, #tpu.memory_space<hbm>>
        %dma_wait3A_969 = arith.constant 0 : i32
        %dma_wait3A_970 = tpu.memref_slice %arg4[%dma_wait3A_969, %mul3A_884] : memref<32x1000000xf32, #tpu.memory_space<hbm>> -> memref<32x128xf32, #tpu.memory_space<hbm>>
        tpu.wait_dma2 semaphore(%run_scoped3A : memref<!tpu.dma_semaphore, #tpu.memory_space<semaphore_mem>>) src(%dma_wait3A_970 : memref<32x128xf32, #tpu.memory_space<hbm>>) dst(%arg9 : memref<32x128xf32, #tpu.memory_space<vmem>>)
        tpu.yield
      }) : () -> ()
      %mul3A_887 = arith.constant 16 : i32
      %mul3A_888 = arith.muli %scan3A_14, %mul3A_887 : i32
      %add3A_889 = arith.constant 14 : i32
      %add3A_890 = arith.addi %mul3A_888, %add3A_889 : i32
      %add3A_891 = arith.constant 0 : i32
      %add3A_892 = vector.broadcast %add3A_891 : i32 to vector<16xi32>
      %add3A_893 = arith.addi %iota3A, %add3A_892 : vector<16xi32>
      %gather3A_894 = tpu.vector_load_idx %arg9[%add3A_893, %broadcast_in_dim3A_886] : memref<32x128xf32, #tpu.memory_space<vmem>>[vector<16xi32>, vector<16xi32>], vector<16xf32>,
      %swap3A_895 = arith.index_cast %add3A_890 : i32 to index
      %swap3A_896 = arith.constant 0 : index
      %swap3A_897 = tpu.vector_load %arg10[%swap3A_895, %swap3A_896] {strides = array<i32>} : memref<128x32xf32, #tpu.memory_space<vmem>>, vector<16xf32>,
      tpu.vector_store %arg10[%swap3A_895, %swap3A_896], %gather3A_894 {strides = array<i32>} : memref<128x32xf32, #tpu.memory_space<vmem>>, vector<16xf32>,
      %add3A_898 = arith.constant 16 : i32
      %add3A_899 = vector.broadcast %add3A_898 : i32 to vector<16xi32>
      %add3A_900 = arith.addi %iota3A, %add3A_899 : vector<16xi32>
      %gather3A_901 = tpu.vector_load_idx %arg9[%add3A_900, %broadcast_in_dim3A_886] : memref<32x128xf32, #tpu.memory_space<vmem>>[vector<16xi32>, vector<16xi32>], vector<16xf32>,
      %swap3A_902 = arith.index_cast %add3A_890 : i32 to index
      %swap3A_903 = arith.constant 16 : index
      %swap3A_904 = tpu.vector_load %arg10[%swap3A_902, %swap3A_903] {strides = array<i32>} : memref<128x32xf32, #tpu.memory_space<vmem>>, vector<16xf32>,
      tpu.vector_store %arg10[%swap3A_902, %swap3A_903], %gather3A_901 {strides = array<i32>} : memref<128x32xf32, #tpu.memory_space<vmem>>, vector<16xf32>,
      %eq3A_905 = arith.constant 15 : i32
      %eq3A_906 = vector.broadcast %eq3A_905 : i32 to vector<16xi32>
      %eq3A_907 = arith.cmpi eq, %iota3A, %eq3A_906 : vector<16xi32>
      %jit3A_908 = arith.constant 0 : i32
      %broadcast_in_dim3A_909 = vector.broadcast %jit3A_908 : i32 to vector<16xi32>
      %select_n3A_910 = arith.select %eq3A_907, %get3A_17, %broadcast_in_dim3A_909 : vector<16xi1>, vector<16xi32>
      %reduce_max3A_911 = arith.constant true
      %reduce_max3A_912 = vector.broadcast %reduce_max3A_911 : i1 to vector<16xi1>
      %reduce_max3A_913 = arith.constant -2147483648 : i32
      %reduce_max3A_914 = vector.broadcast %reduce_max3A_913 : i32 to vector<16xi32>
      %reduce_max3A_915 = arith.xori %select_n3A_910, %reduce_max3A_914 : vector<16xi32>
      %reduce_max3A_916 = tpu.scan <max>, %reduce_max3A_915 masked %reduce_max3A_912 : vector<16xi32>, vector<16xi1> -> vector<16xi32>
      %reduce_max3A_917 = arith.xori %reduce_max3A_916, %reduce_max3A_914 : vector<16xi32>
      %reduce_max3A_918 = vector.extract %reduce_max3A_917[15] : i32 from vector<16xi32>
      %jit3A_919 = arith.constant 128 : i32
      %div3A_920 = arith.divsi %reduce_max3A_918, %jit3A_919 : i32
      %sign3A_921 = arith.constant 0 : i32
      %sign3A_922 = arith.cmpi sgt, %reduce_max3A_918, %sign3A_921 : i32
      %sign3A_923 = arith.extui %sign3A_922 : i1 to i32
      %sign3A_924 = arith.constant 0 : i32
      %sign3A_925 = arith.cmpi slt, %reduce_max3A_918, %sign3A_924 : i32
      %sign3A_926 = arith.extui %sign3A_925 : i1 to i32
      %sign3A_927 = arith.subi %sign3A_923, %sign3A_926 : i32
      %sign3A_928 = arith.constant 0 : i32
      %sign3A_929 = arith.cmpi sgt, %jit3A_919, %sign3A_928 : i32
      %sign3A_930 = arith.extui %sign3A_929 : i1 to i32
      %sign3A_931 = arith.constant 0 : i32
      %sign3A_932 = arith.cmpi slt, %jit3A_919, %sign3A_931 : i32
      %sign3A_933 = arith.extui %sign3A_932 : i1 to i32
      %sign3A_934 = arith.subi %sign3A_930, %sign3A_933 : i32
      %ne3A_935 = arith.cmpi ne, %sign3A_927, %sign3A_934 : i32
      %rem3A_936 = arith.remsi %reduce_max3A_918, %jit3A_919 : i32
      %ne3A_937 = arith.constant 0 : i32
      %ne3A_938 = arith.cmpi ne, %rem3A_936, %ne3A_937 : i32
      %and3A_939 = arith.andi %ne3A_935, %ne3A_938 : i1
      %sub3A_940 = arith.constant 1 : i32
      %sub3A_941 = arith.subi %div3A_920, %sub3A_940 : i32
      %select_n3A_942 = arith.select %and3A_939, %sub3A_941, %div3A_920 : i32
      %mul3A_943 = arith.constant 128 : i32
      %mul3A_944 = arith.muli %select_n3A_942, %mul3A_943 : i32
      %sub3A_945 = arith.subi %reduce_max3A_918, %mul3A_944 : i32
      %broadcast_in_dim3A_946 = vector.broadcast %sub3A_945 : i32 to vector<16xi32>
      "tpu.region"() ({
        %run_scoped3A = tpu.sem_alloc : memref<!tpu.dma_semaphore, #tpu.memory_space<semaphore_mem>>
        %dma_start3A = arith.constant 0 : i32
        %dma_start3A_965 = tpu.memref_slice %arg4[%dma_start3A, %mul3A_944] : memref<32x1000000xf32, #tpu.memory_space<hbm>> -> memref<32x128xf32, #tpu.memory_space<hbm>>
        %dma_start3A_966 = arith.constant 0 : i32
        %dma_start3A_967 = tpu.memref_slice %arg4[%dma_start3A_966, %mul3A_944] : memref<32x1000000xf32, #tpu.memory_space<hbm>> -> memref<32x128xf32, #tpu.memory_space<hbm>>
        tpu.enqueue_dma source(%dma_start3A_967 : memref<32x128xf32, #tpu.memory_space<hbm>>) target(%arg9 : memref<32x128xf32, #tpu.memory_space<vmem>>) target_semaphore(%run_scoped3A : memref<!tpu.dma_semaphore, #tpu.memory_space<semaphore_mem>>)
        %dma_wait3A = arith.constant 0 : i32
        %dma_wait3A_968 = tpu.memref_slice %arg4[%dma_wait3A, %mul3A_944] : memref<32x1000000xf32, #tpu.memory_space<hbm>> -> memref<32x128xf32, #tpu.memory_space<hbm>>
        %dma_wait3A_969 = arith.constant 0 : i32
        %dma_wait3A_970 = tpu.memref_slice %arg4[%dma_wait3A_969, %mul3A_944] : memref<32x1000000xf32, #tpu.memory_space<hbm>> -> memref<32x128xf32, #tpu.memory_space<hbm>>
        tpu.wait_dma2 semaphore(%run_scoped3A : memref<!tpu.dma_semaphore, #tpu.memory_space<semaphore_mem>>) src(%dma_wait3A_970 : memref<32x128xf32, #tpu.memory_space<hbm>>) dst(%arg9 : memref<32x128xf32, #tpu.memory_space<vmem>>)
        tpu.yield
      }) : () -> ()
      %mul3A_947 = arith.constant 16 : i32
      %mul3A_948 = arith.muli %scan3A_14, %mul3A_947 : i32
      %add3A_949 = arith.constant 15 : i32
      %add3A_950 = arith.addi %mul3A_948, %add3A_949 : i32
      %add3A_951 = arith.constant 0 : i32
      %add3A_952 = vector.broadcast %add3A_951 : i32 to vector<16xi32>
      %add3A_953 = arith.addi %iota3A, %add3A_952 : vector<16xi32>
      %gather3A_954 = tpu.vector_load_idx %arg9[%add3A_953, %broadcast_in_dim3A_946] : memref<32x128xf32, #tpu.memory_space<vmem>>[vector<16xi32>, vector<16xi32>], vector<16xf32>,
      %swap3A_955 = arith.index_cast %add3A_950 : i32 to index
      %swap3A_956 = arith.constant 0 : index
      %swap3A_957 = tpu.vector_load %arg10[%swap3A_955, %swap3A_956] {strides = array<i32>} : memref<128x32xf32, #tpu.memory_space<vmem>>, vector<16xf32>,
      tpu.vector_store %arg10[%swap3A_955, %swap3A_956], %gather3A_954 {strides = array<i32>} : memref<128x32xf32, #tpu.memory_space<vmem>>, vector<16xf32>,
      %add3A_958 = arith.constant 16 : i32
      %add3A_959 = vector.broadcast %add3A_958 : i32 to vector<16xi32>
      %add3A_960 = arith.addi %iota3A, %add3A_959 : vector<16xi32>
      %gather3A_961 = tpu.vector_load_idx %arg9[%add3A_960, %broadcast_in_dim3A_946] : memref<32x128xf32, #tpu.memory_space<vmem>>[vector<16xi32>, vector<16xi32>], vector<16xf32>,
      %swap3A_962 = arith.index_cast %add3A_950 : i32 to index
      %swap3A_963 = arith.constant 16 : index
      %swap3A_964 = tpu.vector_load %arg10[%swap3A_962, %swap3A_963] {strides = array<i32>} : memref<128x32xf32, #tpu.memory_space<vmem>>, vector<16xf32>,
      tpu.vector_store %arg10[%swap3A_962, %swap3A_963], %gather3A_961 {strides = array<i32>} : memref<128x32xf32, #tpu.memory_space<vmem>>, vector<16xf32>,
    }
    %scan3A_7 = arith.constant 8 : i32
    "tpu.region"() ({
      %run_scoped3A = tpu.sem_alloc : memref<!tpu.dma_semaphore, #tpu.memory_space<semaphore_mem>>
      %dma_start3A = arith.constant 0 : i32
      %dma_start3A_14 = tpu.memref_slice %arg6[%mul3A_2, %dma_start3A] : memref<4096x32xf32, #tpu.memory_space<hbm>> -> memref<128x32xf32, #tpu.memory_space<hbm>>
      %dma_start3A_15 = arith.constant 0 : i32
      %dma_start3A_16 = tpu.memref_slice %arg6[%mul3A_2, %dma_start3A_15] : memref<4096x32xf32, #tpu.memory_space<hbm>> -> memref<128x32xf32, #tpu.memory_space<hbm>>
      tpu.enqueue_dma source(%arg10 : memref<128x32xf32, #tpu.memory_space<vmem>>) target(%dma_start3A_16 : memref<128x32xf32, #tpu.memory_space<hbm>>) target_semaphore(%run_scoped3A : memref<!tpu.dma_semaphore, #tpu.memory_space<semaphore_mem>>)
      %dma_wait3A = arith.constant 0 : i32
      %dma_wait3A_17 = tpu.memref_slice %arg6[%mul3A_2, %dma_wait3A] : memref<4096x32xf32, #tpu.memory_space<hbm>> -> memref<128x32xf32, #tpu.memory_space<hbm>>
      %dma_wait3A_18 = arith.constant 0 : i32
      %dma_wait3A_19 = tpu.memref_slice %arg6[%mul3A_2, %dma_wait3A_18] : memref<4096x32xf32, #tpu.memory_space<hbm>> -> memref<128x32xf32, #tpu.memory_space<hbm>>
      tpu.wait_dma2 semaphore(%run_scoped3A : memref<!tpu.dma_semaphore, #tpu.memory_space<semaphore_mem>>) src(%arg10 : memref<128x32xf32, #tpu.memory_space<vmem>>) dst(%dma_wait3A_19 : memref<128x32xf32, #tpu.memory_space<hbm>>)
      tpu.yield
    }) : () -> ()
    "tpu.region"() ({
      %run_scoped3A = tpu.sem_alloc : memref<!tpu.dma_semaphore, #tpu.memory_space<semaphore_mem>>
      %dma_start3A = tpu.memref_slice %arg3[%mul3A_2] : memref<4096xi32, #tpu.memory_space<hbm>> -> memref<128xi32, #tpu.memory_space<hbm>>
      %dma_start3A_14 = tpu.memref_slice %arg3[%mul3A_2] : memref<4096xi32, #tpu.memory_space<hbm>> -> memref<128xi32, #tpu.memory_space<hbm>>
      tpu.enqueue_dma source(%dma_start3A_14 : memref<128xi32, #tpu.memory_space<hbm>>) target(%arg8 : memref<128xi32, #tpu.memory_space<vmem>>) target_semaphore(%run_scoped3A : memref<!tpu.dma_semaphore, #tpu.memory_space<semaphore_mem>>)
      %dma_wait3A = tpu.memref_slice %arg3[%mul3A_2] : memref<4096xi32, #tpu.memory_space<hbm>> -> memref<128xi32, #tpu.memory_space<hbm>>
      %dma_wait3A_15 = tpu.memref_slice %arg3[%mul3A_2] : memref<4096xi32, #tpu.memory_space<hbm>> -> memref<128xi32, #tpu.memory_space<hbm>>
      tpu.wait_dma2 semaphore(%run_scoped3A : memref<!tpu.dma_semaphore, #tpu.memory_space<semaphore_mem>>) src(%dma_wait3A_15 : memref<128xi32, #tpu.memory_space<hbm>>) dst(%arg8 : memref<128xi32, #tpu.memory_space<vmem>>)
      tpu.yield
    }) : () -> ()
    %scan3A_8 = arith.constant 0 : i32
    %scan3A_9 = arith.constant 0 : i32
    %scan3A_10 = arith.constant 8 : i32
    %scan3A_11 = arith.addi %scan3A_9, %scan3A_10 : i32
    %scan3A_12 = arith.constant 1 : i32
    scf.for %scan3A_14 = %scan3A_9 to %scan3A_11 step %scan3A_12  : i32 {
      %mul3A_15 = arith.constant 16 : i32
      %mul3A_16 = arith.muli %scan3A_14, %mul3A_15 : i32
      %get3A = arith.index_cast %mul3A_16 : i32 to index
      %get3A_17 = tpu.vector_load %arg8[%get3A] {strides = array<i32>} : memref<128xi32, #tpu.memory_space<vmem>>, vector<16xi32>,
      %eq3A = arith.constant 0 : i32
      %eq3A_18 = vector.broadcast %eq3A : i32 to vector<16xi32>
      %eq3A_19 = arith.cmpi eq, %iota3A, %eq3A_18 : vector<16xi32>
      %jit3A = arith.constant 0 : i32
      %broadcast_in_dim3A = vector.broadcast %jit3A : i32 to vector<16xi32>
      %select_n3A = arith.select %eq3A_19, %get3A_17, %broadcast_in_dim3A : vector<16xi1>, vector<16xi32>
      %reduce_max3A = arith.constant true
      %reduce_max3A_20 = vector.broadcast %reduce_max3A : i1 to vector<16xi1>
      %reduce_max3A_21 = arith.constant -2147483648 : i32
      %reduce_max3A_22 = vector.broadcast %reduce_max3A_21 : i32 to vector<16xi32>
      %reduce_max3A_23 = arith.xori %select_n3A, %reduce_max3A_22 : vector<16xi32>
      %reduce_max3A_24 = tpu.scan <max>, %reduce_max3A_23 masked %reduce_max3A_20 : vector<16xi32>, vector<16xi1> -> vector<16xi32>
      %reduce_max3A_25 = arith.xori %reduce_max3A_24, %reduce_max3A_22 : vector<16xi32>
      %reduce_max3A_26 = vector.extract %reduce_max3A_25[15] : i32 from vector<16xi32>
      %jit3A_27 = arith.constant 128 : i32
      %div3A = arith.divsi %reduce_max3A_26, %jit3A_27 : i32
      %sign3A = arith.constant 0 : i32
      %sign3A_28 = arith.cmpi sgt, %reduce_max3A_26, %sign3A : i32
      %sign3A_29 = arith.extui %sign3A_28 : i1 to i32
      %sign3A_30 = arith.constant 0 : i32
      %sign3A_31 = arith.cmpi slt, %reduce_max3A_26, %sign3A_30 : i32
      %sign3A_32 = arith.extui %sign3A_31 : i1 to i32
      %sign3A_33 = arith.subi %sign3A_29, %sign3A_32 : i32
      %sign3A_34 = arith.constant 0 : i32
      %sign3A_35 = arith.cmpi sgt, %jit3A_27, %sign3A_34 : i32
      %sign3A_36 = arith.extui %sign3A_35 : i1 to i32
      %sign3A_37 = arith.constant 0 : i32
      %sign3A_38 = arith.cmpi slt, %jit3A_27, %sign3A_37 : i32
      %sign3A_39 = arith.extui %sign3A_38 : i1 to i32
      %sign3A_40 = arith.subi %sign3A_36, %sign3A_39 : i32
      %ne3A = arith.cmpi ne, %sign3A_33, %sign3A_40 : i32
      %rem3A = arith.remsi %reduce_max3A_26, %jit3A_27 : i32
      %ne3A_41 = arith.constant 0 : i32
      %ne3A_42 = arith.cmpi ne, %rem3A, %ne3A_41 : i32
      %and3A = arith.andi %ne3A, %ne3A_42 : i1
      %sub3A = arith.constant 1 : i32
      %sub3A_43 = arith.subi %div3A, %sub3A : i32
      %select_n3A_44 = arith.select %and3A, %sub3A_43, %div3A : i32
      %mul3A_45 = arith.constant 128 : i32
      %mul3A_46 = arith.muli %select_n3A_44, %mul3A_45 : i32
      %sub3A_47 = arith.subi %reduce_max3A_26, %mul3A_46 : i32
      %broadcast_in_dim3A_48 = vector.broadcast %sub3A_47 : i32 to vector<16xi32>
      "tpu.region"() ({
        %run_scoped3A = tpu.sem_alloc : memref<!tpu.dma_semaphore, #tpu.memory_space<semaphore_mem>>
        %dma_start3A = arith.constant 0 : i32
        %dma_start3A_965 = tpu.memref_slice %arg5[%dma_start3A, %mul3A_46] : memref<32x1000xf32, #tpu.memory_space<hbm>> -> memref<32x128xf32, #tpu.memory_space<hbm>>
        %dma_start3A_966 = arith.constant 0 : i32
        %dma_start3A_967 = tpu.memref_slice %arg5[%dma_start3A_966, %mul3A_46] : memref<32x1000xf32, #tpu.memory_space<hbm>> -> memref<32x128xf32, #tpu.memory_space<hbm>>
        tpu.enqueue_dma source(%dma_start3A_967 : memref<32x128xf32, #tpu.memory_space<hbm>>) target(%arg9 : memref<32x128xf32, #tpu.memory_space<vmem>>) target_semaphore(%run_scoped3A : memref<!tpu.dma_semaphore, #tpu.memory_space<semaphore_mem>>)
        %dma_wait3A = arith.constant 0 : i32
        %dma_wait3A_968 = tpu.memref_slice %arg5[%dma_wait3A, %mul3A_46] : memref<32x1000xf32, #tpu.memory_space<hbm>> -> memref<32x128xf32, #tpu.memory_space<hbm>>
        %dma_wait3A_969 = arith.constant 0 : i32
        %dma_wait3A_970 = tpu.memref_slice %arg5[%dma_wait3A_969, %mul3A_46] : memref<32x1000xf32, #tpu.memory_space<hbm>> -> memref<32x128xf32, #tpu.memory_space<hbm>>
        tpu.wait_dma2 semaphore(%run_scoped3A : memref<!tpu.dma_semaphore, #tpu.memory_space<semaphore_mem>>) src(%dma_wait3A_970 : memref<32x128xf32, #tpu.memory_space<hbm>>) dst(%arg9 : memref<32x128xf32, #tpu.memory_space<vmem>>)
        tpu.yield
      }) : () -> ()
      %mul3A_49 = arith.constant 16 : i32
      %mul3A_50 = arith.muli %scan3A_14, %mul3A_49 : i32
      %add3A_51 = arith.constant 0 : i32
      %add3A_52 = arith.addi %mul3A_50, %add3A_51 : i32
      %add3A_53 = arith.constant 0 : i32
      %add3A_54 = vector.broadcast %add3A_53 : i32 to vector<16xi32>
      %add3A_55 = arith.addi %iota3A, %add3A_54 : vector<16xi32>
      %gather3A = tpu.vector_load_idx %arg9[%add3A_55, %broadcast_in_dim3A_48] : memref<32x128xf32, #tpu.memory_space<vmem>>[vector<16xi32>, vector<16xi32>], vector<16xf32>,
      %swap3A = arith.index_cast %add3A_52 : i32 to index
      %swap3A_56 = arith.constant 0 : index
      %swap3A_57 = tpu.vector_load %arg10[%swap3A, %swap3A_56] {strides = array<i32>} : memref<128x32xf32, #tpu.memory_space<vmem>>, vector<16xf32>,
      tpu.vector_store %arg10[%swap3A, %swap3A_56], %gather3A {strides = array<i32>} : memref<128x32xf32, #tpu.memory_space<vmem>>, vector<16xf32>,
      %add3A_58 = arith.constant 16 : i32
      %add3A_59 = vector.broadcast %add3A_58 : i32 to vector<16xi32>
      %add3A_60 = arith.addi %iota3A, %add3A_59 : vector<16xi32>
      %gather3A_61 = tpu.vector_load_idx %arg9[%add3A_60, %broadcast_in_dim3A_48] : memref<32x128xf32, #tpu.memory_space<vmem>>[vector<16xi32>, vector<16xi32>], vector<16xf32>,
      %swap3A_62 = arith.index_cast %add3A_52 : i32 to index
      %swap3A_63 = arith.constant 16 : index
      %swap3A_64 = tpu.vector_load %arg10[%swap3A_62, %swap3A_63] {strides = array<i32>} : memref<128x32xf32, #tpu.memory_space<vmem>>, vector<16xf32>,
      tpu.vector_store %arg10[%swap3A_62, %swap3A_63], %gather3A_61 {strides = array<i32>} : memref<128x32xf32, #tpu.memory_space<vmem>>, vector<16xf32>,
      %eq3A_65 = arith.constant 1 : i32
      %eq3A_66 = vector.broadcast %eq3A_65 : i32 to vector<16xi32>
      %eq3A_67 = arith.cmpi eq, %iota3A, %eq3A_66 : vector<16xi32>
      %jit3A_68 = arith.constant 0 : i32
      %broadcast_in_dim3A_69 = vector.broadcast %jit3A_68 : i32 to vector<16xi32>
      %select_n3A_70 = arith.select %eq3A_67, %get3A_17, %broadcast_in_dim3A_69 : vector<16xi1>, vector<16xi32>
      %reduce_max3A_71 = arith.constant true
      %reduce_max3A_72 = vector.broadcast %reduce_max3A_71 : i1 to vector<16xi1>
      %reduce_max3A_73 = arith.constant -2147483648 : i32
      %reduce_max3A_74 = vector.broadcast %reduce_max3A_73 : i32 to vector<16xi32>
      %reduce_max3A_75 = arith.xori %select_n3A_70, %reduce_max3A_74 : vector<16xi32>
      %reduce_max3A_76 = tpu.scan <max>, %reduce_max3A_75 masked %reduce_max3A_72 : vector<16xi32>, vector<16xi1> -> vector<16xi32>
      %reduce_max3A_77 = arith.xori %reduce_max3A_76, %reduce_max3A_74 : vector<16xi32>
      %reduce_max3A_78 = vector.extract %reduce_max3A_77[15] : i32 from vector<16xi32>
      %jit3A_79 = arith.constant 128 : i32
      %div3A_80 = arith.divsi %reduce_max3A_78, %jit3A_79 : i32
      %sign3A_81 = arith.constant 0 : i32
      %sign3A_82 = arith.cmpi sgt, %reduce_max3A_78, %sign3A_81 : i32
      %sign3A_83 = arith.extui %sign3A_82 : i1 to i32
      %sign3A_84 = arith.constant 0 : i32
      %sign3A_85 = arith.cmpi slt, %reduce_max3A_78, %sign3A_84 : i32
      %sign3A_86 = arith.extui %sign3A_85 : i1 to i32
      %sign3A_87 = arith.subi %sign3A_83, %sign3A_86 : i32
      %sign3A_88 = arith.constant 0 : i32
      %sign3A_89 = arith.cmpi sgt, %jit3A_79, %sign3A_88 : i32
      %sign3A_90 = arith.extui %sign3A_89 : i1 to i32
      %sign3A_91 = arith.constant 0 : i32
      %sign3A_92 = arith.cmpi slt, %jit3A_79, %sign3A_91 : i32
      %sign3A_93 = arith.extui %sign3A_92 : i1 to i32
      %sign3A_94 = arith.subi %sign3A_90, %sign3A_93 : i32
      %ne3A_95 = arith.cmpi ne, %sign3A_87, %sign3A_94 : i32
      %rem3A_96 = arith.remsi %reduce_max3A_78, %jit3A_79 : i32
      %ne3A_97 = arith.constant 0 : i32
      %ne3A_98 = arith.cmpi ne, %rem3A_96, %ne3A_97 : i32
      %and3A_99 = arith.andi %ne3A_95, %ne3A_98 : i1
      %sub3A_100 = arith.constant 1 : i32
      %sub3A_101 = arith.subi %div3A_80, %sub3A_100 : i32
      %select_n3A_102 = arith.select %and3A_99, %sub3A_101, %div3A_80 : i32
      %mul3A_103 = arith.constant 128 : i32
      %mul3A_104 = arith.muli %select_n3A_102, %mul3A_103 : i32
      %sub3A_105 = arith.subi %reduce_max3A_78, %mul3A_104 : i32
      %broadcast_in_dim3A_106 = vector.broadcast %sub3A_105 : i32 to vector<16xi32>
      "tpu.region"() ({
        %run_scoped3A = tpu.sem_alloc : memref<!tpu.dma_semaphore, #tpu.memory_space<semaphore_mem>>
        %dma_start3A = arith.constant 0 : i32
        %dma_start3A_965 = tpu.memref_slice %arg5[%dma_start3A, %mul3A_104] : memref<32x1000xf32, #tpu.memory_space<hbm>> -> memref<32x128xf32, #tpu.memory_space<hbm>>
        %dma_start3A_966 = arith.constant 0 : i32
        %dma_start3A_967 = tpu.memref_slice %arg5[%dma_start3A_966, %mul3A_104] : memref<32x1000xf32, #tpu.memory_space<hbm>> -> memref<32x128xf32, #tpu.memory_space<hbm>>
        tpu.enqueue_dma source(%dma_start3A_967 : memref<32x128xf32, #tpu.memory_space<hbm>>) target(%arg9 : memref<32x128xf32, #tpu.memory_space<vmem>>) target_semaphore(%run_scoped3A : memref<!tpu.dma_semaphore, #tpu.memory_space<semaphore_mem>>)
        %dma_wait3A = arith.constant 0 : i32
        %dma_wait3A_968 = tpu.memref_slice %arg5[%dma_wait3A, %mul3A_104] : memref<32x1000xf32, #tpu.memory_space<hbm>> -> memref<32x128xf32, #tpu.memory_space<hbm>>
        %dma_wait3A_969 = arith.constant 0 : i32
        %dma_wait3A_970 = tpu.memref_slice %arg5[%dma_wait3A_969, %mul3A_104] : memref<32x1000xf32, #tpu.memory_space<hbm>> -> memref<32x128xf32, #tpu.memory_space<hbm>>
        tpu.wait_dma2 semaphore(%run_scoped3A : memref<!tpu.dma_semaphore, #tpu.memory_space<semaphore_mem>>) src(%dma_wait3A_970 : memref<32x128xf32, #tpu.memory_space<hbm>>) dst(%arg9 : memref<32x128xf32, #tpu.memory_space<vmem>>)
        tpu.yield
      }) : () -> ()
      %mul3A_107 = arith.constant 16 : i32
      %mul3A_108 = arith.muli %scan3A_14, %mul3A_107 : i32
      %add3A_109 = arith.constant 1 : i32
      %add3A_110 = arith.addi %mul3A_108, %add3A_109 : i32
      %add3A_111 = arith.constant 0 : i32
      %add3A_112 = vector.broadcast %add3A_111 : i32 to vector<16xi32>
      %add3A_113 = arith.addi %iota3A, %add3A_112 : vector<16xi32>
      %gather3A_114 = tpu.vector_load_idx %arg9[%add3A_113, %broadcast_in_dim3A_106] : memref<32x128xf32, #tpu.memory_space<vmem>>[vector<16xi32>, vector<16xi32>], vector<16xf32>,
      %swap3A_115 = arith.index_cast %add3A_110 : i32 to index
      %swap3A_116 = arith.constant 0 : index
      %swap3A_117 = tpu.vector_load %arg10[%swap3A_115, %swap3A_116] {strides = array<i32>} : memref<128x32xf32, #tpu.memory_space<vmem>>, vector<16xf32>,
      tpu.vector_store %arg10[%swap3A_115, %swap3A_116], %gather3A_114 {strides = array<i32>} : memref<128x32xf32, #tpu.memory_space<vmem>>, vector<16xf32>,
      %add3A_118 = arith.constant 16 : i32
      %add3A_119 = vector.broadcast %add3A_118 : i32 to vector<16xi32>
      %add3A_120 = arith.addi %iota3A, %add3A_119 : vector<16xi32>
      %gather3A_121 = tpu.vector_load_idx %arg9[%add3A_120, %broadcast_in_dim3A_106] : memref<32x128xf32, #tpu.memory_space<vmem>>[vector<16xi32>, vector<16xi32>], vector<16xf32>,
      %swap3A_122 = arith.index_cast %add3A_110 : i32 to index
      %swap3A_123 = arith.constant 16 : index
      %swap3A_124 = tpu.vector_load %arg10[%swap3A_122, %swap3A_123] {strides = array<i32>} : memref<128x32xf32, #tpu.memory_space<vmem>>, vector<16xf32>,
      tpu.vector_store %arg10[%swap3A_122, %swap3A_123], %gather3A_121 {strides = array<i32>} : memref<128x32xf32, #tpu.memory_space<vmem>>, vector<16xf32>,
      %eq3A_125 = arith.constant 2 : i32
      %eq3A_126 = vector.broadcast %eq3A_125 : i32 to vector<16xi32>
      %eq3A_127 = arith.cmpi eq, %iota3A, %eq3A_126 : vector<16xi32>
      %jit3A_128 = arith.constant 0 : i32
      %broadcast_in_dim3A_129 = vector.broadcast %jit3A_128 : i32 to vector<16xi32>
      %select_n3A_130 = arith.select %eq3A_127, %get3A_17, %broadcast_in_dim3A_129 : vector<16xi1>, vector<16xi32>
      %reduce_max3A_131 = arith.constant true
      %reduce_max3A_132 = vector.broadcast %reduce_max3A_131 : i1 to vector<16xi1>
      %reduce_max3A_133 = arith.constant -2147483648 : i32
      %reduce_max3A_134 = vector.broadcast %reduce_max3A_133 : i32 to vector<16xi32>
      %reduce_max3A_135 = arith.xori %select_n3A_130, %reduce_max3A_134 : vector<16xi32>
      %reduce_max3A_136 = tpu.scan <max>, %reduce_max3A_135 masked %reduce_max3A_132 : vector<16xi32>, vector<16xi1> -> vector<16xi32>
      %reduce_max3A_137 = arith.xori %reduce_max3A_136, %reduce_max3A_134 : vector<16xi32>
      %reduce_max3A_138 = vector.extract %reduce_max3A_137[15] : i32 from vector<16xi32>
      %jit3A_139 = arith.constant 128 : i32
      %div3A_140 = arith.divsi %reduce_max3A_138, %jit3A_139 : i32
      %sign3A_141 = arith.constant 0 : i32
      %sign3A_142 = arith.cmpi sgt, %reduce_max3A_138, %sign3A_141 : i32
      %sign3A_143 = arith.extui %sign3A_142 : i1 to i32
      %sign3A_144 = arith.constant 0 : i32
      %sign3A_145 = arith.cmpi slt, %reduce_max3A_138, %sign3A_144 : i32
      %sign3A_146 = arith.extui %sign3A_145 : i1 to i32
      %sign3A_147 = arith.subi %sign3A_143, %sign3A_146 : i32
      %sign3A_148 = arith.constant 0 : i32
      %sign3A_149 = arith.cmpi sgt, %jit3A_139, %sign3A_148 : i32
      %sign3A_150 = arith.extui %sign3A_149 : i1 to i32
      %sign3A_151 = arith.constant 0 : i32
      %sign3A_152 = arith.cmpi slt, %jit3A_139, %sign3A_151 : i32
      %sign3A_153 = arith.extui %sign3A_152 : i1 to i32
      %sign3A_154 = arith.subi %sign3A_150, %sign3A_153 : i32
      %ne3A_155 = arith.cmpi ne, %sign3A_147, %sign3A_154 : i32
      %rem3A_156 = arith.remsi %reduce_max3A_138, %jit3A_139 : i32
      %ne3A_157 = arith.constant 0 : i32
      %ne3A_158 = arith.cmpi ne, %rem3A_156, %ne3A_157 : i32
      %and3A_159 = arith.andi %ne3A_155, %ne3A_158 : i1
      %sub3A_160 = arith.constant 1 : i32
      %sub3A_161 = arith.subi %div3A_140, %sub3A_160 : i32
      %select_n3A_162 = arith.select %and3A_159, %sub3A_161, %div3A_140 : i32
      %mul3A_163 = arith.constant 128 : i32
      %mul3A_164 = arith.muli %select_n3A_162, %mul3A_163 : i32
      %sub3A_165 = arith.subi %reduce_max3A_138, %mul3A_164 : i32
      %broadcast_in_dim3A_166 = vector.broadcast %sub3A_165 : i32 to vector<16xi32>
      "tpu.region"() ({
        %run_scoped3A = tpu.sem_alloc : memref<!tpu.dma_semaphore, #tpu.memory_space<semaphore_mem>>
        %dma_start3A = arith.constant 0 : i32
        %dma_start3A_965 = tpu.memref_slice %arg5[%dma_start3A, %mul3A_164] : memref<32x1000xf32, #tpu.memory_space<hbm>> -> memref<32x128xf32, #tpu.memory_space<hbm>>
        %dma_start3A_966 = arith.constant 0 : i32
        %dma_start3A_967 = tpu.memref_slice %arg5[%dma_start3A_966, %mul3A_164] : memref<32x1000xf32, #tpu.memory_space<hbm>> -> memref<32x128xf32, #tpu.memory_space<hbm>>
        tpu.enqueue_dma source(%dma_start3A_967 : memref<32x128xf32, #tpu.memory_space<hbm>>) target(%arg9 : memref<32x128xf32, #tpu.memory_space<vmem>>) target_semaphore(%run_scoped3A : memref<!tpu.dma_semaphore, #tpu.memory_space<semaphore_mem>>)
        %dma_wait3A = arith.constant 0 : i32
        %dma_wait3A_968 = tpu.memref_slice %arg5[%dma_wait3A, %mul3A_164] : memref<32x1000xf32, #tpu.memory_space<hbm>> -> memref<32x128xf32, #tpu.memory_space<hbm>>
        %dma_wait3A_969 = arith.constant 0 : i32
        %dma_wait3A_970 = tpu.memref_slice %arg5[%dma_wait3A_969, %mul3A_164] : memref<32x1000xf32, #tpu.memory_space<hbm>> -> memref<32x128xf32, #tpu.memory_space<hbm>>
        tpu.wait_dma2 semaphore(%run_scoped3A : memref<!tpu.dma_semaphore, #tpu.memory_space<semaphore_mem>>) src(%dma_wait3A_970 : memref<32x128xf32, #tpu.memory_space<hbm>>) dst(%arg9 : memref<32x128xf32, #tpu.memory_space<vmem>>)
        tpu.yield
      }) : () -> ()
      %mul3A_167 = arith.constant 16 : i32
      %mul3A_168 = arith.muli %scan3A_14, %mul3A_167 : i32
      %add3A_169 = arith.constant 2 : i32
      %add3A_170 = arith.addi %mul3A_168, %add3A_169 : i32
      %add3A_171 = arith.constant 0 : i32
      %add3A_172 = vector.broadcast %add3A_171 : i32 to vector<16xi32>
      %add3A_173 = arith.addi %iota3A, %add3A_172 : vector<16xi32>
      %gather3A_174 = tpu.vector_load_idx %arg9[%add3A_173, %broadcast_in_dim3A_166] : memref<32x128xf32, #tpu.memory_space<vmem>>[vector<16xi32>, vector<16xi32>], vector<16xf32>,
      %swap3A_175 = arith.index_cast %add3A_170 : i32 to index
      %swap3A_176 = arith.constant 0 : index
      %swap3A_177 = tpu.vector_load %arg10[%swap3A_175, %swap3A_176] {strides = array<i32>} : memref<128x32xf32, #tpu.memory_space<vmem>>, vector<16xf32>,
      tpu.vector_store %arg10[%swap3A_175, %swap3A_176], %gather3A_174 {strides = array<i32>} : memref<128x32xf32, #tpu.memory_space<vmem>>, vector<16xf32>,
      %add3A_178 = arith.constant 16 : i32
      %add3A_179 = vector.broadcast %add3A_178 : i32 to vector<16xi32>
      %add3A_180 = arith.addi %iota3A, %add3A_179 : vector<16xi32>
      %gather3A_181 = tpu.vector_load_idx %arg9[%add3A_180, %broadcast_in_dim3A_166] : memref<32x128xf32, #tpu.memory_space<vmem>>[vector<16xi32>, vector<16xi32>], vector<16xf32>,
      %swap3A_182 = arith.index_cast %add3A_170 : i32 to index
      %swap3A_183 = arith.constant 16 : index
      %swap3A_184 = tpu.vector_load %arg10[%swap3A_182, %swap3A_183] {strides = array<i32>} : memref<128x32xf32, #tpu.memory_space<vmem>>, vector<16xf32>,
      tpu.vector_store %arg10[%swap3A_182, %swap3A_183], %gather3A_181 {strides = array<i32>} : memref<128x32xf32, #tpu.memory_space<vmem>>, vector<16xf32>,
      %eq3A_185 = arith.constant 3 : i32
      %eq3A_186 = vector.broadcast %eq3A_185 : i32 to vector<16xi32>
      %eq3A_187 = arith.cmpi eq, %iota3A, %eq3A_186 : vector<16xi32>
      %jit3A_188 = arith.constant 0 : i32
      %broadcast_in_dim3A_189 = vector.broadcast %jit3A_188 : i32 to vector<16xi32>
      %select_n3A_190 = arith.select %eq3A_187, %get3A_17, %broadcast_in_dim3A_189 : vector<16xi1>, vector<16xi32>
      %reduce_max3A_191 = arith.constant true
      %reduce_max3A_192 = vector.broadcast %reduce_max3A_191 : i1 to vector<16xi1>
      %reduce_max3A_193 = arith.constant -2147483648 : i32
      %reduce_max3A_194 = vector.broadcast %reduce_max3A_193 : i32 to vector<16xi32>
      %reduce_max3A_195 = arith.xori %select_n3A_190, %reduce_max3A_194 : vector<16xi32>
      %reduce_max3A_196 = tpu.scan <max>, %reduce_max3A_195 masked %reduce_max3A_192 : vector<16xi32>, vector<16xi1> -> vector<16xi32>
      %reduce_max3A_197 = arith.xori %reduce_max3A_196, %reduce_max3A_194 : vector<16xi32>
      %reduce_max3A_198 = vector.extract %reduce_max3A_197[15] : i32 from vector<16xi32>
      %jit3A_199 = arith.constant 128 : i32
      %div3A_200 = arith.divsi %reduce_max3A_198, %jit3A_199 : i32
      %sign3A_201 = arith.constant 0 : i32
      %sign3A_202 = arith.cmpi sgt, %reduce_max3A_198, %sign3A_201 : i32
      %sign3A_203 = arith.extui %sign3A_202 : i1 to i32
      %sign3A_204 = arith.constant 0 : i32
      %sign3A_205 = arith.cmpi slt, %reduce_max3A_198, %sign3A_204 : i32
      %sign3A_206 = arith.extui %sign3A_205 : i1 to i32
      %sign3A_207 = arith.subi %sign3A_203, %sign3A_206 : i32
      %sign3A_208 = arith.constant 0 : i32
      %sign3A_209 = arith.cmpi sgt, %jit3A_199, %sign3A_208 : i32
      %sign3A_210 = arith.extui %sign3A_209 : i1 to i32
      %sign3A_211 = arith.constant 0 : i32
      %sign3A_212 = arith.cmpi slt, %jit3A_199, %sign3A_211 : i32
      %sign3A_213 = arith.extui %sign3A_212 : i1 to i32
      %sign3A_214 = arith.subi %sign3A_210, %sign3A_213 : i32
      %ne3A_215 = arith.cmpi ne, %sign3A_207, %sign3A_214 : i32
      %rem3A_216 = arith.remsi %reduce_max3A_198, %jit3A_199 : i32
      %ne3A_217 = arith.constant 0 : i32
      %ne3A_218 = arith.cmpi ne, %rem3A_216, %ne3A_217 : i32
      %and3A_219 = arith.andi %ne3A_215, %ne3A_218 : i1
      %sub3A_220 = arith.constant 1 : i32
      %sub3A_221 = arith.subi %div3A_200, %sub3A_220 : i32
      %select_n3A_222 = arith.select %and3A_219, %sub3A_221, %div3A_200 : i32
      %mul3A_223 = arith.constant 128 : i32
      %mul3A_224 = arith.muli %select_n3A_222, %mul3A_223 : i32
      %sub3A_225 = arith.subi %reduce_max3A_198, %mul3A_224 : i32
      %broadcast_in_dim3A_226 = vector.broadcast %sub3A_225 : i32 to vector<16xi32>
      "tpu.region"() ({
        %run_scoped3A = tpu.sem_alloc : memref<!tpu.dma_semaphore, #tpu.memory_space<semaphore_mem>>
        %dma_start3A = arith.constant 0 : i32
        %dma_start3A_965 = tpu.memref_slice %arg5[%dma_start3A, %mul3A_224] : memref<32x1000xf32, #tpu.memory_space<hbm>> -> memref<32x128xf32, #tpu.memory_space<hbm>>
        %dma_start3A_966 = arith.constant 0 : i32
        %dma_start3A_967 = tpu.memref_slice %arg5[%dma_start3A_966, %mul3A_224] : memref<32x1000xf32, #tpu.memory_space<hbm>> -> memref<32x128xf32, #tpu.memory_space<hbm>>
        tpu.enqueue_dma source(%dma_start3A_967 : memref<32x128xf32, #tpu.memory_space<hbm>>) target(%arg9 : memref<32x128xf32, #tpu.memory_space<vmem>>) target_semaphore(%run_scoped3A : memref<!tpu.dma_semaphore, #tpu.memory_space<semaphore_mem>>)
        %dma_wait3A = arith.constant 0 : i32
        %dma_wait3A_968 = tpu.memref_slice %arg5[%dma_wait3A, %mul3A_224] : memref<32x1000xf32, #tpu.memory_space<hbm>> -> memref<32x128xf32, #tpu.memory_space<hbm>>
        %dma_wait3A_969 = arith.constant 0 : i32
        %dma_wait3A_970 = tpu.memref_slice %arg5[%dma_wait3A_969, %mul3A_224] : memref<32x1000xf32, #tpu.memory_space<hbm>> -> memref<32x128xf32, #tpu.memory_space<hbm>>
        tpu.wait_dma2 semaphore(%run_scoped3A : memref<!tpu.dma_semaphore, #tpu.memory_space<semaphore_mem>>) src(%dma_wait3A_970 : memref<32x128xf32, #tpu.memory_space<hbm>>) dst(%arg9 : memref<32x128xf32, #tpu.memory_space<vmem>>)
        tpu.yield
      }) : () -> ()
      %mul3A_227 = arith.constant 16 : i32
      %mul3A_228 = arith.muli %scan3A_14, %mul3A_227 : i32
      %add3A_229 = arith.constant 3 : i32
      %add3A_230 = arith.addi %mul3A_228, %add3A_229 : i32
      %add3A_231 = arith.constant 0 : i32
      %add3A_232 = vector.broadcast %add3A_231 : i32 to vector<16xi32>
      %add3A_233 = arith.addi %iota3A, %add3A_232 : vector<16xi32>
      %gather3A_234 = tpu.vector_load_idx %arg9[%add3A_233, %broadcast_in_dim3A_226] : memref<32x128xf32, #tpu.memory_space<vmem>>[vector<16xi32>, vector<16xi32>], vector<16xf32>,
      %swap3A_235 = arith.index_cast %add3A_230 : i32 to index
      %swap3A_236 = arith.constant 0 : index
      %swap3A_237 = tpu.vector_load %arg10[%swap3A_235, %swap3A_236] {strides = array<i32>} : memref<128x32xf32, #tpu.memory_space<vmem>>, vector<16xf32>,
      tpu.vector_store %arg10[%swap3A_235, %swap3A_236], %gather3A_234 {strides = array<i32>} : memref<128x32xf32, #tpu.memory_space<vmem>>, vector<16xf32>,
      %add3A_238 = arith.constant 16 : i32
      %add3A_239 = vector.broadcast %add3A_238 : i32 to vector<16xi32>
      %add3A_240 = arith.addi %iota3A, %add3A_239 : vector<16xi32>
      %gather3A_241 = tpu.vector_load_idx %arg9[%add3A_240, %broadcast_in_dim3A_226] : memref<32x128xf32, #tpu.memory_space<vmem>>[vector<16xi32>, vector<16xi32>], vector<16xf32>,
      %swap3A_242 = arith.index_cast %add3A_230 : i32 to index
      %swap3A_243 = arith.constant 16 : index
      %swap3A_244 = tpu.vector_load %arg10[%swap3A_242, %swap3A_243] {strides = array<i32>} : memref<128x32xf32, #tpu.memory_space<vmem>>, vector<16xf32>,
      tpu.vector_store %arg10[%swap3A_242, %swap3A_243], %gather3A_241 {strides = array<i32>} : memref<128x32xf32, #tpu.memory_space<vmem>>, vector<16xf32>,
      %eq3A_245 = arith.constant 4 : i32
      %eq3A_246 = vector.broadcast %eq3A_245 : i32 to vector<16xi32>
      %eq3A_247 = arith.cmpi eq, %iota3A, %eq3A_246 : vector<16xi32>
      %jit3A_248 = arith.constant 0 : i32
      %broadcast_in_dim3A_249 = vector.broadcast %jit3A_248 : i32 to vector<16xi32>
      %select_n3A_250 = arith.select %eq3A_247, %get3A_17, %broadcast_in_dim3A_249 : vector<16xi1>, vector<16xi32>
      %reduce_max3A_251 = arith.constant true
      %reduce_max3A_252 = vector.broadcast %reduce_max3A_251 : i1 to vector<16xi1>
      %reduce_max3A_253 = arith.constant -2147483648 : i32
      %reduce_max3A_254 = vector.broadcast %reduce_max3A_253 : i32 to vector<16xi32>
      %reduce_max3A_255 = arith.xori %select_n3A_250, %reduce_max3A_254 : vector<16xi32>
      %reduce_max3A_256 = tpu.scan <max>, %reduce_max3A_255 masked %reduce_max3A_252 : vector<16xi32>, vector<16xi1> -> vector<16xi32>
      %reduce_max3A_257 = arith.xori %reduce_max3A_256, %reduce_max3A_254 : vector<16xi32>
      %reduce_max3A_258 = vector.extract %reduce_max3A_257[15] : i32 from vector<16xi32>
      %jit3A_259 = arith.constant 128 : i32
      %div3A_260 = arith.divsi %reduce_max3A_258, %jit3A_259 : i32
      %sign3A_261 = arith.constant 0 : i32
      %sign3A_262 = arith.cmpi sgt, %reduce_max3A_258, %sign3A_261 : i32
      %sign3A_263 = arith.extui %sign3A_262 : i1 to i32
      %sign3A_264 = arith.constant 0 : i32
      %sign3A_265 = arith.cmpi slt, %reduce_max3A_258, %sign3A_264 : i32
      %sign3A_266 = arith.extui %sign3A_265 : i1 to i32
      %sign3A_267 = arith.subi %sign3A_263, %sign3A_266 : i32
      %sign3A_268 = arith.constant 0 : i32
      %sign3A_269 = arith.cmpi sgt, %jit3A_259, %sign3A_268 : i32
      %sign3A_270 = arith.extui %sign3A_269 : i1 to i32
      %sign3A_271 = arith.constant 0 : i32
      %sign3A_272 = arith.cmpi slt, %jit3A_259, %sign3A_271 : i32
      %sign3A_273 = arith.extui %sign3A_272 : i1 to i32
      %sign3A_274 = arith.subi %sign3A_270, %sign3A_273 : i32
      %ne3A_275 = arith.cmpi ne, %sign3A_267, %sign3A_274 : i32
      %rem3A_276 = arith.remsi %reduce_max3A_258, %jit3A_259 : i32
      %ne3A_277 = arith.constant 0 : i32
      %ne3A_278 = arith.cmpi ne, %rem3A_276, %ne3A_277 : i32
      %and3A_279 = arith.andi %ne3A_275, %ne3A_278 : i1
      %sub3A_280 = arith.constant 1 : i32
      %sub3A_281 = arith.subi %div3A_260, %sub3A_280 : i32
      %select_n3A_282 = arith.select %and3A_279, %sub3A_281, %div3A_260 : i32
      %mul3A_283 = arith.constant 128 : i32
      %mul3A_284 = arith.muli %select_n3A_282, %mul3A_283 : i32
      %sub3A_285 = arith.subi %reduce_max3A_258, %mul3A_284 : i32
      %broadcast_in_dim3A_286 = vector.broadcast %sub3A_285 : i32 to vector<16xi32>
      "tpu.region"() ({
        %run_scoped3A = tpu.sem_alloc : memref<!tpu.dma_semaphore, #tpu.memory_space<semaphore_mem>>
        %dma_start3A = arith.constant 0 : i32
        %dma_start3A_965 = tpu.memref_slice %arg5[%dma_start3A, %mul3A_284] : memref<32x1000xf32, #tpu.memory_space<hbm>> -> memref<32x128xf32, #tpu.memory_space<hbm>>
        %dma_start3A_966 = arith.constant 0 : i32
        %dma_start3A_967 = tpu.memref_slice %arg5[%dma_start3A_966, %mul3A_284] : memref<32x1000xf32, #tpu.memory_space<hbm>> -> memref<32x128xf32, #tpu.memory_space<hbm>>
        tpu.enqueue_dma source(%dma_start3A_967 : memref<32x128xf32, #tpu.memory_space<hbm>>) target(%arg9 : memref<32x128xf32, #tpu.memory_space<vmem>>) target_semaphore(%run_scoped3A : memref<!tpu.dma_semaphore, #tpu.memory_space<semaphore_mem>>)
        %dma_wait3A = arith.constant 0 : i32
        %dma_wait3A_968 = tpu.memref_slice %arg5[%dma_wait3A, %mul3A_284] : memref<32x1000xf32, #tpu.memory_space<hbm>> -> memref<32x128xf32, #tpu.memory_space<hbm>>
        %dma_wait3A_969 = arith.constant 0 : i32
        %dma_wait3A_970 = tpu.memref_slice %arg5[%dma_wait3A_969, %mul3A_284] : memref<32x1000xf32, #tpu.memory_space<hbm>> -> memref<32x128xf32, #tpu.memory_space<hbm>>
        tpu.wait_dma2 semaphore(%run_scoped3A : memref<!tpu.dma_semaphore, #tpu.memory_space<semaphore_mem>>) src(%dma_wait3A_970 : memref<32x128xf32, #tpu.memory_space<hbm>>) dst(%arg9 : memref<32x128xf32, #tpu.memory_space<vmem>>)
        tpu.yield
      }) : () -> ()
      %mul3A_287 = arith.constant 16 : i32
      %mul3A_288 = arith.muli %scan3A_14, %mul3A_287 : i32
      %add3A_289 = arith.constant 4 : i32
      %add3A_290 = arith.addi %mul3A_288, %add3A_289 : i32
      %add3A_291 = arith.constant 0 : i32
      %add3A_292 = vector.broadcast %add3A_291 : i32 to vector<16xi32>
      %add3A_293 = arith.addi %iota3A, %add3A_292 : vector<16xi32>
      %gather3A_294 = tpu.vector_load_idx %arg9[%add3A_293, %broadcast_in_dim3A_286] : memref<32x128xf32, #tpu.memory_space<vmem>>[vector<16xi32>, vector<16xi32>], vector<16xf32>,
      %swap3A_295 = arith.index_cast %add3A_290 : i32 to index
      %swap3A_296 = arith.constant 0 : index
      %swap3A_297 = tpu.vector_load %arg10[%swap3A_295, %swap3A_296] {strides = array<i32>} : memref<128x32xf32, #tpu.memory_space<vmem>>, vector<16xf32>,
      tpu.vector_store %arg10[%swap3A_295, %swap3A_296], %gather3A_294 {strides = array<i32>} : memref<128x32xf32, #tpu.memory_space<vmem>>, vector<16xf32>,
      %add3A_298 = arith.constant 16 : i32
      %add3A_299 = vector.broadcast %add3A_298 : i32 to vector<16xi32>
      %add3A_300 = arith.addi %iota3A, %add3A_299 : vector<16xi32>
      %gather3A_301 = tpu.vector_load_idx %arg9[%add3A_300, %broadcast_in_dim3A_286] : memref<32x128xf32, #tpu.memory_space<vmem>>[vector<16xi32>, vector<16xi32>], vector<16xf32>,
      %swap3A_302 = arith.index_cast %add3A_290 : i32 to index
      %swap3A_303 = arith.constant 16 : index
      %swap3A_304 = tpu.vector_load %arg10[%swap3A_302, %swap3A_303] {strides = array<i32>} : memref<128x32xf32, #tpu.memory_space<vmem>>, vector<16xf32>,
      tpu.vector_store %arg10[%swap3A_302, %swap3A_303], %gather3A_301 {strides = array<i32>} : memref<128x32xf32, #tpu.memory_space<vmem>>, vector<16xf32>,
      %eq3A_305 = arith.constant 5 : i32
      %eq3A_306 = vector.broadcast %eq3A_305 : i32 to vector<16xi32>
      %eq3A_307 = arith.cmpi eq, %iota3A, %eq3A_306 : vector<16xi32>
      %jit3A_308 = arith.constant 0 : i32
      %broadcast_in_dim3A_309 = vector.broadcast %jit3A_308 : i32 to vector<16xi32>
      %select_n3A_310 = arith.select %eq3A_307, %get3A_17, %broadcast_in_dim3A_309 : vector<16xi1>, vector<16xi32>
      %reduce_max3A_311 = arith.constant true
      %reduce_max3A_312 = vector.broadcast %reduce_max3A_311 : i1 to vector<16xi1>
      %reduce_max3A_313 = arith.constant -2147483648 : i32
      %reduce_max3A_314 = vector.broadcast %reduce_max3A_313 : i32 to vector<16xi32>
      %reduce_max3A_315 = arith.xori %select_n3A_310, %reduce_max3A_314 : vector<16xi32>
      %reduce_max3A_316 = tpu.scan <max>, %reduce_max3A_315 masked %reduce_max3A_312 : vector<16xi32>, vector<16xi1> -> vector<16xi32>
      %reduce_max3A_317 = arith.xori %reduce_max3A_316, %reduce_max3A_314 : vector<16xi32>
      %reduce_max3A_318 = vector.extract %reduce_max3A_317[15] : i32 from vector<16xi32>
      %jit3A_319 = arith.constant 128 : i32
      %div3A_320 = arith.divsi %reduce_max3A_318, %jit3A_319 : i32
      %sign3A_321 = arith.constant 0 : i32
      %sign3A_322 = arith.cmpi sgt, %reduce_max3A_318, %sign3A_321 : i32
      %sign3A_323 = arith.extui %sign3A_322 : i1 to i32
      %sign3A_324 = arith.constant 0 : i32
      %sign3A_325 = arith.cmpi slt, %reduce_max3A_318, %sign3A_324 : i32
      %sign3A_326 = arith.extui %sign3A_325 : i1 to i32
      %sign3A_327 = arith.subi %sign3A_323, %sign3A_326 : i32
      %sign3A_328 = arith.constant 0 : i32
      %sign3A_329 = arith.cmpi sgt, %jit3A_319, %sign3A_328 : i32
      %sign3A_330 = arith.extui %sign3A_329 : i1 to i32
      %sign3A_331 = arith.constant 0 : i32
      %sign3A_332 = arith.cmpi slt, %jit3A_319, %sign3A_331 : i32
      %sign3A_333 = arith.extui %sign3A_332 : i1 to i32
      %sign3A_334 = arith.subi %sign3A_330, %sign3A_333 : i32
      %ne3A_335 = arith.cmpi ne, %sign3A_327, %sign3A_334 : i32
      %rem3A_336 = arith.remsi %reduce_max3A_318, %jit3A_319 : i32
      %ne3A_337 = arith.constant 0 : i32
      %ne3A_338 = arith.cmpi ne, %rem3A_336, %ne3A_337 : i32
      %and3A_339 = arith.andi %ne3A_335, %ne3A_338 : i1
      %sub3A_340 = arith.constant 1 : i32
      %sub3A_341 = arith.subi %div3A_320, %sub3A_340 : i32
      %select_n3A_342 = arith.select %and3A_339, %sub3A_341, %div3A_320 : i32
      %mul3A_343 = arith.constant 128 : i32
      %mul3A_344 = arith.muli %select_n3A_342, %mul3A_343 : i32
      %sub3A_345 = arith.subi %reduce_max3A_318, %mul3A_344 : i32
      %broadcast_in_dim3A_346 = vector.broadcast %sub3A_345 : i32 to vector<16xi32>
      "tpu.region"() ({
        %run_scoped3A = tpu.sem_alloc : memref<!tpu.dma_semaphore, #tpu.memory_space<semaphore_mem>>
        %dma_start3A = arith.constant 0 : i32
        %dma_start3A_965 = tpu.memref_slice %arg5[%dma_start3A, %mul3A_344] : memref<32x1000xf32, #tpu.memory_space<hbm>> -> memref<32x128xf32, #tpu.memory_space<hbm>>
        %dma_start3A_966 = arith.constant 0 : i32
        %dma_start3A_967 = tpu.memref_slice %arg5[%dma_start3A_966, %mul3A_344] : memref<32x1000xf32, #tpu.memory_space<hbm>> -> memref<32x128xf32, #tpu.memory_space<hbm>>
        tpu.enqueue_dma source(%dma_start3A_967 : memref<32x128xf32, #tpu.memory_space<hbm>>) target(%arg9 : memref<32x128xf32, #tpu.memory_space<vmem>>) target_semaphore(%run_scoped3A : memref<!tpu.dma_semaphore, #tpu.memory_space<semaphore_mem>>)
        %dma_wait3A = arith.constant 0 : i32
        %dma_wait3A_968 = tpu.memref_slice %arg5[%dma_wait3A, %mul3A_344] : memref<32x1000xf32, #tpu.memory_space<hbm>> -> memref<32x128xf32, #tpu.memory_space<hbm>>
        %dma_wait3A_969 = arith.constant 0 : i32
        %dma_wait3A_970 = tpu.memref_slice %arg5[%dma_wait3A_969, %mul3A_344] : memref<32x1000xf32, #tpu.memory_space<hbm>> -> memref<32x128xf32, #tpu.memory_space<hbm>>
        tpu.wait_dma2 semaphore(%run_scoped3A : memref<!tpu.dma_semaphore, #tpu.memory_space<semaphore_mem>>) src(%dma_wait3A_970 : memref<32x128xf32, #tpu.memory_space<hbm>>) dst(%arg9 : memref<32x128xf32, #tpu.memory_space<vmem>>)
        tpu.yield
      }) : () -> ()
      %mul3A_347 = arith.constant 16 : i32
      %mul3A_348 = arith.muli %scan3A_14, %mul3A_347 : i32
      %add3A_349 = arith.constant 5 : i32
      %add3A_350 = arith.addi %mul3A_348, %add3A_349 : i32
      %add3A_351 = arith.constant 0 : i32
      %add3A_352 = vector.broadcast %add3A_351 : i32 to vector<16xi32>
      %add3A_353 = arith.addi %iota3A, %add3A_352 : vector<16xi32>
      %gather3A_354 = tpu.vector_load_idx %arg9[%add3A_353, %broadcast_in_dim3A_346] : memref<32x128xf32, #tpu.memory_space<vmem>>[vector<16xi32>, vector<16xi32>], vector<16xf32>,
      %swap3A_355 = arith.index_cast %add3A_350 : i32 to index
      %swap3A_356 = arith.constant 0 : index
      %swap3A_357 = tpu.vector_load %arg10[%swap3A_355, %swap3A_356] {strides = array<i32>} : memref<128x32xf32, #tpu.memory_space<vmem>>, vector<16xf32>,
      tpu.vector_store %arg10[%swap3A_355, %swap3A_356], %gather3A_354 {strides = array<i32>} : memref<128x32xf32, #tpu.memory_space<vmem>>, vector<16xf32>,
      %add3A_358 = arith.constant 16 : i32
      %add3A_359 = vector.broadcast %add3A_358 : i32 to vector<16xi32>
      %add3A_360 = arith.addi %iota3A, %add3A_359 : vector<16xi32>
      %gather3A_361 = tpu.vector_load_idx %arg9[%add3A_360, %broadcast_in_dim3A_346] : memref<32x128xf32, #tpu.memory_space<vmem>>[vector<16xi32>, vector<16xi32>], vector<16xf32>,
      %swap3A_362 = arith.index_cast %add3A_350 : i32 to index
      %swap3A_363 = arith.constant 16 : index
      %swap3A_364 = tpu.vector_load %arg10[%swap3A_362, %swap3A_363] {strides = array<i32>} : memref<128x32xf32, #tpu.memory_space<vmem>>, vector<16xf32>,
      tpu.vector_store %arg10[%swap3A_362, %swap3A_363], %gather3A_361 {strides = array<i32>} : memref<128x32xf32, #tpu.memory_space<vmem>>, vector<16xf32>,
      %eq3A_365 = arith.constant 6 : i32
      %eq3A_366 = vector.broadcast %eq3A_365 : i32 to vector<16xi32>
      %eq3A_367 = arith.cmpi eq, %iota3A, %eq3A_366 : vector<16xi32>
      %jit3A_368 = arith.constant 0 : i32
      %broadcast_in_dim3A_369 = vector.broadcast %jit3A_368 : i32 to vector<16xi32>
      %select_n3A_370 = arith.select %eq3A_367, %get3A_17, %broadcast_in_dim3A_369 : vector<16xi1>, vector<16xi32>
      %reduce_max3A_371 = arith.constant true
      %reduce_max3A_372 = vector.broadcast %reduce_max3A_371 : i1 to vector<16xi1>
      %reduce_max3A_373 = arith.constant -2147483648 : i32
      %reduce_max3A_374 = vector.broadcast %reduce_max3A_373 : i32 to vector<16xi32>
      %reduce_max3A_375 = arith.xori %select_n3A_370, %reduce_max3A_374 : vector<16xi32>
      %reduce_max3A_376 = tpu.scan <max>, %reduce_max3A_375 masked %reduce_max3A_372 : vector<16xi32>, vector<16xi1> -> vector<16xi32>
      %reduce_max3A_377 = arith.xori %reduce_max3A_376, %reduce_max3A_374 : vector<16xi32>
      %reduce_max3A_378 = vector.extract %reduce_max3A_377[15] : i32 from vector<16xi32>
      %jit3A_379 = arith.constant 128 : i32
      %div3A_380 = arith.divsi %reduce_max3A_378, %jit3A_379 : i32
      %sign3A_381 = arith.constant 0 : i32
      %sign3A_382 = arith.cmpi sgt, %reduce_max3A_378, %sign3A_381 : i32
      %sign3A_383 = arith.extui %sign3A_382 : i1 to i32
      %sign3A_384 = arith.constant 0 : i32
      %sign3A_385 = arith.cmpi slt, %reduce_max3A_378, %sign3A_384 : i32
      %sign3A_386 = arith.extui %sign3A_385 : i1 to i32
      %sign3A_387 = arith.subi %sign3A_383, %sign3A_386 : i32
      %sign3A_388 = arith.constant 0 : i32
      %sign3A_389 = arith.cmpi sgt, %jit3A_379, %sign3A_388 : i32
      %sign3A_390 = arith.extui %sign3A_389 : i1 to i32
      %sign3A_391 = arith.constant 0 : i32
      %sign3A_392 = arith.cmpi slt, %jit3A_379, %sign3A_391 : i32
      %sign3A_393 = arith.extui %sign3A_392 : i1 to i32
      %sign3A_394 = arith.subi %sign3A_390, %sign3A_393 : i32
      %ne3A_395 = arith.cmpi ne, %sign3A_387, %sign3A_394 : i32
      %rem3A_396 = arith.remsi %reduce_max3A_378, %jit3A_379 : i32
      %ne3A_397 = arith.constant 0 : i32
      %ne3A_398 = arith.cmpi ne, %rem3A_396, %ne3A_397 : i32
      %and3A_399 = arith.andi %ne3A_395, %ne3A_398 : i1
      %sub3A_400 = arith.constant 1 : i32
      %sub3A_401 = arith.subi %div3A_380, %sub3A_400 : i32
      %select_n3A_402 = arith.select %and3A_399, %sub3A_401, %div3A_380 : i32
      %mul3A_403 = arith.constant 128 : i32
      %mul3A_404 = arith.muli %select_n3A_402, %mul3A_403 : i32
      %sub3A_405 = arith.subi %reduce_max3A_378, %mul3A_404 : i32
      %broadcast_in_dim3A_406 = vector.broadcast %sub3A_405 : i32 to vector<16xi32>
      "tpu.region"() ({
        %run_scoped3A = tpu.sem_alloc : memref<!tpu.dma_semaphore, #tpu.memory_space<semaphore_mem>>
        %dma_start3A = arith.constant 0 : i32
        %dma_start3A_965 = tpu.memref_slice %arg5[%dma_start3A, %mul3A_404] : memref<32x1000xf32, #tpu.memory_space<hbm>> -> memref<32x128xf32, #tpu.memory_space<hbm>>
        %dma_start3A_966 = arith.constant 0 : i32
        %dma_start3A_967 = tpu.memref_slice %arg5[%dma_start3A_966, %mul3A_404] : memref<32x1000xf32, #tpu.memory_space<hbm>> -> memref<32x128xf32, #tpu.memory_space<hbm>>
        tpu.enqueue_dma source(%dma_start3A_967 : memref<32x128xf32, #tpu.memory_space<hbm>>) target(%arg9 : memref<32x128xf32, #tpu.memory_space<vmem>>) target_semaphore(%run_scoped3A : memref<!tpu.dma_semaphore, #tpu.memory_space<semaphore_mem>>)
        %dma_wait3A = arith.constant 0 : i32
        %dma_wait3A_968 = tpu.memref_slice %arg5[%dma_wait3A, %mul3A_404] : memref<32x1000xf32, #tpu.memory_space<hbm>> -> memref<32x128xf32, #tpu.memory_space<hbm>>
        %dma_wait3A_969 = arith.constant 0 : i32
        %dma_wait3A_970 = tpu.memref_slice %arg5[%dma_wait3A_969, %mul3A_404] : memref<32x1000xf32, #tpu.memory_space<hbm>> -> memref<32x128xf32, #tpu.memory_space<hbm>>
        tpu.wait_dma2 semaphore(%run_scoped3A : memref<!tpu.dma_semaphore, #tpu.memory_space<semaphore_mem>>) src(%dma_wait3A_970 : memref<32x128xf32, #tpu.memory_space<hbm>>) dst(%arg9 : memref<32x128xf32, #tpu.memory_space<vmem>>)
        tpu.yield
      }) : () -> ()
      %mul3A_407 = arith.constant 16 : i32
      %mul3A_408 = arith.muli %scan3A_14, %mul3A_407 : i32
      %add3A_409 = arith.constant 6 : i32
      %add3A_410 = arith.addi %mul3A_408, %add3A_409 : i32
      %add3A_411 = arith.constant 0 : i32
      %add3A_412 = vector.broadcast %add3A_411 : i32 to vector<16xi32>
      %add3A_413 = arith.addi %iota3A, %add3A_412 : vector<16xi32>
      %gather3A_414 = tpu.vector_load_idx %arg9[%add3A_413, %broadcast_in_dim3A_406] : memref<32x128xf32, #tpu.memory_space<vmem>>[vector<16xi32>, vector<16xi32>], vector<16xf32>,
      %swap3A_415 = arith.index_cast %add3A_410 : i32 to index
      %swap3A_416 = arith.constant 0 : index
      %swap3A_417 = tpu.vector_load %arg10[%swap3A_415, %swap3A_416] {strides = array<i32>} : memref<128x32xf32, #tpu.memory_space<vmem>>, vector<16xf32>,
      tpu.vector_store %arg10[%swap3A_415, %swap3A_416], %gather3A_414 {strides = array<i32>} : memref<128x32xf32, #tpu.memory_space<vmem>>, vector<16xf32>,
      %add3A_418 = arith.constant 16 : i32
      %add3A_419 = vector.broadcast %add3A_418 : i32 to vector<16xi32>
      %add3A_420 = arith.addi %iota3A, %add3A_419 : vector<16xi32>
      %gather3A_421 = tpu.vector_load_idx %arg9[%add3A_420, %broadcast_in_dim3A_406] : memref<32x128xf32, #tpu.memory_space<vmem>>[vector<16xi32>, vector<16xi32>], vector<16xf32>,
      %swap3A_422 = arith.index_cast %add3A_410 : i32 to index
      %swap3A_423 = arith.constant 16 : index
      %swap3A_424 = tpu.vector_load %arg10[%swap3A_422, %swap3A_423] {strides = array<i32>} : memref<128x32xf32, #tpu.memory_space<vmem>>, vector<16xf32>,
      tpu.vector_store %arg10[%swap3A_422, %swap3A_423], %gather3A_421 {strides = array<i32>} : memref<128x32xf32, #tpu.memory_space<vmem>>, vector<16xf32>,
      %eq3A_425 = arith.constant 7 : i32
      %eq3A_426 = vector.broadcast %eq3A_425 : i32 to vector<16xi32>
      %eq3A_427 = arith.cmpi eq, %iota3A, %eq3A_426 : vector<16xi32>
      %jit3A_428 = arith.constant 0 : i32
      %broadcast_in_dim3A_429 = vector.broadcast %jit3A_428 : i32 to vector<16xi32>
      %select_n3A_430 = arith.select %eq3A_427, %get3A_17, %broadcast_in_dim3A_429 : vector<16xi1>, vector<16xi32>
      %reduce_max3A_431 = arith.constant true
      %reduce_max3A_432 = vector.broadcast %reduce_max3A_431 : i1 to vector<16xi1>
      %reduce_max3A_433 = arith.constant -2147483648 : i32
      %reduce_max3A_434 = vector.broadcast %reduce_max3A_433 : i32 to vector<16xi32>
      %reduce_max3A_435 = arith.xori %select_n3A_430, %reduce_max3A_434 : vector<16xi32>
      %reduce_max3A_436 = tpu.scan <max>, %reduce_max3A_435 masked %reduce_max3A_432 : vector<16xi32>, vector<16xi1> -> vector<16xi32>
      %reduce_max3A_437 = arith.xori %reduce_max3A_436, %reduce_max3A_434 : vector<16xi32>
      %reduce_max3A_438 = vector.extract %reduce_max3A_437[15] : i32 from vector<16xi32>
      %jit3A_439 = arith.constant 128 : i32
      %div3A_440 = arith.divsi %reduce_max3A_438, %jit3A_439 : i32
      %sign3A_441 = arith.constant 0 : i32
      %sign3A_442 = arith.cmpi sgt, %reduce_max3A_438, %sign3A_441 : i32
      %sign3A_443 = arith.extui %sign3A_442 : i1 to i32
      %sign3A_444 = arith.constant 0 : i32
      %sign3A_445 = arith.cmpi slt, %reduce_max3A_438, %sign3A_444 : i32
      %sign3A_446 = arith.extui %sign3A_445 : i1 to i32
      %sign3A_447 = arith.subi %sign3A_443, %sign3A_446 : i32
      %sign3A_448 = arith.constant 0 : i32
      %sign3A_449 = arith.cmpi sgt, %jit3A_439, %sign3A_448 : i32
      %sign3A_450 = arith.extui %sign3A_449 : i1 to i32
      %sign3A_451 = arith.constant 0 : i32
      %sign3A_452 = arith.cmpi slt, %jit3A_439, %sign3A_451 : i32
      %sign3A_453 = arith.extui %sign3A_452 : i1 to i32
      %sign3A_454 = arith.subi %sign3A_450, %sign3A_453 : i32
      %ne3A_455 = arith.cmpi ne, %sign3A_447, %sign3A_454 : i32
      %rem3A_456 = arith.remsi %reduce_max3A_438, %jit3A_439 : i32
      %ne3A_457 = arith.constant 0 : i32
      %ne3A_458 = arith.cmpi ne, %rem3A_456, %ne3A_457 : i32
      %and3A_459 = arith.andi %ne3A_455, %ne3A_458 : i1
      %sub3A_460 = arith.constant 1 : i32
      %sub3A_461 = arith.subi %div3A_440, %sub3A_460 : i32
      %select_n3A_462 = arith.select %and3A_459, %sub3A_461, %div3A_440 : i32
      %mul3A_463 = arith.constant 128 : i32
      %mul3A_464 = arith.muli %select_n3A_462, %mul3A_463 : i32
      %sub3A_465 = arith.subi %reduce_max3A_438, %mul3A_464 : i32
      %broadcast_in_dim3A_466 = vector.broadcast %sub3A_465 : i32 to vector<16xi32>
      "tpu.region"() ({
        %run_scoped3A = tpu.sem_alloc : memref<!tpu.dma_semaphore, #tpu.memory_space<semaphore_mem>>
        %dma_start3A = arith.constant 0 : i32
        %dma_start3A_965 = tpu.memref_slice %arg5[%dma_start3A, %mul3A_464] : memref<32x1000xf32, #tpu.memory_space<hbm>> -> memref<32x128xf32, #tpu.memory_space<hbm>>
        %dma_start3A_966 = arith.constant 0 : i32
        %dma_start3A_967 = tpu.memref_slice %arg5[%dma_start3A_966, %mul3A_464] : memref<32x1000xf32, #tpu.memory_space<hbm>> -> memref<32x128xf32, #tpu.memory_space<hbm>>
        tpu.enqueue_dma source(%dma_start3A_967 : memref<32x128xf32, #tpu.memory_space<hbm>>) target(%arg9 : memref<32x128xf32, #tpu.memory_space<vmem>>) target_semaphore(%run_scoped3A : memref<!tpu.dma_semaphore, #tpu.memory_space<semaphore_mem>>)
        %dma_wait3A = arith.constant 0 : i32
        %dma_wait3A_968 = tpu.memref_slice %arg5[%dma_wait3A, %mul3A_464] : memref<32x1000xf32, #tpu.memory_space<hbm>> -> memref<32x128xf32, #tpu.memory_space<hbm>>
        %dma_wait3A_969 = arith.constant 0 : i32
        %dma_wait3A_970 = tpu.memref_slice %arg5[%dma_wait3A_969, %mul3A_464] : memref<32x1000xf32, #tpu.memory_space<hbm>> -> memref<32x128xf32, #tpu.memory_space<hbm>>
        tpu.wait_dma2 semaphore(%run_scoped3A : memref<!tpu.dma_semaphore, #tpu.memory_space<semaphore_mem>>) src(%dma_wait3A_970 : memref<32x128xf32, #tpu.memory_space<hbm>>) dst(%arg9 : memref<32x128xf32, #tpu.memory_space<vmem>>)
        tpu.yield
      }) : () -> ()
      %mul3A_467 = arith.constant 16 : i32
      %mul3A_468 = arith.muli %scan3A_14, %mul3A_467 : i32
      %add3A_469 = arith.constant 7 : i32
      %add3A_470 = arith.addi %mul3A_468, %add3A_469 : i32
      %add3A_471 = arith.constant 0 : i32
      %add3A_472 = vector.broadcast %add3A_471 : i32 to vector<16xi32>
      %add3A_473 = arith.addi %iota3A, %add3A_472 : vector<16xi32>
      %gather3A_474 = tpu.vector_load_idx %arg9[%add3A_473, %broadcast_in_dim3A_466] : memref<32x128xf32, #tpu.memory_space<vmem>>[vector<16xi32>, vector<16xi32>], vector<16xf32>,
      %swap3A_475 = arith.index_cast %add3A_470 : i32 to index
      %swap3A_476 = arith.constant 0 : index
      %swap3A_477 = tpu.vector_load %arg10[%swap3A_475, %swap3A_476] {strides = array<i32>} : memref<128x32xf32, #tpu.memory_space<vmem>>, vector<16xf32>,
      tpu.vector_store %arg10[%swap3A_475, %swap3A_476], %gather3A_474 {strides = array<i32>} : memref<128x32xf32, #tpu.memory_space<vmem>>, vector<16xf32>,
      %add3A_478 = arith.constant 16 : i32
      %add3A_479 = vector.broadcast %add3A_478 : i32 to vector<16xi32>
      %add3A_480 = arith.addi %iota3A, %add3A_479 : vector<16xi32>
      %gather3A_481 = tpu.vector_load_idx %arg9[%add3A_480, %broadcast_in_dim3A_466] : memref<32x128xf32, #tpu.memory_space<vmem>>[vector<16xi32>, vector<16xi32>], vector<16xf32>,
      %swap3A_482 = arith.index_cast %add3A_470 : i32 to index
      %swap3A_483 = arith.constant 16 : index
      %swap3A_484 = tpu.vector_load %arg10[%swap3A_482, %swap3A_483] {strides = array<i32>} : memref<128x32xf32, #tpu.memory_space<vmem>>, vector<16xf32>,
      tpu.vector_store %arg10[%swap3A_482, %swap3A_483], %gather3A_481 {strides = array<i32>} : memref<128x32xf32, #tpu.memory_space<vmem>>, vector<16xf32>,
      %eq3A_485 = arith.constant 8 : i32
      %eq3A_486 = vector.broadcast %eq3A_485 : i32 to vector<16xi32>
      %eq3A_487 = arith.cmpi eq, %iota3A, %eq3A_486 : vector<16xi32>
      %jit3A_488 = arith.constant 0 : i32
      %broadcast_in_dim3A_489 = vector.broadcast %jit3A_488 : i32 to vector<16xi32>
      %select_n3A_490 = arith.select %eq3A_487, %get3A_17, %broadcast_in_dim3A_489 : vector<16xi1>, vector<16xi32>
      %reduce_max3A_491 = arith.constant true
      %reduce_max3A_492 = vector.broadcast %reduce_max3A_491 : i1 to vector<16xi1>
      %reduce_max3A_493 = arith.constant -2147483648 : i32
      %reduce_max3A_494 = vector.broadcast %reduce_max3A_493 : i32 to vector<16xi32>
      %reduce_max3A_495 = arith.xori %select_n3A_490, %reduce_max3A_494 : vector<16xi32>
      %reduce_max3A_496 = tpu.scan <max>, %reduce_max3A_495 masked %reduce_max3A_492 : vector<16xi32>, vector<16xi1> -> vector<16xi32>
      %reduce_max3A_497 = arith.xori %reduce_max3A_496, %reduce_max3A_494 : vector<16xi32>
      %reduce_max3A_498 = vector.extract %reduce_max3A_497[15] : i32 from vector<16xi32>
      %jit3A_499 = arith.constant 128 : i32
      %div3A_500 = arith.divsi %reduce_max3A_498, %jit3A_499 : i32
      %sign3A_501 = arith.constant 0 : i32
      %sign3A_502 = arith.cmpi sgt, %reduce_max3A_498, %sign3A_501 : i32
      %sign3A_503 = arith.extui %sign3A_502 : i1 to i32
      %sign3A_504 = arith.constant 0 : i32
      %sign3A_505 = arith.cmpi slt, %reduce_max3A_498, %sign3A_504 : i32
      %sign3A_506 = arith.extui %sign3A_505 : i1 to i32
      %sign3A_507 = arith.subi %sign3A_503, %sign3A_506 : i32
      %sign3A_508 = arith.constant 0 : i32
      %sign3A_509 = arith.cmpi sgt, %jit3A_499, %sign3A_508 : i32
      %sign3A_510 = arith.extui %sign3A_509 : i1 to i32
      %sign3A_511 = arith.constant 0 : i32
      %sign3A_512 = arith.cmpi slt, %jit3A_499, %sign3A_511 : i32
      %sign3A_513 = arith.extui %sign3A_512 : i1 to i32
      %sign3A_514 = arith.subi %sign3A_510, %sign3A_513 : i32
      %ne3A_515 = arith.cmpi ne, %sign3A_507, %sign3A_514 : i32
      %rem3A_516 = arith.remsi %reduce_max3A_498, %jit3A_499 : i32
      %ne3A_517 = arith.constant 0 : i32
      %ne3A_518 = arith.cmpi ne, %rem3A_516, %ne3A_517 : i32
      %and3A_519 = arith.andi %ne3A_515, %ne3A_518 : i1
      %sub3A_520 = arith.constant 1 : i32
      %sub3A_521 = arith.subi %div3A_500, %sub3A_520 : i32
      %select_n3A_522 = arith.select %and3A_519, %sub3A_521, %div3A_500 : i32
      %mul3A_523 = arith.constant 128 : i32
      %mul3A_524 = arith.muli %select_n3A_522, %mul3A_523 : i32
      %sub3A_525 = arith.subi %reduce_max3A_498, %mul3A_524 : i32
      %broadcast_in_dim3A_526 = vector.broadcast %sub3A_525 : i32 to vector<16xi32>
      "tpu.region"() ({
        %run_scoped3A = tpu.sem_alloc : memref<!tpu.dma_semaphore, #tpu.memory_space<semaphore_mem>>
        %dma_start3A = arith.constant 0 : i32
        %dma_start3A_965 = tpu.memref_slice %arg5[%dma_start3A, %mul3A_524] : memref<32x1000xf32, #tpu.memory_space<hbm>> -> memref<32x128xf32, #tpu.memory_space<hbm>>
        %dma_start3A_966 = arith.constant 0 : i32
        %dma_start3A_967 = tpu.memref_slice %arg5[%dma_start3A_966, %mul3A_524] : memref<32x1000xf32, #tpu.memory_space<hbm>> -> memref<32x128xf32, #tpu.memory_space<hbm>>
        tpu.enqueue_dma source(%dma_start3A_967 : memref<32x128xf32, #tpu.memory_space<hbm>>) target(%arg9 : memref<32x128xf32, #tpu.memory_space<vmem>>) target_semaphore(%run_scoped3A : memref<!tpu.dma_semaphore, #tpu.memory_space<semaphore_mem>>)
        %dma_wait3A = arith.constant 0 : i32
        %dma_wait3A_968 = tpu.memref_slice %arg5[%dma_wait3A, %mul3A_524] : memref<32x1000xf32, #tpu.memory_space<hbm>> -> memref<32x128xf32, #tpu.memory_space<hbm>>
        %dma_wait3A_969 = arith.constant 0 : i32
        %dma_wait3A_970 = tpu.memref_slice %arg5[%dma_wait3A_969, %mul3A_524] : memref<32x1000xf32, #tpu.memory_space<hbm>> -> memref<32x128xf32, #tpu.memory_space<hbm>>
        tpu.wait_dma2 semaphore(%run_scoped3A : memref<!tpu.dma_semaphore, #tpu.memory_space<semaphore_mem>>) src(%dma_wait3A_970 : memref<32x128xf32, #tpu.memory_space<hbm>>) dst(%arg9 : memref<32x128xf32, #tpu.memory_space<vmem>>)
        tpu.yield
      }) : () -> ()
      %mul3A_527 = arith.constant 16 : i32
      %mul3A_528 = arith.muli %scan3A_14, %mul3A_527 : i32
      %add3A_529 = arith.constant 8 : i32
      %add3A_530 = arith.addi %mul3A_528, %add3A_529 : i32
      %add3A_531 = arith.constant 0 : i32
      %add3A_532 = vector.broadcast %add3A_531 : i32 to vector<16xi32>
      %add3A_533 = arith.addi %iota3A, %add3A_532 : vector<16xi32>
      %gather3A_534 = tpu.vector_load_idx %arg9[%add3A_533, %broadcast_in_dim3A_526] : memref<32x128xf32, #tpu.memory_space<vmem>>[vector<16xi32>, vector<16xi32>], vector<16xf32>,
      %swap3A_535 = arith.index_cast %add3A_530 : i32 to index
      %swap3A_536 = arith.constant 0 : index
      %swap3A_537 = tpu.vector_load %arg10[%swap3A_535, %swap3A_536] {strides = array<i32>} : memref<128x32xf32, #tpu.memory_space<vmem>>, vector<16xf32>,
      tpu.vector_store %arg10[%swap3A_535, %swap3A_536], %gather3A_534 {strides = array<i32>} : memref<128x32xf32, #tpu.memory_space<vmem>>, vector<16xf32>,
      %add3A_538 = arith.constant 16 : i32
      %add3A_539 = vector.broadcast %add3A_538 : i32 to vector<16xi32>
      %add3A_540 = arith.addi %iota3A, %add3A_539 : vector<16xi32>
      %gather3A_541 = tpu.vector_load_idx %arg9[%add3A_540, %broadcast_in_dim3A_526] : memref<32x128xf32, #tpu.memory_space<vmem>>[vector<16xi32>, vector<16xi32>], vector<16xf32>,
      %swap3A_542 = arith.index_cast %add3A_530 : i32 to index
      %swap3A_543 = arith.constant 16 : index
      %swap3A_544 = tpu.vector_load %arg10[%swap3A_542, %swap3A_543] {strides = array<i32>} : memref<128x32xf32, #tpu.memory_space<vmem>>, vector<16xf32>,
      tpu.vector_store %arg10[%swap3A_542, %swap3A_543], %gather3A_541 {strides = array<i32>} : memref<128x32xf32, #tpu.memory_space<vmem>>, vector<16xf32>,
      %eq3A_545 = arith.constant 9 : i32
      %eq3A_546 = vector.broadcast %eq3A_545 : i32 to vector<16xi32>
      %eq3A_547 = arith.cmpi eq, %iota3A, %eq3A_546 : vector<16xi32>
      %jit3A_548 = arith.constant 0 : i32
      %broadcast_in_dim3A_549 = vector.broadcast %jit3A_548 : i32 to vector<16xi32>
      %select_n3A_550 = arith.select %eq3A_547, %get3A_17, %broadcast_in_dim3A_549 : vector<16xi1>, vector<16xi32>
      %reduce_max3A_551 = arith.constant true
      %reduce_max3A_552 = vector.broadcast %reduce_max3A_551 : i1 to vector<16xi1>
      %reduce_max3A_553 = arith.constant -2147483648 : i32
      %reduce_max3A_554 = vector.broadcast %reduce_max3A_553 : i32 to vector<16xi32>
      %reduce_max3A_555 = arith.xori %select_n3A_550, %reduce_max3A_554 : vector<16xi32>
      %reduce_max3A_556 = tpu.scan <max>, %reduce_max3A_555 masked %reduce_max3A_552 : vector<16xi32>, vector<16xi1> -> vector<16xi32>
      %reduce_max3A_557 = arith.xori %reduce_max3A_556, %reduce_max3A_554 : vector<16xi32>
      %reduce_max3A_558 = vector.extract %reduce_max3A_557[15] : i32 from vector<16xi32>
      %jit3A_559 = arith.constant 128 : i32
      %div3A_560 = arith.divsi %reduce_max3A_558, %jit3A_559 : i32
      %sign3A_561 = arith.constant 0 : i32
      %sign3A_562 = arith.cmpi sgt, %reduce_max3A_558, %sign3A_561 : i32
      %sign3A_563 = arith.extui %sign3A_562 : i1 to i32
      %sign3A_564 = arith.constant 0 : i32
      %sign3A_565 = arith.cmpi slt, %reduce_max3A_558, %sign3A_564 : i32
      %sign3A_566 = arith.extui %sign3A_565 : i1 to i32
      %sign3A_567 = arith.subi %sign3A_563, %sign3A_566 : i32
      %sign3A_568 = arith.constant 0 : i32
      %sign3A_569 = arith.cmpi sgt, %jit3A_559, %sign3A_568 : i32
      %sign3A_570 = arith.extui %sign3A_569 : i1 to i32
      %sign3A_571 = arith.constant 0 : i32
      %sign3A_572 = arith.cmpi slt, %jit3A_559, %sign3A_571 : i32
      %sign3A_573 = arith.extui %sign3A_572 : i1 to i32
      %sign3A_574 = arith.subi %sign3A_570, %sign3A_573 : i32
      %ne3A_575 = arith.cmpi ne, %sign3A_567, %sign3A_574 : i32
      %rem3A_576 = arith.remsi %reduce_max3A_558, %jit3A_559 : i32
      %ne3A_577 = arith.constant 0 : i32
      %ne3A_578 = arith.cmpi ne, %rem3A_576, %ne3A_577 : i32
      %and3A_579 = arith.andi %ne3A_575, %ne3A_578 : i1
      %sub3A_580 = arith.constant 1 : i32
      %sub3A_581 = arith.subi %div3A_560, %sub3A_580 : i32
      %select_n3A_582 = arith.select %and3A_579, %sub3A_581, %div3A_560 : i32
      %mul3A_583 = arith.constant 128 : i32
      %mul3A_584 = arith.muli %select_n3A_582, %mul3A_583 : i32
      %sub3A_585 = arith.subi %reduce_max3A_558, %mul3A_584 : i32
      %broadcast_in_dim3A_586 = vector.broadcast %sub3A_585 : i32 to vector<16xi32>
      "tpu.region"() ({
        %run_scoped3A = tpu.sem_alloc : memref<!tpu.dma_semaphore, #tpu.memory_space<semaphore_mem>>
        %dma_start3A = arith.constant 0 : i32
        %dma_start3A_965 = tpu.memref_slice %arg5[%dma_start3A, %mul3A_584] : memref<32x1000xf32, #tpu.memory_space<hbm>> -> memref<32x128xf32, #tpu.memory_space<hbm>>
        %dma_start3A_966 = arith.constant 0 : i32
        %dma_start3A_967 = tpu.memref_slice %arg5[%dma_start3A_966, %mul3A_584] : memref<32x1000xf32, #tpu.memory_space<hbm>> -> memref<32x128xf32, #tpu.memory_space<hbm>>
        tpu.enqueue_dma source(%dma_start3A_967 : memref<32x128xf32, #tpu.memory_space<hbm>>) target(%arg9 : memref<32x128xf32, #tpu.memory_space<vmem>>) target_semaphore(%run_scoped3A : memref<!tpu.dma_semaphore, #tpu.memory_space<semaphore_mem>>)
        %dma_wait3A = arith.constant 0 : i32
        %dma_wait3A_968 = tpu.memref_slice %arg5[%dma_wait3A, %mul3A_584] : memref<32x1000xf32, #tpu.memory_space<hbm>> -> memref<32x128xf32, #tpu.memory_space<hbm>>
        %dma_wait3A_969 = arith.constant 0 : i32
        %dma_wait3A_970 = tpu.memref_slice %arg5[%dma_wait3A_969, %mul3A_584] : memref<32x1000xf32, #tpu.memory_space<hbm>> -> memref<32x128xf32, #tpu.memory_space<hbm>>
        tpu.wait_dma2 semaphore(%run_scoped3A : memref<!tpu.dma_semaphore, #tpu.memory_space<semaphore_mem>>) src(%dma_wait3A_970 : memref<32x128xf32, #tpu.memory_space<hbm>>) dst(%arg9 : memref<32x128xf32, #tpu.memory_space<vmem>>)
        tpu.yield
      }) : () -> ()
      %mul3A_587 = arith.constant 16 : i32
      %mul3A_588 = arith.muli %scan3A_14, %mul3A_587 : i32
      %add3A_589 = arith.constant 9 : i32
      %add3A_590 = arith.addi %mul3A_588, %add3A_589 : i32
      %add3A_591 = arith.constant 0 : i32
      %add3A_592 = vector.broadcast %add3A_591 : i32 to vector<16xi32>
      %add3A_593 = arith.addi %iota3A, %add3A_592 : vector<16xi32>
      %gather3A_594 = tpu.vector_load_idx %arg9[%add3A_593, %broadcast_in_dim3A_586] : memref<32x128xf32, #tpu.memory_space<vmem>>[vector<16xi32>, vector<16xi32>], vector<16xf32>,
      %swap3A_595 = arith.index_cast %add3A_590 : i32 to index
      %swap3A_596 = arith.constant 0 : index
      %swap3A_597 = tpu.vector_load %arg10[%swap3A_595, %swap3A_596] {strides = array<i32>} : memref<128x32xf32, #tpu.memory_space<vmem>>, vector<16xf32>,
      tpu.vector_store %arg10[%swap3A_595, %swap3A_596], %gather3A_594 {strides = array<i32>} : memref<128x32xf32, #tpu.memory_space<vmem>>, vector<16xf32>,
      %add3A_598 = arith.constant 16 : i32
      %add3A_599 = vector.broadcast %add3A_598 : i32 to vector<16xi32>
      %add3A_600 = arith.addi %iota3A, %add3A_599 : vector<16xi32>
      %gather3A_601 = tpu.vector_load_idx %arg9[%add3A_600, %broadcast_in_dim3A_586] : memref<32x128xf32, #tpu.memory_space<vmem>>[vector<16xi32>, vector<16xi32>], vector<16xf32>,
      %swap3A_602 = arith.index_cast %add3A_590 : i32 to index
      %swap3A_603 = arith.constant 16 : index
      %swap3A_604 = tpu.vector_load %arg10[%swap3A_602, %swap3A_603] {strides = array<i32>} : memref<128x32xf32, #tpu.memory_space<vmem>>, vector<16xf32>,
      tpu.vector_store %arg10[%swap3A_602, %swap3A_603], %gather3A_601 {strides = array<i32>} : memref<128x32xf32, #tpu.memory_space<vmem>>, vector<16xf32>,
      %eq3A_605 = arith.constant 10 : i32
      %eq3A_606 = vector.broadcast %eq3A_605 : i32 to vector<16xi32>
      %eq3A_607 = arith.cmpi eq, %iota3A, %eq3A_606 : vector<16xi32>
      %jit3A_608 = arith.constant 0 : i32
      %broadcast_in_dim3A_609 = vector.broadcast %jit3A_608 : i32 to vector<16xi32>
      %select_n3A_610 = arith.select %eq3A_607, %get3A_17, %broadcast_in_dim3A_609 : vector<16xi1>, vector<16xi32>
      %reduce_max3A_611 = arith.constant true
      %reduce_max3A_612 = vector.broadcast %reduce_max3A_611 : i1 to vector<16xi1>
      %reduce_max3A_613 = arith.constant -2147483648 : i32
      %reduce_max3A_614 = vector.broadcast %reduce_max3A_613 : i32 to vector<16xi32>
      %reduce_max3A_615 = arith.xori %select_n3A_610, %reduce_max3A_614 : vector<16xi32>
      %reduce_max3A_616 = tpu.scan <max>, %reduce_max3A_615 masked %reduce_max3A_612 : vector<16xi32>, vector<16xi1> -> vector<16xi32>
      %reduce_max3A_617 = arith.xori %reduce_max3A_616, %reduce_max3A_614 : vector<16xi32>
      %reduce_max3A_618 = vector.extract %reduce_max3A_617[15] : i32 from vector<16xi32>
      %jit3A_619 = arith.constant 128 : i32
      %div3A_620 = arith.divsi %reduce_max3A_618, %jit3A_619 : i32
      %sign3A_621 = arith.constant 0 : i32
      %sign3A_622 = arith.cmpi sgt, %reduce_max3A_618, %sign3A_621 : i32
      %sign3A_623 = arith.extui %sign3A_622 : i1 to i32
      %sign3A_624 = arith.constant 0 : i32
      %sign3A_625 = arith.cmpi slt, %reduce_max3A_618, %sign3A_624 : i32
      %sign3A_626 = arith.extui %sign3A_625 : i1 to i32
      %sign3A_627 = arith.subi %sign3A_623, %sign3A_626 : i32
      %sign3A_628 = arith.constant 0 : i32
      %sign3A_629 = arith.cmpi sgt, %jit3A_619, %sign3A_628 : i32
      %sign3A_630 = arith.extui %sign3A_629 : i1 to i32
      %sign3A_631 = arith.constant 0 : i32
      %sign3A_632 = arith.cmpi slt, %jit3A_619, %sign3A_631 : i32
      %sign3A_633 = arith.extui %sign3A_632 : i1 to i32
      %sign3A_634 = arith.subi %sign3A_630, %sign3A_633 : i32
      %ne3A_635 = arith.cmpi ne, %sign3A_627, %sign3A_634 : i32
      %rem3A_636 = arith.remsi %reduce_max3A_618, %jit3A_619 : i32
      %ne3A_637 = arith.constant 0 : i32
      %ne3A_638 = arith.cmpi ne, %rem3A_636, %ne3A_637 : i32
      %and3A_639 = arith.andi %ne3A_635, %ne3A_638 : i1
      %sub3A_640 = arith.constant 1 : i32
      %sub3A_641 = arith.subi %div3A_620, %sub3A_640 : i32
      %select_n3A_642 = arith.select %and3A_639, %sub3A_641, %div3A_620 : i32
      %mul3A_643 = arith.constant 128 : i32
      %mul3A_644 = arith.muli %select_n3A_642, %mul3A_643 : i32
      %sub3A_645 = arith.subi %reduce_max3A_618, %mul3A_644 : i32
      %broadcast_in_dim3A_646 = vector.broadcast %sub3A_645 : i32 to vector<16xi32>
      "tpu.region"() ({
        %run_scoped3A = tpu.sem_alloc : memref<!tpu.dma_semaphore, #tpu.memory_space<semaphore_mem>>
        %dma_start3A = arith.constant 0 : i32
        %dma_start3A_965 = tpu.memref_slice %arg5[%dma_start3A, %mul3A_644] : memref<32x1000xf32, #tpu.memory_space<hbm>> -> memref<32x128xf32, #tpu.memory_space<hbm>>
        %dma_start3A_966 = arith.constant 0 : i32
        %dma_start3A_967 = tpu.memref_slice %arg5[%dma_start3A_966, %mul3A_644] : memref<32x1000xf32, #tpu.memory_space<hbm>> -> memref<32x128xf32, #tpu.memory_space<hbm>>
        tpu.enqueue_dma source(%dma_start3A_967 : memref<32x128xf32, #tpu.memory_space<hbm>>) target(%arg9 : memref<32x128xf32, #tpu.memory_space<vmem>>) target_semaphore(%run_scoped3A : memref<!tpu.dma_semaphore, #tpu.memory_space<semaphore_mem>>)
        %dma_wait3A = arith.constant 0 : i32
        %dma_wait3A_968 = tpu.memref_slice %arg5[%dma_wait3A, %mul3A_644] : memref<32x1000xf32, #tpu.memory_space<hbm>> -> memref<32x128xf32, #tpu.memory_space<hbm>>
        %dma_wait3A_969 = arith.constant 0 : i32
        %dma_wait3A_970 = tpu.memref_slice %arg5[%dma_wait3A_969, %mul3A_644] : memref<32x1000xf32, #tpu.memory_space<hbm>> -> memref<32x128xf32, #tpu.memory_space<hbm>>
        tpu.wait_dma2 semaphore(%run_scoped3A : memref<!tpu.dma_semaphore, #tpu.memory_space<semaphore_mem>>) src(%dma_wait3A_970 : memref<32x128xf32, #tpu.memory_space<hbm>>) dst(%arg9 : memref<32x128xf32, #tpu.memory_space<vmem>>)
        tpu.yield
      }) : () -> ()
      %mul3A_647 = arith.constant 16 : i32
      %mul3A_648 = arith.muli %scan3A_14, %mul3A_647 : i32
      %add3A_649 = arith.constant 10 : i32
      %add3A_650 = arith.addi %mul3A_648, %add3A_649 : i32
      %add3A_651 = arith.constant 0 : i32
      %add3A_652 = vector.broadcast %add3A_651 : i32 to vector<16xi32>
      %add3A_653 = arith.addi %iota3A, %add3A_652 : vector<16xi32>
      %gather3A_654 = tpu.vector_load_idx %arg9[%add3A_653, %broadcast_in_dim3A_646] : memref<32x128xf32, #tpu.memory_space<vmem>>[vector<16xi32>, vector<16xi32>], vector<16xf32>,
      %swap3A_655 = arith.index_cast %add3A_650 : i32 to index
      %swap3A_656 = arith.constant 0 : index
      %swap3A_657 = tpu.vector_load %arg10[%swap3A_655, %swap3A_656] {strides = array<i32>} : memref<128x32xf32, #tpu.memory_space<vmem>>, vector<16xf32>,
      tpu.vector_store %arg10[%swap3A_655, %swap3A_656], %gather3A_654 {strides = array<i32>} : memref<128x32xf32, #tpu.memory_space<vmem>>, vector<16xf32>,
      %add3A_658 = arith.constant 16 : i32
      %add3A_659 = vector.broadcast %add3A_658 : i32 to vector<16xi32>
      %add3A_660 = arith.addi %iota3A, %add3A_659 : vector<16xi32>
      %gather3A_661 = tpu.vector_load_idx %arg9[%add3A_660, %broadcast_in_dim3A_646] : memref<32x128xf32, #tpu.memory_space<vmem>>[vector<16xi32>, vector<16xi32>], vector<16xf32>,
      %swap3A_662 = arith.index_cast %add3A_650 : i32 to index
      %swap3A_663 = arith.constant 16 : index
      %swap3A_664 = tpu.vector_load %arg10[%swap3A_662, %swap3A_663] {strides = array<i32>} : memref<128x32xf32, #tpu.memory_space<vmem>>, vector<16xf32>,
      tpu.vector_store %arg10[%swap3A_662, %swap3A_663], %gather3A_661 {strides = array<i32>} : memref<128x32xf32, #tpu.memory_space<vmem>>, vector<16xf32>,
      %eq3A_665 = arith.constant 11 : i32
      %eq3A_666 = vector.broadcast %eq3A_665 : i32 to vector<16xi32>
      %eq3A_667 = arith.cmpi eq, %iota3A, %eq3A_666 : vector<16xi32>
      %jit3A_668 = arith.constant 0 : i32
      %broadcast_in_dim3A_669 = vector.broadcast %jit3A_668 : i32 to vector<16xi32>
      %select_n3A_670 = arith.select %eq3A_667, %get3A_17, %broadcast_in_dim3A_669 : vector<16xi1>, vector<16xi32>
      %reduce_max3A_671 = arith.constant true
      %reduce_max3A_672 = vector.broadcast %reduce_max3A_671 : i1 to vector<16xi1>
      %reduce_max3A_673 = arith.constant -2147483648 : i32
      %reduce_max3A_674 = vector.broadcast %reduce_max3A_673 : i32 to vector<16xi32>
      %reduce_max3A_675 = arith.xori %select_n3A_670, %reduce_max3A_674 : vector<16xi32>
      %reduce_max3A_676 = tpu.scan <max>, %reduce_max3A_675 masked %reduce_max3A_672 : vector<16xi32>, vector<16xi1> -> vector<16xi32>
      %reduce_max3A_677 = arith.xori %reduce_max3A_676, %reduce_max3A_674 : vector<16xi32>
      %reduce_max3A_678 = vector.extract %reduce_max3A_677[15] : i32 from vector<16xi32>
      %jit3A_679 = arith.constant 128 : i32
      %div3A_680 = arith.divsi %reduce_max3A_678, %jit3A_679 : i32
      %sign3A_681 = arith.constant 0 : i32
      %sign3A_682 = arith.cmpi sgt, %reduce_max3A_678, %sign3A_681 : i32
      %sign3A_683 = arith.extui %sign3A_682 : i1 to i32
      %sign3A_684 = arith.constant 0 : i32
      %sign3A_685 = arith.cmpi slt, %reduce_max3A_678, %sign3A_684 : i32
      %sign3A_686 = arith.extui %sign3A_685 : i1 to i32
      %sign3A_687 = arith.subi %sign3A_683, %sign3A_686 : i32
      %sign3A_688 = arith.constant 0 : i32
      %sign3A_689 = arith.cmpi sgt, %jit3A_679, %sign3A_688 : i32
      %sign3A_690 = arith.extui %sign3A_689 : i1 to i32
      %sign3A_691 = arith.constant 0 : i32
      %sign3A_692 = arith.cmpi slt, %jit3A_679, %sign3A_691 : i32
      %sign3A_693 = arith.extui %sign3A_692 : i1 to i32
      %sign3A_694 = arith.subi %sign3A_690, %sign3A_693 : i32
      %ne3A_695 = arith.cmpi ne, %sign3A_687, %sign3A_694 : i32
      %rem3A_696 = arith.remsi %reduce_max3A_678, %jit3A_679 : i32
      %ne3A_697 = arith.constant 0 : i32
      %ne3A_698 = arith.cmpi ne, %rem3A_696, %ne3A_697 : i32
      %and3A_699 = arith.andi %ne3A_695, %ne3A_698 : i1
      %sub3A_700 = arith.constant 1 : i32
      %sub3A_701 = arith.subi %div3A_680, %sub3A_700 : i32
      %select_n3A_702 = arith.select %and3A_699, %sub3A_701, %div3A_680 : i32
      %mul3A_703 = arith.constant 128 : i32
      %mul3A_704 = arith.muli %select_n3A_702, %mul3A_703 : i32
      %sub3A_705 = arith.subi %reduce_max3A_678, %mul3A_704 : i32
      %broadcast_in_dim3A_706 = vector.broadcast %sub3A_705 : i32 to vector<16xi32>
      "tpu.region"() ({
        %run_scoped3A = tpu.sem_alloc : memref<!tpu.dma_semaphore, #tpu.memory_space<semaphore_mem>>
        %dma_start3A = arith.constant 0 : i32
        %dma_start3A_965 = tpu.memref_slice %arg5[%dma_start3A, %mul3A_704] : memref<32x1000xf32, #tpu.memory_space<hbm>> -> memref<32x128xf32, #tpu.memory_space<hbm>>
        %dma_start3A_966 = arith.constant 0 : i32
        %dma_start3A_967 = tpu.memref_slice %arg5[%dma_start3A_966, %mul3A_704] : memref<32x1000xf32, #tpu.memory_space<hbm>> -> memref<32x128xf32, #tpu.memory_space<hbm>>
        tpu.enqueue_dma source(%dma_start3A_967 : memref<32x128xf32, #tpu.memory_space<hbm>>) target(%arg9 : memref<32x128xf32, #tpu.memory_space<vmem>>) target_semaphore(%run_scoped3A : memref<!tpu.dma_semaphore, #tpu.memory_space<semaphore_mem>>)
        %dma_wait3A = arith.constant 0 : i32
        %dma_wait3A_968 = tpu.memref_slice %arg5[%dma_wait3A, %mul3A_704] : memref<32x1000xf32, #tpu.memory_space<hbm>> -> memref<32x128xf32, #tpu.memory_space<hbm>>
        %dma_wait3A_969 = arith.constant 0 : i32
        %dma_wait3A_970 = tpu.memref_slice %arg5[%dma_wait3A_969, %mul3A_704] : memref<32x1000xf32, #tpu.memory_space<hbm>> -> memref<32x128xf32, #tpu.memory_space<hbm>>
        tpu.wait_dma2 semaphore(%run_scoped3A : memref<!tpu.dma_semaphore, #tpu.memory_space<semaphore_mem>>) src(%dma_wait3A_970 : memref<32x128xf32, #tpu.memory_space<hbm>>) dst(%arg9 : memref<32x128xf32, #tpu.memory_space<vmem>>)
        tpu.yield
      }) : () -> ()
      %mul3A_707 = arith.constant 16 : i32
      %mul3A_708 = arith.muli %scan3A_14, %mul3A_707 : i32
      %add3A_709 = arith.constant 11 : i32
      %add3A_710 = arith.addi %mul3A_708, %add3A_709 : i32
      %add3A_711 = arith.constant 0 : i32
      %add3A_712 = vector.broadcast %add3A_711 : i32 to vector<16xi32>
      %add3A_713 = arith.addi %iota3A, %add3A_712 : vector<16xi32>
      %gather3A_714 = tpu.vector_load_idx %arg9[%add3A_713, %broadcast_in_dim3A_706] : memref<32x128xf32, #tpu.memory_space<vmem>>[vector<16xi32>, vector<16xi32>], vector<16xf32>,
      %swap3A_715 = arith.index_cast %add3A_710 : i32 to index
      %swap3A_716 = arith.constant 0 : index
      %swap3A_717 = tpu.vector_load %arg10[%swap3A_715, %swap3A_716] {strides = array<i32>} : memref<128x32xf32, #tpu.memory_space<vmem>>, vector<16xf32>,
      tpu.vector_store %arg10[%swap3A_715, %swap3A_716], %gather3A_714 {strides = array<i32>} : memref<128x32xf32, #tpu.memory_space<vmem>>, vector<16xf32>,
      %add3A_718 = arith.constant 16 : i32
      %add3A_719 = vector.broadcast %add3A_718 : i32 to vector<16xi32>
      %add3A_720 = arith.addi %iota3A, %add3A_719 : vector<16xi32>
      %gather3A_721 = tpu.vector_load_idx %arg9[%add3A_720, %broadcast_in_dim3A_706] : memref<32x128xf32, #tpu.memory_space<vmem>>[vector<16xi32>, vector<16xi32>], vector<16xf32>,
      %swap3A_722 = arith.index_cast %add3A_710 : i32 to index
      %swap3A_723 = arith.constant 16 : index
      %swap3A_724 = tpu.vector_load %arg10[%swap3A_722, %swap3A_723] {strides = array<i32>} : memref<128x32xf32, #tpu.memory_space<vmem>>, vector<16xf32>,
      tpu.vector_store %arg10[%swap3A_722, %swap3A_723], %gather3A_721 {strides = array<i32>} : memref<128x32xf32, #tpu.memory_space<vmem>>, vector<16xf32>,
      %eq3A_725 = arith.constant 12 : i32
      %eq3A_726 = vector.broadcast %eq3A_725 : i32 to vector<16xi32>
      %eq3A_727 = arith.cmpi eq, %iota3A, %eq3A_726 : vector<16xi32>
      %jit3A_728 = arith.constant 0 : i32
      %broadcast_in_dim3A_729 = vector.broadcast %jit3A_728 : i32 to vector<16xi32>
      %select_n3A_730 = arith.select %eq3A_727, %get3A_17, %broadcast_in_dim3A_729 : vector<16xi1>, vector<16xi32>
      %reduce_max3A_731 = arith.constant true
      %reduce_max3A_732 = vector.broadcast %reduce_max3A_731 : i1 to vector<16xi1>
      %reduce_max3A_733 = arith.constant -2147483648 : i32
      %reduce_max3A_734 = vector.broadcast %reduce_max3A_733 : i32 to vector<16xi32>
      %reduce_max3A_735 = arith.xori %select_n3A_730, %reduce_max3A_734 : vector<16xi32>
      %reduce_max3A_736 = tpu.scan <max>, %reduce_max3A_735 masked %reduce_max3A_732 : vector<16xi32>, vector<16xi1> -> vector<16xi32>
      %reduce_max3A_737 = arith.xori %reduce_max3A_736, %reduce_max3A_734 : vector<16xi32>
      %reduce_max3A_738 = vector.extract %reduce_max3A_737[15] : i32 from vector<16xi32>
      %jit3A_739 = arith.constant 128 : i32
      %div3A_740 = arith.divsi %reduce_max3A_738, %jit3A_739 : i32
      %sign3A_741 = arith.constant 0 : i32
      %sign3A_742 = arith.cmpi sgt, %reduce_max3A_738, %sign3A_741 : i32
      %sign3A_743 = arith.extui %sign3A_742 : i1 to i32
      %sign3A_744 = arith.constant 0 : i32
      %sign3A_745 = arith.cmpi slt, %reduce_max3A_738, %sign3A_744 : i32
      %sign3A_746 = arith.extui %sign3A_745 : i1 to i32
      %sign3A_747 = arith.subi %sign3A_743, %sign3A_746 : i32
      %sign3A_748 = arith.constant 0 : i32
      %sign3A_749 = arith.cmpi sgt, %jit3A_739, %sign3A_748 : i32
      %sign3A_750 = arith.extui %sign3A_749 : i1 to i32
      %sign3A_751 = arith.constant 0 : i32
      %sign3A_752 = arith.cmpi slt, %jit3A_739, %sign3A_751 : i32
      %sign3A_753 = arith.extui %sign3A_752 : i1 to i32
      %sign3A_754 = arith.subi %sign3A_750, %sign3A_753 : i32
      %ne3A_755 = arith.cmpi ne, %sign3A_747, %sign3A_754 : i32
      %rem3A_756 = arith.remsi %reduce_max3A_738, %jit3A_739 : i32
      %ne3A_757 = arith.constant 0 : i32
      %ne3A_758 = arith.cmpi ne, %rem3A_756, %ne3A_757 : i32
      %and3A_759 = arith.andi %ne3A_755, %ne3A_758 : i1
      %sub3A_760 = arith.constant 1 : i32
      %sub3A_761 = arith.subi %div3A_740, %sub3A_760 : i32
      %select_n3A_762 = arith.select %and3A_759, %sub3A_761, %div3A_740 : i32
      %mul3A_763 = arith.constant 128 : i32
      %mul3A_764 = arith.muli %select_n3A_762, %mul3A_763 : i32
      %sub3A_765 = arith.subi %reduce_max3A_738, %mul3A_764 : i32
      %broadcast_in_dim3A_766 = vector.broadcast %sub3A_765 : i32 to vector<16xi32>
      "tpu.region"() ({
        %run_scoped3A = tpu.sem_alloc : memref<!tpu.dma_semaphore, #tpu.memory_space<semaphore_mem>>
        %dma_start3A = arith.constant 0 : i32
        %dma_start3A_965 = tpu.memref_slice %arg5[%dma_start3A, %mul3A_764] : memref<32x1000xf32, #tpu.memory_space<hbm>> -> memref<32x128xf32, #tpu.memory_space<hbm>>
        %dma_start3A_966 = arith.constant 0 : i32
        %dma_start3A_967 = tpu.memref_slice %arg5[%dma_start3A_966, %mul3A_764] : memref<32x1000xf32, #tpu.memory_space<hbm>> -> memref<32x128xf32, #tpu.memory_space<hbm>>
        tpu.enqueue_dma source(%dma_start3A_967 : memref<32x128xf32, #tpu.memory_space<hbm>>) target(%arg9 : memref<32x128xf32, #tpu.memory_space<vmem>>) target_semaphore(%run_scoped3A : memref<!tpu.dma_semaphore, #tpu.memory_space<semaphore_mem>>)
        %dma_wait3A = arith.constant 0 : i32
        %dma_wait3A_968 = tpu.memref_slice %arg5[%dma_wait3A, %mul3A_764] : memref<32x1000xf32, #tpu.memory_space<hbm>> -> memref<32x128xf32, #tpu.memory_space<hbm>>
        %dma_wait3A_969 = arith.constant 0 : i32
        %dma_wait3A_970 = tpu.memref_slice %arg5[%dma_wait3A_969, %mul3A_764] : memref<32x1000xf32, #tpu.memory_space<hbm>> -> memref<32x128xf32, #tpu.memory_space<hbm>>
        tpu.wait_dma2 semaphore(%run_scoped3A : memref<!tpu.dma_semaphore, #tpu.memory_space<semaphore_mem>>) src(%dma_wait3A_970 : memref<32x128xf32, #tpu.memory_space<hbm>>) dst(%arg9 : memref<32x128xf32, #tpu.memory_space<vmem>>)
        tpu.yield
      }) : () -> ()
      %mul3A_767 = arith.constant 16 : i32
      %mul3A_768 = arith.muli %scan3A_14, %mul3A_767 : i32
      %add3A_769 = arith.constant 12 : i32
      %add3A_770 = arith.addi %mul3A_768, %add3A_769 : i32
      %add3A_771 = arith.constant 0 : i32
      %add3A_772 = vector.broadcast %add3A_771 : i32 to vector<16xi32>
      %add3A_773 = arith.addi %iota3A, %add3A_772 : vector<16xi32>
      %gather3A_774 = tpu.vector_load_idx %arg9[%add3A_773, %broadcast_in_dim3A_766] : memref<32x128xf32, #tpu.memory_space<vmem>>[vector<16xi32>, vector<16xi32>], vector<16xf32>,
      %swap3A_775 = arith.index_cast %add3A_770 : i32 to index
      %swap3A_776 = arith.constant 0 : index
      %swap3A_777 = tpu.vector_load %arg10[%swap3A_775, %swap3A_776] {strides = array<i32>} : memref<128x32xf32, #tpu.memory_space<vmem>>, vector<16xf32>,
      tpu.vector_store %arg10[%swap3A_775, %swap3A_776], %gather3A_774 {strides = array<i32>} : memref<128x32xf32, #tpu.memory_space<vmem>>, vector<16xf32>,
      %add3A_778 = arith.constant 16 : i32
      %add3A_779 = vector.broadcast %add3A_778 : i32 to vector<16xi32>
      %add3A_780 = arith.addi %iota3A, %add3A_779 : vector<16xi32>
      %gather3A_781 = tpu.vector_load_idx %arg9[%add3A_780, %broadcast_in_dim3A_766] : memref<32x128xf32, #tpu.memory_space<vmem>>[vector<16xi32>, vector<16xi32>], vector<16xf32>,
      %swap3A_782 = arith.index_cast %add3A_770 : i32 to index
      %swap3A_783 = arith.constant 16 : index
      %swap3A_784 = tpu.vector_load %arg10[%swap3A_782, %swap3A_783] {strides = array<i32>} : memref<128x32xf32, #tpu.memory_space<vmem>>, vector<16xf32>,
      tpu.vector_store %arg10[%swap3A_782, %swap3A_783], %gather3A_781 {strides = array<i32>} : memref<128x32xf32, #tpu.memory_space<vmem>>, vector<16xf32>,
      %eq3A_785 = arith.constant 13 : i32
      %eq3A_786 = vector.broadcast %eq3A_785 : i32 to vector<16xi32>
      %eq3A_787 = arith.cmpi eq, %iota3A, %eq3A_786 : vector<16xi32>
      %jit3A_788 = arith.constant 0 : i32
      %broadcast_in_dim3A_789 = vector.broadcast %jit3A_788 : i32 to vector<16xi32>
      %select_n3A_790 = arith.select %eq3A_787, %get3A_17, %broadcast_in_dim3A_789 : vector<16xi1>, vector<16xi32>
      %reduce_max3A_791 = arith.constant true
      %reduce_max3A_792 = vector.broadcast %reduce_max3A_791 : i1 to vector<16xi1>
      %reduce_max3A_793 = arith.constant -2147483648 : i32
      %reduce_max3A_794 = vector.broadcast %reduce_max3A_793 : i32 to vector<16xi32>
      %reduce_max3A_795 = arith.xori %select_n3A_790, %reduce_max3A_794 : vector<16xi32>
      %reduce_max3A_796 = tpu.scan <max>, %reduce_max3A_795 masked %reduce_max3A_792 : vector<16xi32>, vector<16xi1> -> vector<16xi32>
      %reduce_max3A_797 = arith.xori %reduce_max3A_796, %reduce_max3A_794 : vector<16xi32>
      %reduce_max3A_798 = vector.extract %reduce_max3A_797[15] : i32 from vector<16xi32>
      %jit3A_799 = arith.constant 128 : i32
      %div3A_800 = arith.divsi %reduce_max3A_798, %jit3A_799 : i32
      %sign3A_801 = arith.constant 0 : i32
      %sign3A_802 = arith.cmpi sgt, %reduce_max3A_798, %sign3A_801 : i32
      %sign3A_803 = arith.extui %sign3A_802 : i1 to i32
      %sign3A_804 = arith.constant 0 : i32
      %sign3A_805 = arith.cmpi slt, %reduce_max3A_798, %sign3A_804 : i32
      %sign3A_806 = arith.extui %sign3A_805 : i1 to i32
      %sign3A_807 = arith.subi %sign3A_803, %sign3A_806 : i32
      %sign3A_808 = arith.constant 0 : i32
      %sign3A_809 = arith.cmpi sgt, %jit3A_799, %sign3A_808 : i32
      %sign3A_810 = arith.extui %sign3A_809 : i1 to i32
      %sign3A_811 = arith.constant 0 : i32
      %sign3A_812 = arith.cmpi slt, %jit3A_799, %sign3A_811 : i32
      %sign3A_813 = arith.extui %sign3A_812 : i1 to i32
      %sign3A_814 = arith.subi %sign3A_810, %sign3A_813 : i32
      %ne3A_815 = arith.cmpi ne, %sign3A_807, %sign3A_814 : i32
      %rem3A_816 = arith.remsi %reduce_max3A_798, %jit3A_799 : i32
      %ne3A_817 = arith.constant 0 : i32
      %ne3A_818 = arith.cmpi ne, %rem3A_816, %ne3A_817 : i32
      %and3A_819 = arith.andi %ne3A_815, %ne3A_818 : i1
      %sub3A_820 = arith.constant 1 : i32
      %sub3A_821 = arith.subi %div3A_800, %sub3A_820 : i32
      %select_n3A_822 = arith.select %and3A_819, %sub3A_821, %div3A_800 : i32
      %mul3A_823 = arith.constant 128 : i32
      %mul3A_824 = arith.muli %select_n3A_822, %mul3A_823 : i32
      %sub3A_825 = arith.subi %reduce_max3A_798, %mul3A_824 : i32
      %broadcast_in_dim3A_826 = vector.broadcast %sub3A_825 : i32 to vector<16xi32>
      "tpu.region"() ({
        %run_scoped3A = tpu.sem_alloc : memref<!tpu.dma_semaphore, #tpu.memory_space<semaphore_mem>>
        %dma_start3A = arith.constant 0 : i32
        %dma_start3A_965 = tpu.memref_slice %arg5[%dma_start3A, %mul3A_824] : memref<32x1000xf32, #tpu.memory_space<hbm>> -> memref<32x128xf32, #tpu.memory_space<hbm>>
        %dma_start3A_966 = arith.constant 0 : i32
        %dma_start3A_967 = tpu.memref_slice %arg5[%dma_start3A_966, %mul3A_824] : memref<32x1000xf32, #tpu.memory_space<hbm>> -> memref<32x128xf32, #tpu.memory_space<hbm>>
        tpu.enqueue_dma source(%dma_start3A_967 : memref<32x128xf32, #tpu.memory_space<hbm>>) target(%arg9 : memref<32x128xf32, #tpu.memory_space<vmem>>) target_semaphore(%run_scoped3A : memref<!tpu.dma_semaphore, #tpu.memory_space<semaphore_mem>>)
        %dma_wait3A = arith.constant 0 : i32
        %dma_wait3A_968 = tpu.memref_slice %arg5[%dma_wait3A, %mul3A_824] : memref<32x1000xf32, #tpu.memory_space<hbm>> -> memref<32x128xf32, #tpu.memory_space<hbm>>
        %dma_wait3A_969 = arith.constant 0 : i32
        %dma_wait3A_970 = tpu.memref_slice %arg5[%dma_wait3A_969, %mul3A_824] : memref<32x1000xf32, #tpu.memory_space<hbm>> -> memref<32x128xf32, #tpu.memory_space<hbm>>
        tpu.wait_dma2 semaphore(%run_scoped3A : memref<!tpu.dma_semaphore, #tpu.memory_space<semaphore_mem>>) src(%dma_wait3A_970 : memref<32x128xf32, #tpu.memory_space<hbm>>) dst(%arg9 : memref<32x128xf32, #tpu.memory_space<vmem>>)
        tpu.yield
      }) : () -> ()
      %mul3A_827 = arith.constant 16 : i32
      %mul3A_828 = arith.muli %scan3A_14, %mul3A_827 : i32
      %add3A_829 = arith.constant 13 : i32
      %add3A_830 = arith.addi %mul3A_828, %add3A_829 : i32
      %add3A_831 = arith.constant 0 : i32
      %add3A_832 = vector.broadcast %add3A_831 : i32 to vector<16xi32>
      %add3A_833 = arith.addi %iota3A, %add3A_832 : vector<16xi32>
      %gather3A_834 = tpu.vector_load_idx %arg9[%add3A_833, %broadcast_in_dim3A_826] : memref<32x128xf32, #tpu.memory_space<vmem>>[vector<16xi32>, vector<16xi32>], vector<16xf32>,
      %swap3A_835 = arith.index_cast %add3A_830 : i32 to index
      %swap3A_836 = arith.constant 0 : index
      %swap3A_837 = tpu.vector_load %arg10[%swap3A_835, %swap3A_836] {strides = array<i32>} : memref<128x32xf32, #tpu.memory_space<vmem>>, vector<16xf32>,
      tpu.vector_store %arg10[%swap3A_835, %swap3A_836], %gather3A_834 {strides = array<i32>} : memref<128x32xf32, #tpu.memory_space<vmem>>, vector<16xf32>,
      %add3A_838 = arith.constant 16 : i32
      %add3A_839 = vector.broadcast %add3A_838 : i32 to vector<16xi32>
      %add3A_840 = arith.addi %iota3A, %add3A_839 : vector<16xi32>
      %gather3A_841 = tpu.vector_load_idx %arg9[%add3A_840, %broadcast_in_dim3A_826] : memref<32x128xf32, #tpu.memory_space<vmem>>[vector<16xi32>, vector<16xi32>], vector<16xf32>,
      %swap3A_842 = arith.index_cast %add3A_830 : i32 to index
      %swap3A_843 = arith.constant 16 : index
      %swap3A_844 = tpu.vector_load %arg10[%swap3A_842, %swap3A_843] {strides = array<i32>} : memref<128x32xf32, #tpu.memory_space<vmem>>, vector<16xf32>,
      tpu.vector_store %arg10[%swap3A_842, %swap3A_843], %gather3A_841 {strides = array<i32>} : memref<128x32xf32, #tpu.memory_space<vmem>>, vector<16xf32>,
      %eq3A_845 = arith.constant 14 : i32
      %eq3A_846 = vector.broadcast %eq3A_845 : i32 to vector<16xi32>
      %eq3A_847 = arith.cmpi eq, %iota3A, %eq3A_846 : vector<16xi32>
      %jit3A_848 = arith.constant 0 : i32
      %broadcast_in_dim3A_849 = vector.broadcast %jit3A_848 : i32 to vector<16xi32>
      %select_n3A_850 = arith.select %eq3A_847, %get3A_17, %broadcast_in_dim3A_849 : vector<16xi1>, vector<16xi32>
      %reduce_max3A_851 = arith.constant true
      %reduce_max3A_852 = vector.broadcast %reduce_max3A_851 : i1 to vector<16xi1>
      %reduce_max3A_853 = arith.constant -2147483648 : i32
      %reduce_max3A_854 = vector.broadcast %reduce_max3A_853 : i32 to vector<16xi32>
      %reduce_max3A_855 = arith.xori %select_n3A_850, %reduce_max3A_854 : vector<16xi32>
      %reduce_max3A_856 = tpu.scan <max>, %reduce_max3A_855 masked %reduce_max3A_852 : vector<16xi32>, vector<16xi1> -> vector<16xi32>
      %reduce_max3A_857 = arith.xori %reduce_max3A_856, %reduce_max3A_854 : vector<16xi32>
      %reduce_max3A_858 = vector.extract %reduce_max3A_857[15] : i32 from vector<16xi32>
      %jit3A_859 = arith.constant 128 : i32
      %div3A_860 = arith.divsi %reduce_max3A_858, %jit3A_859 : i32
      %sign3A_861 = arith.constant 0 : i32
      %sign3A_862 = arith.cmpi sgt, %reduce_max3A_858, %sign3A_861 : i32
      %sign3A_863 = arith.extui %sign3A_862 : i1 to i32
      %sign3A_864 = arith.constant 0 : i32
      %sign3A_865 = arith.cmpi slt, %reduce_max3A_858, %sign3A_864 : i32
      %sign3A_866 = arith.extui %sign3A_865 : i1 to i32
      %sign3A_867 = arith.subi %sign3A_863, %sign3A_866 : i32
      %sign3A_868 = arith.constant 0 : i32
      %sign3A_869 = arith.cmpi sgt, %jit3A_859, %sign3A_868 : i32
      %sign3A_870 = arith.extui %sign3A_869 : i1 to i32
      %sign3A_871 = arith.constant 0 : i32
      %sign3A_872 = arith.cmpi slt, %jit3A_859, %sign3A_871 : i32
      %sign3A_873 = arith.extui %sign3A_872 : i1 to i32
      %sign3A_874 = arith.subi %sign3A_870, %sign3A_873 : i32
      %ne3A_875 = arith.cmpi ne, %sign3A_867, %sign3A_874 : i32
      %rem3A_876 = arith.remsi %reduce_max3A_858, %jit3A_859 : i32
      %ne3A_877 = arith.constant 0 : i32
      %ne3A_878 = arith.cmpi ne, %rem3A_876, %ne3A_877 : i32
      %and3A_879 = arith.andi %ne3A_875, %ne3A_878 : i1
      %sub3A_880 = arith.constant 1 : i32
      %sub3A_881 = arith.subi %div3A_860, %sub3A_880 : i32
      %select_n3A_882 = arith.select %and3A_879, %sub3A_881, %div3A_860 : i32
      %mul3A_883 = arith.constant 128 : i32
      %mul3A_884 = arith.muli %select_n3A_882, %mul3A_883 : i32
      %sub3A_885 = arith.subi %reduce_max3A_858, %mul3A_884 : i32
      %broadcast_in_dim3A_886 = vector.broadcast %sub3A_885 : i32 to vector<16xi32>
      "tpu.region"() ({
        %run_scoped3A = tpu.sem_alloc : memref<!tpu.dma_semaphore, #tpu.memory_space<semaphore_mem>>
        %dma_start3A = arith.constant 0 : i32
        %dma_start3A_965 = tpu.memref_slice %arg5[%dma_start3A, %mul3A_884] : memref<32x1000xf32, #tpu.memory_space<hbm>> -> memref<32x128xf32, #tpu.memory_space<hbm>>
        %dma_start3A_966 = arith.constant 0 : i32
        %dma_start3A_967 = tpu.memref_slice %arg5[%dma_start3A_966, %mul3A_884] : memref<32x1000xf32, #tpu.memory_space<hbm>> -> memref<32x128xf32, #tpu.memory_space<hbm>>
        tpu.enqueue_dma source(%dma_start3A_967 : memref<32x128xf32, #tpu.memory_space<hbm>>) target(%arg9 : memref<32x128xf32, #tpu.memory_space<vmem>>) target_semaphore(%run_scoped3A : memref<!tpu.dma_semaphore, #tpu.memory_space<semaphore_mem>>)
        %dma_wait3A = arith.constant 0 : i32
        %dma_wait3A_968 = tpu.memref_slice %arg5[%dma_wait3A, %mul3A_884] : memref<32x1000xf32, #tpu.memory_space<hbm>> -> memref<32x128xf32, #tpu.memory_space<hbm>>
        %dma_wait3A_969 = arith.constant 0 : i32
        %dma_wait3A_970 = tpu.memref_slice %arg5[%dma_wait3A_969, %mul3A_884] : memref<32x1000xf32, #tpu.memory_space<hbm>> -> memref<32x128xf32, #tpu.memory_space<hbm>>
        tpu.wait_dma2 semaphore(%run_scoped3A : memref<!tpu.dma_semaphore, #tpu.memory_space<semaphore_mem>>) src(%dma_wait3A_970 : memref<32x128xf32, #tpu.memory_space<hbm>>) dst(%arg9 : memref<32x128xf32, #tpu.memory_space<vmem>>)
        tpu.yield
      }) : () -> ()
      %mul3A_887 = arith.constant 16 : i32
      %mul3A_888 = arith.muli %scan3A_14, %mul3A_887 : i32
      %add3A_889 = arith.constant 14 : i32
      %add3A_890 = arith.addi %mul3A_888, %add3A_889 : i32
      %add3A_891 = arith.constant 0 : i32
      %add3A_892 = vector.broadcast %add3A_891 : i32 to vector<16xi32>
      %add3A_893 = arith.addi %iota3A, %add3A_892 : vector<16xi32>
      %gather3A_894 = tpu.vector_load_idx %arg9[%add3A_893, %broadcast_in_dim3A_886] : memref<32x128xf32, #tpu.memory_space<vmem>>[vector<16xi32>, vector<16xi32>], vector<16xf32>,
      %swap3A_895 = arith.index_cast %add3A_890 : i32 to index
      %swap3A_896 = arith.constant 0 : index
      %swap3A_897 = tpu.vector_load %arg10[%swap3A_895, %swap3A_896] {strides = array<i32>} : memref<128x32xf32, #tpu.memory_space<vmem>>, vector<16xf32>,
      tpu.vector_store %arg10[%swap3A_895, %swap3A_896], %gather3A_894 {strides = array<i32>} : memref<128x32xf32, #tpu.memory_space<vmem>>, vector<16xf32>,
      %add3A_898 = arith.constant 16 : i32
      %add3A_899 = vector.broadcast %add3A_898 : i32 to vector<16xi32>
      %add3A_900 = arith.addi %iota3A, %add3A_899 : vector<16xi32>
      %gather3A_901 = tpu.vector_load_idx %arg9[%add3A_900, %broadcast_in_dim3A_886] : memref<32x128xf32, #tpu.memory_space<vmem>>[vector<16xi32>, vector<16xi32>], vector<16xf32>,
      %swap3A_902 = arith.index_cast %add3A_890 : i32 to index
      %swap3A_903 = arith.constant 16 : index
      %swap3A_904 = tpu.vector_load %arg10[%swap3A_902, %swap3A_903] {strides = array<i32>} : memref<128x32xf32, #tpu.memory_space<vmem>>, vector<16xf32>,
      tpu.vector_store %arg10[%swap3A_902, %swap3A_903], %gather3A_901 {strides = array<i32>} : memref<128x32xf32, #tpu.memory_space<vmem>>, vector<16xf32>,
      %eq3A_905 = arith.constant 15 : i32
      %eq3A_906 = vector.broadcast %eq3A_905 : i32 to vector<16xi32>
      %eq3A_907 = arith.cmpi eq, %iota3A, %eq3A_906 : vector<16xi32>
      %jit3A_908 = arith.constant 0 : i32
      %broadcast_in_dim3A_909 = vector.broadcast %jit3A_908 : i32 to vector<16xi32>
      %select_n3A_910 = arith.select %eq3A_907, %get3A_17, %broadcast_in_dim3A_909 : vector<16xi1>, vector<16xi32>
      %reduce_max3A_911 = arith.constant true
      %reduce_max3A_912 = vector.broadcast %reduce_max3A_911 : i1 to vector<16xi1>
      %reduce_max3A_913 = arith.constant -2147483648 : i32
      %reduce_max3A_914 = vector.broadcast %reduce_max3A_913 : i32 to vector<16xi32>
      %reduce_max3A_915 = arith.xori %select_n3A_910, %reduce_max3A_914 : vector<16xi32>
      %reduce_max3A_916 = tpu.scan <max>, %reduce_max3A_915 masked %reduce_max3A_912 : vector<16xi32>, vector<16xi1> -> vector<16xi32>
      %reduce_max3A_917 = arith.xori %reduce_max3A_916, %reduce_max3A_914 : vector<16xi32>
      %reduce_max3A_918 = vector.extract %reduce_max3A_917[15] : i32 from vector<16xi32>
      %jit3A_919 = arith.constant 128 : i32
      %div3A_920 = arith.divsi %reduce_max3A_918, %jit3A_919 : i32
      %sign3A_921 = arith.constant 0 : i32
      %sign3A_922 = arith.cmpi sgt, %reduce_max3A_918, %sign3A_921 : i32
      %sign3A_923 = arith.extui %sign3A_922 : i1 to i32
      %sign3A_924 = arith.constant 0 : i32
      %sign3A_925 = arith.cmpi slt, %reduce_max3A_918, %sign3A_924 : i32
      %sign3A_926 = arith.extui %sign3A_925 : i1 to i32
      %sign3A_927 = arith.subi %sign3A_923, %sign3A_926 : i32
      %sign3A_928 = arith.constant 0 : i32
      %sign3A_929 = arith.cmpi sgt, %jit3A_919, %sign3A_928 : i32
      %sign3A_930 = arith.extui %sign3A_929 : i1 to i32
      %sign3A_931 = arith.constant 0 : i32
      %sign3A_932 = arith.cmpi slt, %jit3A_919, %sign3A_931 : i32
      %sign3A_933 = arith.extui %sign3A_932 : i1 to i32
      %sign3A_934 = arith.subi %sign3A_930, %sign3A_933 : i32
      %ne3A_935 = arith.cmpi ne, %sign3A_927, %sign3A_934 : i32
      %rem3A_936 = arith.remsi %reduce_max3A_918, %jit3A_919 : i32
      %ne3A_937 = arith.constant 0 : i32
      %ne3A_938 = arith.cmpi ne, %rem3A_936, %ne3A_937 : i32
      %and3A_939 = arith.andi %ne3A_935, %ne3A_938 : i1
      %sub3A_940 = arith.constant 1 : i32
      %sub3A_941 = arith.subi %div3A_920, %sub3A_940 : i32
      %select_n3A_942 = arith.select %and3A_939, %sub3A_941, %div3A_920 : i32
      %mul3A_943 = arith.constant 128 : i32
      %mul3A_944 = arith.muli %select_n3A_942, %mul3A_943 : i32
      %sub3A_945 = arith.subi %reduce_max3A_918, %mul3A_944 : i32
      %broadcast_in_dim3A_946 = vector.broadcast %sub3A_945 : i32 to vector<16xi32>
      "tpu.region"() ({
        %run_scoped3A = tpu.sem_alloc : memref<!tpu.dma_semaphore, #tpu.memory_space<semaphore_mem>>
        %dma_start3A = arith.constant 0 : i32
        %dma_start3A_965 = tpu.memref_slice %arg5[%dma_start3A, %mul3A_944] : memref<32x1000xf32, #tpu.memory_space<hbm>> -> memref<32x128xf32, #tpu.memory_space<hbm>>
        %dma_start3A_966 = arith.constant 0 : i32
        %dma_start3A_967 = tpu.memref_slice %arg5[%dma_start3A_966, %mul3A_944] : memref<32x1000xf32, #tpu.memory_space<hbm>> -> memref<32x128xf32, #tpu.memory_space<hbm>>
        tpu.enqueue_dma source(%dma_start3A_967 : memref<32x128xf32, #tpu.memory_space<hbm>>) target(%arg9 : memref<32x128xf32, #tpu.memory_space<vmem>>) target_semaphore(%run_scoped3A : memref<!tpu.dma_semaphore, #tpu.memory_space<semaphore_mem>>)
        %dma_wait3A = arith.constant 0 : i32
        %dma_wait3A_968 = tpu.memref_slice %arg5[%dma_wait3A, %mul3A_944] : memref<32x1000xf32, #tpu.memory_space<hbm>> -> memref<32x128xf32, #tpu.memory_space<hbm>>
        %dma_wait3A_969 = arith.constant 0 : i32
        %dma_wait3A_970 = tpu.memref_slice %arg5[%dma_wait3A_969, %mul3A_944] : memref<32x1000xf32, #tpu.memory_space<hbm>> -> memref<32x128xf32, #tpu.memory_space<hbm>>
        tpu.wait_dma2 semaphore(%run_scoped3A : memref<!tpu.dma_semaphore, #tpu.memory_space<semaphore_mem>>) src(%dma_wait3A_970 : memref<32x128xf32, #tpu.memory_space<hbm>>) dst(%arg9 : memref<32x128xf32, #tpu.memory_space<vmem>>)
        tpu.yield
      }) : () -> ()
      %mul3A_947 = arith.constant 16 : i32
      %mul3A_948 = arith.muli %scan3A_14, %mul3A_947 : i32
      %add3A_949 = arith.constant 15 : i32
      %add3A_950 = arith.addi %mul3A_948, %add3A_949 : i32
      %add3A_951 = arith.constant 0 : i32
      %add3A_952 = vector.broadcast %add3A_951 : i32 to vector<16xi32>
      %add3A_953 = arith.addi %iota3A, %add3A_952 : vector<16xi32>
      %gather3A_954 = tpu.vector_load_idx %arg9[%add3A_953, %broadcast_in_dim3A_946] : memref<32x128xf32, #tpu.memory_space<vmem>>[vector<16xi32>, vector<16xi32>], vector<16xf32>,
      %swap3A_955 = arith.index_cast %add3A_950 : i32 to index
      %swap3A_956 = arith.constant 0 : index
      %swap3A_957 = tpu.vector_load %arg10[%swap3A_955, %swap3A_956] {strides = array<i32>} : memref<128x32xf32, #tpu.memory_space<vmem>>, vector<16xf32>,
      tpu.vector_store %arg10[%swap3A_955, %swap3A_956], %gather3A_954 {strides = array<i32>} : memref<128x32xf32, #tpu.memory_space<vmem>>, vector<16xf32>,
      %add3A_958 = arith.constant 16 : i32
      %add3A_959 = vector.broadcast %add3A_958 : i32 to vector<16xi32>
      %add3A_960 = arith.addi %iota3A, %add3A_959 : vector<16xi32>
      %gather3A_961 = tpu.vector_load_idx %arg9[%add3A_960, %broadcast_in_dim3A_946] : memref<32x128xf32, #tpu.memory_space<vmem>>[vector<16xi32>, vector<16xi32>], vector<16xf32>,
      %swap3A_962 = arith.index_cast %add3A_950 : i32 to index
      %swap3A_963 = arith.constant 16 : index
      %swap3A_964 = tpu.vector_load %arg10[%swap3A_962, %swap3A_963] {strides = array<i32>} : memref<128x32xf32, #tpu.memory_space<vmem>>, vector<16xf32>,
      tpu.vector_store %arg10[%swap3A_962, %swap3A_963], %gather3A_961 {strides = array<i32>} : memref<128x32xf32, #tpu.memory_space<vmem>>, vector<16xf32>,
    }
    %scan3A_13 = arith.constant 8 : i32
    "tpu.region"() ({
      %run_scoped3A = tpu.sem_alloc : memref<!tpu.dma_semaphore, #tpu.memory_space<semaphore_mem>>
      %dma_start3A = arith.constant 0 : i32
      %dma_start3A_14 = tpu.memref_slice %arg7[%mul3A_2, %dma_start3A] : memref<4096x32xf32, #tpu.memory_space<hbm>> -> memref<128x32xf32, #tpu.memory_space<hbm>>
      %dma_start3A_15 = arith.constant 0 : i32
      %dma_start3A_16 = tpu.memref_slice %arg7[%mul3A_2, %dma_start3A_15] : memref<4096x32xf32, #tpu.memory_space<hbm>> -> memref<128x32xf32, #tpu.memory_space<hbm>>
      tpu.enqueue_dma source(%arg10 : memref<128x32xf32, #tpu.memory_space<vmem>>) target(%dma_start3A_16 : memref<128x32xf32, #tpu.memory_space<hbm>>) target_semaphore(%run_scoped3A : memref<!tpu.dma_semaphore, #tpu.memory_space<semaphore_mem>>)
      %dma_wait3A = arith.constant 0 : i32
      %dma_wait3A_17 = tpu.memref_slice %arg7[%mul3A_2, %dma_wait3A] : memref<4096x32xf32, #tpu.memory_space<hbm>> -> memref<128x32xf32, #tpu.memory_space<hbm>>
      %dma_wait3A_18 = arith.constant 0 : i32
      %dma_wait3A_19 = tpu.memref_slice %arg7[%mul3A_2, %dma_wait3A_18] : memref<4096x32xf32, #tpu.memory_space<hbm>> -> memref<128x32xf32, #tpu.memory_space<hbm>>
      tpu.wait_dma2 semaphore(%run_scoped3A : memref<!tpu.dma_semaphore, #tpu.memory_space<semaphore_mem>>) src(%arg10 : memref<128x32xf32, #tpu.memory_space<vmem>>) dst(%dma_wait3A_19 : memref<128x32xf32, #tpu.memory_space<hbm>>)
      tpu.yield
    }) : () -> ()
    return
  }
}

module attributes {stable_mosaic.version = 14 : i64} {
  func.func @_tc_body(%arg0: i32, %arg1: memref<512x32xf32, #tpu.memory_space<vmem>>, %arg2: memref<512x1600xf32, #tpu.memory_space<vmem>>, %arg3: memref<512x32xf32, #tpu.memory_space<vmem>>, %arg4: memref<512x32xf32, #tpu.memory_space<vmem>>, %arg5: memref<1632x64xf32, #tpu.memory_space<vmem>>, %arg6: memref<1x64xf32, #tpu.memory_space<vmem>>, %arg7: memref<64x32xf32, #tpu.memory_space<vmem>>, %arg8: memref<1x32xf32, #tpu.memory_space<vmem>>, %arg9: memref<64x64xf32, #tpu.memory_space<vmem>>, %arg10: memref<1x64xf32, #tpu.memory_space<vmem>>, %arg11: memref<64x32xf32, #tpu.memory_space<vmem>>, %arg12: memref<1x32xf32, #tpu.memory_space<vmem>>, %arg13: memref<512x1xf32, #tpu.memory_space<vmem>>) attributes {dimension_semantics = [#tpu.dimension_semantics<arbitrary>], iteration_bounds = array<i64: 8>, scalar_prefetch = 0 : i64, scratch_operands = 0 : i64, tpu.core_type = #tpu.core_type<tc>, window_params = [{transform_indices = @transform_0, window_bounds = array<i64: 512, 32>}, {transform_indices = @transform_1, window_bounds = array<i64: 512, 1600>}, {transform_indices = @transform_2, window_bounds = array<i64: 512, 32>}, {transform_indices = @transform_3, window_bounds = array<i64: 512, 32>}, {pipeline_mode = #tpu.pipeline_mode<synchronous>, transform_indices = @transform_4, window_bounds = array<i64: 1632, 64>}, {pipeline_mode = #tpu.pipeline_mode<synchronous>, transform_indices = @transform_5, window_bounds = array<i64: 1, 64>}, {pipeline_mode = #tpu.pipeline_mode<synchronous>, transform_indices = @transform_6, window_bounds = array<i64: 64, 32>}, {pipeline_mode = #tpu.pipeline_mode<synchronous>, transform_indices = @transform_7, window_bounds = array<i64: 1, 32>}, {pipeline_mode = #tpu.pipeline_mode<synchronous>, transform_indices = @transform_8, window_bounds = array<i64: 64, 64>}, {pipeline_mode = #tpu.pipeline_mode<synchronous>, transform_indices = @transform_9, window_bounds = array<i64: 1, 64>}, {pipeline_mode = #tpu.pipeline_mode<synchronous>, transform_indices = @transform_10, window_bounds = array<i64: 64, 32>}, {pipeline_mode = #tpu.pipeline_mode<synchronous>, transform_indices = @transform_11, window_bounds = array<i64: 1, 32>}, {transform_indices = @transform_12, window_bounds = array<i64: 512, 1>}]} {
    %get3A = arith.constant 0 : index
    %get3A_0 = arith.constant 0 : index
    %get3A_1 = vector.load %arg1[%get3A, %get3A_0] : memref<512x32xf32, #tpu.memory_space<vmem>>, vector<512x32xf32>
    %get3A_2 = arith.constant 0 : index
    %get3A_3 = arith.constant 0 : index
    %get3A_4 = vector.load %arg5[%get3A_2, %get3A_3] : memref<1632x64xf32, #tpu.memory_space<vmem>>, vector<32x64xf32>
    %dot_general3A = arith.constant dense<0.000000e+00> : vector<512x64xf32>
    %dot_general3A_5 = tpu.matmul %get3A_1, %get3A_4, %dot_general3A {dimension_numbers = #tpu.dot_dimension_numbers<[1], [0], [0], [1], [0, 0, 1, 1], [], []>, transpose_lhs_hint = false} : vector<512x32xf32>, vector<32x64xf32>, vector<512x64xf32> -> vector<512x64xf32>
    %get3A_6 = arith.constant 0 : index
    %get3A_7 = arith.constant 0 : index
    %get3A_8 = vector.load %arg2[%get3A_6, %get3A_7] : memref<512x1600xf32, #tpu.memory_space<vmem>>, vector<512x1600xf32>
    %get3A_9 = arith.constant 32 : index
    %get3A_10 = arith.constant 0 : index
    %get3A_11 = vector.load %arg5[%get3A_9, %get3A_10] : memref<1632x64xf32, #tpu.memory_space<vmem>>, vector<1600x64xf32>
    %dot_general3A_12 = arith.constant dense<0.000000e+00> : vector<512x64xf32>
    %dot_general3A_13 = tpu.matmul %get3A_8, %get3A_11, %dot_general3A_12 {dimension_numbers = #tpu.dot_dimension_numbers<[1], [0], [0], [1], [0, 0, 1, 1], [], []>, transpose_lhs_hint = false} : vector<512x1600xf32>, vector<1600x64xf32>, vector<512x64xf32> -> vector<512x64xf32>
    %add3A = arith.addf %dot_general3A_5, %dot_general3A_13 : vector<512x64xf32>
    %get3A_14 = arith.constant 0 : index
    %get3A_15 = arith.constant 0 : index
    %get3A_16 = vector.load %arg6[%get3A_14, %get3A_15] : memref<1x64xf32, #tpu.memory_space<vmem>>, vector<1x64xf32>
    %add3A_17 = vector.broadcast %get3A_16 : vector<1x64xf32> to vector<512x64xf32>
    %add3A_18 = arith.addf %add3A, %add3A_17 : vector<512x64xf32>
    %max3A = arith.constant 0.000000e+00 : f32
    %max3A_19 = vector.broadcast %max3A : f32 to vector<512x64xf32>
    %max3A_20 = arith.maximumf %add3A_18, %max3A_19 : vector<512x64xf32>
    %get3A_21 = arith.constant 0 : index
    %get3A_22 = arith.constant 0 : index
    %get3A_23 = vector.load %arg7[%get3A_21, %get3A_22] : memref<64x32xf32, #tpu.memory_space<vmem>>, vector<64x32xf32>
    %dot_general3A_24 = arith.constant dense<0.000000e+00> : vector<512x32xf32>
    %dot_general3A_25 = tpu.matmul %max3A_20, %get3A_23, %dot_general3A_24 {dimension_numbers = #tpu.dot_dimension_numbers<[1], [0], [0], [1], [0, 0, 1, 1], [], []>, transpose_lhs_hint = false} : vector<512x64xf32>, vector<64x32xf32>, vector<512x32xf32> -> vector<512x32xf32>
    %get3A_26 = arith.constant 0 : index
    %get3A_27 = arith.constant 0 : index
    %get3A_28 = vector.load %arg8[%get3A_26, %get3A_27] : memref<1x32xf32, #tpu.memory_space<vmem>>, vector<1x32xf32>
    %add3A_29 = vector.broadcast %get3A_28 : vector<1x32xf32> to vector<512x32xf32>
    %add3A_30 = arith.addf %dot_general3A_25, %add3A_29 : vector<512x32xf32>
    %get3A_31 = arith.constant 0 : index
    %get3A_32 = arith.constant 0 : index
    %get3A_33 = vector.load %arg3[%get3A_31, %get3A_32] : memref<512x32xf32, #tpu.memory_space<vmem>>, vector<512x32xf32>
    %get3A_34 = arith.constant 0 : index
    %get3A_35 = arith.constant 0 : index
    %get3A_36 = vector.load %arg9[%get3A_34, %get3A_35] : memref<64x64xf32, #tpu.memory_space<vmem>>, vector<32x64xf32>
    %dot_general3A_37 = arith.constant dense<0.000000e+00> : vector<512x64xf32>
    %dot_general3A_38 = tpu.matmul %get3A_33, %get3A_36, %dot_general3A_37 {dimension_numbers = #tpu.dot_dimension_numbers<[1], [0], [0], [1], [0, 0, 1, 1], [], []>, transpose_lhs_hint = false} : vector<512x32xf32>, vector<32x64xf32>, vector<512x64xf32> -> vector<512x64xf32>
    %get3A_39 = arith.constant 0 : index
    %get3A_40 = arith.constant 0 : index
    %get3A_41 = vector.load %arg4[%get3A_39, %get3A_40] : memref<512x32xf32, #tpu.memory_space<vmem>>, vector<512x32xf32>
    %get3A_42 = arith.constant 32 : index
    %get3A_43 = arith.constant 0 : index
    %get3A_44 = vector.load %arg9[%get3A_42, %get3A_43] : memref<64x64xf32, #tpu.memory_space<vmem>>, vector<32x64xf32>
    %dot_general3A_45 = arith.constant dense<0.000000e+00> : vector<512x64xf32>
    %dot_general3A_46 = tpu.matmul %get3A_41, %get3A_44, %dot_general3A_45 {dimension_numbers = #tpu.dot_dimension_numbers<[1], [0], [0], [1], [0, 0, 1, 1], [], []>, transpose_lhs_hint = false} : vector<512x32xf32>, vector<32x64xf32>, vector<512x64xf32> -> vector<512x64xf32>
    %add3A_47 = arith.addf %dot_general3A_38, %dot_general3A_46 : vector<512x64xf32>
    %get3A_48 = arith.constant 0 : index
    %get3A_49 = arith.constant 0 : index
    %get3A_50 = vector.load %arg10[%get3A_48, %get3A_49] : memref<1x64xf32, #tpu.memory_space<vmem>>, vector<1x64xf32>
    %add3A_51 = vector.broadcast %get3A_50 : vector<1x64xf32> to vector<512x64xf32>
    %add3A_52 = arith.addf %add3A_47, %add3A_51 : vector<512x64xf32>
    %max3A_53 = arith.constant 0.000000e+00 : f32
    %max3A_54 = vector.broadcast %max3A_53 : f32 to vector<512x64xf32>
    %max3A_55 = arith.maximumf %add3A_52, %max3A_54 : vector<512x64xf32>
    %get3A_56 = arith.constant 0 : index
    %get3A_57 = arith.constant 0 : index
    %get3A_58 = vector.load %arg11[%get3A_56, %get3A_57] : memref<64x32xf32, #tpu.memory_space<vmem>>, vector<64x32xf32>
    %dot_general3A_59 = arith.constant dense<0.000000e+00> : vector<512x32xf32>
    %dot_general3A_60 = tpu.matmul %max3A_55, %get3A_58, %dot_general3A_59 {dimension_numbers = #tpu.dot_dimension_numbers<[1], [0], [0], [1], [0, 0, 1, 1], [], []>, transpose_lhs_hint = false} : vector<512x64xf32>, vector<64x32xf32>, vector<512x32xf32> -> vector<512x32xf32>
    %get3A_61 = arith.constant 0 : index
    %get3A_62 = arith.constant 0 : index
    %get3A_63 = vector.load %arg12[%get3A_61, %get3A_62] : memref<1x32xf32, #tpu.memory_space<vmem>>, vector<1x32xf32>
    %add3A_64 = vector.broadcast %get3A_63 : vector<1x32xf32> to vector<512x32xf32>
    %add3A_65 = arith.addf %dot_general3A_60, %add3A_64 : vector<512x32xf32>
    %mul3A = arith.mulf %add3A_30, %add3A_65 : vector<512x32xf32>
    %reduce_sum3A = arith.constant dense<0.000000e+00> : vector<512xf32>
    %reduce_sum3A_66 = vector.multi_reduction <add>, %mul3A, %reduce_sum3A [1] : vector<512x32xf32> to vector<512xf32>
    %broadcast_in_dim3A = vector.shape_cast %reduce_sum3A_66 : vector<512xf32> to vector<512x1xf32>
    %neg3A = arith.constant 0.000000e+00 : f32
    %neg3A_67 = vector.broadcast %neg3A : f32 to vector<512x1xf32>
    %neg3A_68 = arith.subf %neg3A_67, %broadcast_in_dim3A : vector<512x1xf32>
    %exp3A = math.exp %neg3A_68 : vector<512x1xf32>
    %add3A_69 = arith.constant 1.000000e+00 : f32
    %add3A_70 = vector.broadcast %add3A_69 : f32 to vector<512x1xf32>
    %add3A_71 = arith.addf %add3A_70, %exp3A : vector<512x1xf32>
    %div3A = arith.constant 1.000000e+00 : f32
    %div3A_72 = vector.broadcast %div3A : f32 to vector<512x1xf32>
    %div3A_73 = arith.divf %div3A_72, %add3A_71 : vector<512x1xf32>
    %swap3A = arith.constant 0 : index
    %swap3A_74 = arith.constant 0 : index
    %swap3A_75 = vector.load %arg13[%swap3A, %swap3A_74] : memref<512x1xf32, #tpu.memory_space<vmem>>, vector<512x1xf32>
    tpu.vector_store %arg13[%swap3A, %swap3A_74], %div3A_73 {strides = array<i32>} : memref<512x1xf32, #tpu.memory_space<vmem>>, vector<512x1xf32>,
    return
  }
  func.func @transform_0(%arg0: i32) -> (i32, i32) {
    %c0_i32 = arith.constant 0 : i32
    %c0_i32_0 = arith.constant 0 : i32
    return %arg0, %c0_i32 : i32, i32
  }
  func.func @transform_1(%arg0: i32) -> (i32, i32) {
    %c0_i32 = arith.constant 0 : i32
    %c0_i32_0 = arith.constant 0 : i32
    return %arg0, %c0_i32 : i32, i32
  }
  func.func @transform_2(%arg0: i32) -> (i32, i32) {
    %c0_i32 = arith.constant 0 : i32
    %c0_i32_0 = arith.constant 0 : i32
    return %arg0, %c0_i32 : i32, i32
  }
  func.func @transform_3(%arg0: i32) -> (i32, i32) {
    %c0_i32 = arith.constant 0 : i32
    %c0_i32_0 = arith.constant 0 : i32
    return %arg0, %c0_i32 : i32, i32
  }
  func.func @transform_4(%arg0: i32) -> (i32, i32) {
    %c0_i32 = arith.constant 0 : i32
    %c0_i32_0 = arith.constant 0 : i32
    %c0_i32_1 = arith.constant 0 : i32
    return %c0_i32, %c0_i32_0 : i32, i32
  }
  func.func @transform_5(%arg0: i32) -> (i32, i32) {
    %c0_i32 = arith.constant 0 : i32
    %c0_i32_0 = arith.constant 0 : i32
    %c0_i32_1 = arith.constant 0 : i32
    return %c0_i32, %c0_i32_0 : i32, i32
  }
  func.func @transform_6(%arg0: i32) -> (i32, i32) {
    %c0_i32 = arith.constant 0 : i32
    %c0_i32_0 = arith.constant 0 : i32
    %c0_i32_1 = arith.constant 0 : i32
    return %c0_i32, %c0_i32_0 : i32, i32
  }
  func.func @transform_7(%arg0: i32) -> (i32, i32) {
    %c0_i32 = arith.constant 0 : i32
    %c0_i32_0 = arith.constant 0 : i32
    %c0_i32_1 = arith.constant 0 : i32
    return %c0_i32, %c0_i32_0 : i32, i32
  }
  func.func @transform_8(%arg0: i32) -> (i32, i32) {
    %c0_i32 = arith.constant 0 : i32
    %c0_i32_0 = arith.constant 0 : i32
    %c0_i32_1 = arith.constant 0 : i32
    return %c0_i32, %c0_i32_0 : i32, i32
  }
  func.func @transform_9(%arg0: i32) -> (i32, i32) {
    %c0_i32 = arith.constant 0 : i32
    %c0_i32_0 = arith.constant 0 : i32
    %c0_i32_1 = arith.constant 0 : i32
    return %c0_i32, %c0_i32_0 : i32, i32
  }
  func.func @transform_10(%arg0: i32) -> (i32, i32) {
    %c0_i32 = arith.constant 0 : i32
    %c0_i32_0 = arith.constant 0 : i32
    %c0_i32_1 = arith.constant 0 : i32
    return %c0_i32, %c0_i32_0 : i32, i32
  }
  func.func @transform_11(%arg0: i32) -> (i32, i32) {
    %c0_i32 = arith.constant 0 : i32
    %c0_i32_0 = arith.constant 0 : i32
    %c0_i32_1 = arith.constant 0 : i32
    return %c0_i32, %c0_i32_0 : i32, i32
  }
  func.func @transform_12(%arg0: i32) -> (i32, i32) {
    %c0_i32 = arith.constant 0 : i32
    %c0_i32_0 = arith.constant 0 : i32
    return %arg0, %c0_i32 : i32, i32
  }
}

</mosaic_0001>

<sc_bundles>
// kernel: kernel.5.cloned.1.call-start
scs
__scs_entry_jumppad:
0x0: {  	(pc) =	sbr.rel $0x88, $3  }
0x1: {  	(tag) =	ssettag $0x0;
	lr =	simm.s32 $0x1  }
0x2: {  	[smem:$0x3F92] =	sst lr;
	_ =	strace $0xD0000000  }
0x3: {  	_ = 	snop  }
0x4: {  	_ = 	snop  }
0x5: {  	_ = 	snop  }
0x6: {  	_ = 	snop  }
0x7: {  	_ = 	snop  }
__scs_overlays_trampoline_lowered:
0x8: {  	[smem:$0x3FA1] =	sst s0  }
0x9: {  	[smem:$0x3FA2] =	sst s1  }
0xa: {  	[smem:$0x3FA3] =	sst s2  }
0xb: {  	[smem:$0x3FA4] =	sst s3  }
0xc: {  	[smem:$0x3FA5] =	sst s4  }
0xd: {  	[smem:$0x3FA6] =	sst s5  }
0xe: {  	[smem:$0x3FA7] =	sst s6  }
0xf: {  	[smem:$0x3FA8] =	sst s7  }
0x10: {  	[smem:$0x3FA9] =	sst s8  }
0x11: {  	[smem:$0x3FAA] =	sst s9;
	s0 =	simm.s32 @!p0 $0x0  }
0x12: {  	s1 =	sld [smem:$0x3F90];
	s0 =	simm.s32 @p0 $0x1  }
0x13: {  	[smem:$0x3FAB] =	sst s0;
	s0 =	simm.s32 @!p1 $0x0  }
0x14: {  	s2 =	sld [smem:$0x3F8F];
	s0 =	simm.s32 @p1 $0x1  }
0x15: {  	[smem:$0x3FAC] =	sst s0;
	s0 =	simm.s32 @!p2 $0x0  }
0x16: {  	s3 =	sld [smem:$0x3FDB];
	s0 =	simm.s32 @p2 $0x1  }
0x17: {  	s4 =	simm.s32 $0x1BF5;
	[smem:$0x3FAE] =	sst s0  }
0x18: {  	s0 =	sld [smem:$0x3F91];
	_ =	swait.ge [sflag:s4], $0x0  }
0x19: {  	s7 =	sld [smem:$0x3F92]  }
0x1a: {  	s8 =	sadd.s32 $0xFFFFE003, lr  }
0x1b: {  	s9 =	sadd.s32 $0xFFFFFEF7, lr;
	s5 =	simm.s32 $0xFFFFFFFF;
	p2 =	slt.u32 s8, $0xFFFFF086  }
0x1c: {  	p1 =	slt.u32 s9, $0xF7A;
	s5 =	simm.s32 @!p2 $0x0  }
0x1d: {  	s5 =	simm.s32 @p1 $0x1;
	p0 =	seq.s32 s7, s2  }
0x1e: {  	s7 =	smul.u32 @!p0 $0xF7A, s2;
	p2 =	seq.s32 @!p0 s5, $0x0  }
0x1f: {  	s9 =	smul.u32 $0xF7A, s1;
	s8 =	simm.s32 @!p0 $0x1BF5;
	p2 =	por !p2, p0  }
0x20: {  	[sflag:s8] =	ssyncset.s32 @!p0 $0xFFFFF086;
	s6 =	sadd.s32 @!p0 s3, s7;
	s7 =	simm.s32 @!p0 $0x108  }
0x21: {  	s3 =	sadd.s32 s3, s9;
	s6 =	sadd.s32 @!p0 $0x88, s6;
	s7 =	simm.s32 @p2 $0x1082  }
0x22: {  	[simem:s7], [sflag:s8] =	dma.local @!p0 [hbm:s6], $0xF7A  }
0x23: {  	s9 =	sor.u32 $0xD0000000, s2;
	s6 =	simm.s32 $0x108;
	_ =	swait.ge @!p0 [sflag:s8], $0x0  }
0x24: {  	s3 =	sadd.s32 $0x88, s3;
	s6 =	simm.s32 @!p1 $0x1082;
	[sflag:s4] =	ssyncset.s32 $0xFFFFF086  }
0x25: {  	[simem:s6], [sflag:s4] =	dma.local [hbm:s3], $0xF7A  }
0x26: {  	[smem:$0x3F92] =	sst s1;
	(tag) =	ssettag s2;
	_ =	strace s9  }
0x27: {  	s1 =	sld [smem:$0x3FA2]  }
0x28: {  	s2 =	sld [smem:$0x3FA3]  }
0x29: {  	s4 =	sld [smem:$0x3FA5]  }
0x2a: {  	p0 =	seq.s32 s5, $0x0;
	s5 =	sld [smem:$0x3FA6]  }
0x2b: {  	s6 =	sld [smem:$0x3FA7]  }
0x2c: {  	s7 =	sld [smem:$0x3FA8]  }
0x2d: {  	s3 =	simm.s32 $0x108;
	s8 =	sld [smem:$0x3FA9]  }
0x2e: {  	s3 =	simm.s32 @!p0 $0x1082;
	s9 =	sld [smem:$0x3FAA]  }
0x2f: {  	lr =	sadd.s32 s0, s3;
	s0 =	sld [smem:$0x3FA1]  }
0x30: {  	s3 =	sld [smem:$0x3FA4]  }
0x31: {  	[smem:$0x3FAD] =	sst s10  }
0x32: {  	s10 =	sld [smem:$0x3FAB];
	_ =	sdelay $0x3  }
0x33: {  	p0 =	seq.s32 s10, $0x1;
	s10 =	sld [smem:$0x3FAD];
	_ =	sdelay $0x3  }
0x34: {  	[smem:$0x3FAD] =	sst s10  }
0x35: {  	s10 =	sld [smem:$0x3FAC];
	_ =	sdelay $0x3  }
0x36: {  	p1 =	seq.s32 s10, $0x1;
	s10 =	sld [smem:$0x3FAD];
	_ =	sdelay $0x3  }
0x37: {  	[smem:$0x3FAD] =	sst s10  }
0x38: {  	s10 =	sld [smem:$0x3FAE]  }
0x39: {  	_ = 	snop;
	(pc) =	sbr.ind lr, $3  }
0x3a: {  	_ = 	snop  }
0x3b: {  	_ = 	snop  }
0x3c: {  	p2 =	seq.s32 s10, $0x1;
	s10 =	sld [smem:$0x3FAD]  }
0x3d: {  	_ =	shalt  }
0x3e: {  	_ =	shalt  }
0x3f: {  	_ =	shalt  }
0x40: {  	_ =	shalt  }
0x41: {  	_ =	shalt  }
0x42: {  	_ =	shalt  }
0x43: {  	_ =	shalt  }
0x44: {  	_ =	shalt  }
0x45: {  	_ =	shalt  }
0x46: {  	_ =	shalt  }
0x47: {  	_ =	shalt  }
0x48: {  	_ =	shalt  }
0x49: {  	_ =	shalt  }
0x4a: {  	_ =	shalt  }
0x4b: {  	_ =	shalt  }
0x4c: {  	_ =	shalt  }
0x4d: {  	_ =	shalt  }
0x4e: {  	_ =	shalt  }
0x4f: {  	_ =	shalt  }
0x50: {  	_ =	shalt  }
0x51: {  	_ =	shalt  }
0x52: {  	_ =	shalt  }
0x53: {  	_ =	shalt  }
0x54: {  	_ =	shalt  }
0x55: {  	_ =	shalt  }
0x56: {  	_ =	shalt  }
0x57: {  	_ =	shalt  }
0x58: {  	_ =	shalt  }
0x59: {  	_ =	shalt  }
0x5a: {  	_ =	shalt  }
0x5b: {  	_ =	shalt  }
0x5c: {  	_ =	shalt  }
0x5d: {  	_ =	shalt  }
0x5e: {  	_ =	shalt  }
0x5f: {  	_ =	shalt  }
0x60: {  	_ =	shalt  }
0x61: {  	_ =	shalt  }
0x62: {  	_ =	shalt  }
0x63: {  	_ =	shalt  }
0x64: {  	_ =	shalt  }
0x65: {  	_ =	shalt  }
0x66: {  	_ =	shalt  }
0x67: {  	_ =	shalt  }
0x68: {  	_ =	shalt  }
0x69: {  	_ =	shalt  }
0x6a: {  	_ =	shalt  }
0x6b: {  	_ =	shalt  }
0x6c: {  	_ =	shalt  }
0x6d: {  	_ =	shalt  }
0x6e: {  	_ =	shalt  }
0x6f: {  	_ =	shalt  }
0x70: {  	_ =	shalt  }
0x71: {  	_ =	shalt  }
0x72: {  	_ =	shalt  }
0x73: {  	_ =	shalt  }
0x74: {  	_ =	shalt  }
0x75: {  	_ =	shalt  }
0x76: {  	_ =	shalt  }
0x77: {  	_ =	shalt  }
0x78: {  	_ =	shalt  }
0x79: {  	_ =	shalt  }
0x7a: {  	_ =	shalt  }
0x7b: {  	_ =	shalt  }
0x7c: {  	_ =	shalt  }
0x7d: {  	_ =	shalt  }
0x7e: {  	_ =	shalt  }
0x7f: {  	_ =	shalt  }
0x80: {  	_ =	shalt  }
0x81: {  	_ =	shalt  }
0x82: {  	_ =	shalt  }
0x83: {  	_ =	shalt  }
0x84: {  	_ =	shalt  }
0x85: {  	_ =	shalt  }
0x86: {  	_ =	shalt  }
0x87: {  	_ =	shalt  }
.Lfunc_end0:
.L_simem_size_0:
called_computation_lowered:
.L_overlay_start_0:
0x88: {  	s2 =	sld [smem:$0x3FD9]  }
0x89: {  	s3 =	sld [smem:$0x3FFE];
	_ =	sdelay $0x1  }
0x8a: {  	s1 =	srdreg.scid  }
0x8b: {  	s0 =	sand.u32 $0x1, s1  }
0x8c: {  	s17 =	sshll.u32 s0, $0xA;
	s2 =	sadd.s32 s3, s2  }
0x8d: {  	s2 =	sadd.s32 s2, s17  }
0x8e: {  	[smem:$0x3FB9] =	sst s2  }
0x8f: {  	_ = 	snop  }
0x90: {  	s2 =	sld [smem:$0x3FC9]  }
0x91: {  	s18 =	sld [smem:$0x3FC6]  }
0x92: {  	s4 =	sld [smem:$0x3FC5]  }
0x93: {  	s5 =	sld [smem:$0x3FC3];
	(tm) =	ssettm $0x1  }
0x94: {  	s6 =	sld [smem:$0x3FFB];
	_ =	sdelay $0x3  }
0x95: {  	_ =	strace s6  }
0x96: {  	s6 =	sld [smem:$0x3FFC];
	_ =	sdelay $0x3  }
0x97: {  	_ =	strace s6  }
0x98: {  	s6 =	sld [smem:$0x3FFD];
	_ =	sdelay $0x3  }
0x99: {  	_ =	strace s6  }
0x9a: {  	_ =	strace $0x8FFFFFFF  }
0x9b: {  	s19 =	sld [smem:$0x3FDB];
	_ =	sdelay $0x1  }
0x9c: {  	s7 =	simm.s32 $_scs_section_size  }
0x9d: {  	s8 =	simm.s32 $_size__tile_overlayer_lowered;
	s9 =	simm.s32 $_tile_overlayer_lowered  }
0x9e: {  	s22 =	simm.s32 $0x1BFF;
	s21 =	sshll.u32 s9, $0x1;
	s6 =	sadd.s32 s7, s19  }
0x9f: {  	s10 =	simm.s32 $0x0;
	s20 =	sshll.u32 s8, $0x1;
	s8 =	sadd.s32 s21, s6  }
0xa0: {  	[timem:s10], [sflag:s22] =	dma.local [hbm:s8], s20  }
0xa1: {  	_ =	swait.ge [sflag:s22], s20  }
0xa2: {  	s7 =	ssub.s32 $0x0, s20;
	[sflag:s22] =	ssyncset.done $0x0  }
0xa3: {  	[sflag:s22] =	ssyncadd.s32 s7;
	_ =	sdelay $0x1  }
0xa4: {  	s23 =	simm.s32 $0x1B8B  }
0xa5: {  	_ =	swait.ge [sflag:s23], $0x1  }
0xa6: {  	[sflag:s23] =	ssyncset.done $0x0  }
0xa7: {  	s25 =	simm.s32 $0x1B8E;
	s24 =	sld [smem:$0x3FFE];
	[sflag:s23] =	ssyncadd.s32 $0xFFFFFFFF  }
0xa8: {  	s26 =	simm.s32 $execute0_lowered;
	[smem:$0x3FD2] =	sst s25  }
0xa9: {  	s8 =	sshll.u32 s26, $0x1;
	_ =	strace $0x80000046;
	[dreg:$0x1] =	wrdreg $0xFFFFFFFF  }
0xaa: {  	s28 =	simm.s32 $_size_execute0_lowered;
	s6 =	sadd.s32 s6, s8;
	[dreg:$0x0] =	wrdreg $0x0  }
0xab: {  	s8 =	sshll.u32 s28, $0x1;
	[dreg:$0x2] =	wrdreg s6  }
0xac: {  	[dreg:$0x3] =	wrdreg s8  }
0xad: {  	[dreg:$0x4] =	wrdreg $0xC0  }
0xae: {  	_ =	task [dreg:s10], $0x5FFFF  }
0xaf: {  	[dreg:$0x1] =	wrdreg $0xFFFFFFFF  }
0xb0: {  	[dreg:$0x0] =	wrdreg $0x60  }
0xb1: {  	[dreg:$0x2] =	wrdreg s2  }
0xb2: {  	[dreg:$0x3] =	wrdreg s18  }
0xb3: {  	[dreg:$0x4] =	wrdreg s4  }
0xb4: {  	[dreg:$0x5] =	wrdreg s5  }
0xb5: {  	[dreg:$0x6] =	wrdreg s24  }
0xb6: {  	[dreg:$0x7] =	wrdreg $0x9  }
0xb7: {  	_ =	task.clear_ibuf [dreg:s10], $0x8FFFF;
	_ =	strace $0x90000046  }
0xb8: {  	s29 =	simm.s32 $0x9;
	_ =	strace $0x80000048  }
0xb9: {  	_ =	swait.ge [sflag:s29], $0x1  }
0xba: {  	[sflag:s29] =	ssyncadd.s32 $0xFFFFFFFF  }
0xbb: {  	_ =	strace $0x90000048  }
0xbc: {  	_ =	sfence  }
0xbd: {  	s30 =	sld [smem:$0x0];
	_ =	sdelay $0x2  }
0xbe: {  	s31 =	sshll.u32 s1, $0xD;
	s1 =	sshrl.u32 s1, $0x2  }
0xbf: {  	s3 =	sand.u32 $0x4000, s31;
	s1 =	sadd.s32 s1, s30  }
0xc0: {  	s0 =	sor.u32 s3, s0;
	s1 =	sshll.u32 s1, $0x11  }
0xc1: {  	s0 =	sor.u32 s1, s0  }
0xc2: {  	s0 =	sadd.s32 $0x8F2B, s0  }
0xc3: {  	[sflag:s0] =	ssyncadd.remote.s32 $0x1  }
0xc4: {  	_ =	sfence.sel $0xFFFF  }
0xc5: {  	[dreg:$0x0] =	wrdreg $0xFFFFFFFF;
	(pc) =	sbr.abs _section_cstart, $3  }
0xc6: {  	[dreg:$0x1] =	wrdreg $0xFFFFFFFF  }
0xc7: {  	_ =	task.clear_ibuf [dreg:s10], $0x2FFFF;
	_ =	strace $0x9FFFFFFF  }
0xc8: {  	(tm) =	ssettm $0x7FFFFFFF  }
0xc9: {  	_ =	shalt  }
tec
execute0_lowered:
.L_overlay_start_1:
0x0: {  	(tag) =	ssettag $0x1  }
0x1: {  	s5 =	rddreg [dreg:$0x0]  }
0x2: {  	s7 =	rddreg [dreg:$0x1]  }
0x3: {  	s1 =	rddreg [dreg:$0x2]  }
0x4: {  	s3 =	rddreg [dreg:$0x3]  }
0x5: {  	s6 =	rddreg [dreg:$0x4];
	s4 =	srdreg.scid  }
0x6: {  	s0 =	rddreg [dreg:$0x5];
	s2 =	stileid.u32;
	s12 =	simm.s32 $0x7A1400  }
0x7: {  	s13 =	simm.s32 $0x80;
	s14 =	simm.s32 $0x1080;
	s15 =	simm.s32 $0x2000  }
0x8: {  	v0 =	vlaneseq.u32;
	s16 =	simm.s32 $0x0;
	s8 =	sand.u32 $0x1, s4;
	s4 =	simm.s32 $0x0  }
0x9: {  	vm0 =	vmmov $0x1;
	vm1 =	vcmask $0x308;
	vm2 =	vcmask $0x70C;
	s9 =	sshll.u32 s2, $0x8;
	s10 =	sshll.u32 s8, $0x7;
	[smem:$0x7FF] =	sst s4  }
0xa: {  	vm3 =	vcmask $0xB10;
	vm4 =	vcmask $0xF14;
	vm5 =	vcmask $0x1318;
	s8 =	ssub.s32 $0x2, s8;
	s9 =	sor.u32 s10, s9;
	_ =	strace $0x80000047  }
0xb: {  	vm6 =	vcmask $0x171C;
	vm7 =	vcmask $0x1B20;
	vm8 =	vcmask $0x1F24;
	s11 =	sshrl.u32 s8, $0x1;
	s10 =	sshll.u32 s9, $0x4;
	s31 =	sshrl.u32 s9, $0x3  }
0xc: {  	vm9 =	vcmask $0x2328;
	vm10 =	vcmask $0x272C;
	v0 =	vmul.u32 $0x80, v0;
	s11 =	ssub.s32 s8, s11;
	s10 =	sadd.s32 s10, s6;
	s5 =	sadd.s32 s5, s31  }
0xd: {  	vm11 =	vcmask $0x2B30;
	vm12 =	vcmask $0x2F34;
	vm13 =	vcmask $0x3338;
	s7 =	sadd.s32 s7, s31;
	s9 =	smax.u32 s11, $0x1;
	s11 =	simm.s32 $0x400  }
0xe: {  	vm14 =	vcmask $0x373C;
	vm15 =	vmmov $0x7fff;
	v1 =	vor.u32 $0x800, v0;
	s6 =	sadd.s32 $0x2600, s10;
	s8 =	sadd.s32 $0x12600, s10;
	s10 =	simm.s32 $0x1  }
.LBB2_1:
0xf: {  	[tilespmem:s4], [sflag:$0x1] =	stream.linear.gather [hbm4b:s5+s4], $0x80, $0x38;
	[tilespmem:$0x5080] =	vst v63  }
0x10: {  	_ =	swait.ge [sflag:s10], $0x80  }
0x11: {  	[sflag:s10] =	ssyncset.done $0x0  }
0x12: {  	s17 =	simm.s32 $0x1480;
	s18 =	simm.s32 $0x0;
	[sflag:s10] =	ssyncadd.s32 $0xFFFFFF80  }
.LBB2_2:
0x13: {  	s19 =	sshra.s32 s18, $0x2  }
0x14: {  	v2 =	vld [tilespmem:s19+$0x0];
	_ =	sdelay $0x4  }
0x15: {  	v3 =	vnsel vm0, $0x0, v2  }
0x16: {  	v3 =	vxor.u32 $0x80000000, v3  }
0x17: {  	(xrf0) =	vmax.scan.msk.u32 $0xffff, v3;
	_ =	sdelay $0x5  }
0x18: {  	v3, _, _ =	vpop (xrf0)  }
0x19: {  	(v2sf) =	vpush v3, $0xF;
	_ =	sdelay $0xe  }
0x1a: {  	s23 =	spop (v2sf)  }
0x1b: {  	s20 =	sxor.u32 $0x80000000, s23  }
0x1c: {  	p0 =	sgt.s32 s23, $0xFFFFFFFF;
	s19 =	sand.u32 $0x7F, s23;
	p1 =	slt.s32 s20, $0x1  }
0x1d: {  	s21 =	sshra.s32 s20, $0x1F;
	p3 =	sne.s32 s19, $0x0;
	p0 =	por p0, p1  }
0x1e: {  	s24 =	sshrl.u32 s21, $0x19;
	p0 =	por !p3, !p0  }
0x1f: {  	s21 =	simm.s32 $0x1;
	s19 =	sadd.s32 s24, s20;
	p0 =	por !p0, !p0  }
0x20: {  	s19 =	sshrl.u32 s19, $0x7;
	s21 =	simm.s32 @!p0 $0x0  }
0x21: {  	s19 =	ssub.s32 s19, s21  }
0x22: {  	s19 =	sshll.u32 s19, $0x7  }
0x23: {  	s25 =	sand.u32 $0x1FFFFF80, s19  }
0x24: {  	s21 =	sadd.s32 s1, s25  }
0x25: {  	v3 =	vsel vm1, $0x0, v2;
	[tilespmem:s13], [sflag:$0x1] =	stream.strided.gather [hbm4b:s21+s11], $0x1000, s12, s11, $0x38;
	[tilespmem:$0x5080] =	vst v63  }
0x26: {  	v3 =	vxor.u32 $0x80000000, v3;
	_ =	swait.ge [sflag:s10], $0x1000  }
0x27: {  	(xrf0) =	vmax.scan.msk.u32 $0xffff, v3;
	_ =	sdelay $0x5  }
0x28: {  	v3, _, _ =	vpop (xrf0)  }
0x29: {  	(v2sf) =	vpush v3, $0xF;
	_ =	sdelay $0x7  }
0x2a: {  	s19 =	ssub.s32 s20, s19  }
0x2b: {  	v3 =	vadd.s32 s19, v0;
	_ =	sdelay $0x2  }
0x2c: {  	[sflag:s10] =	ssyncset.done $0x0  }
0x2d: {  	[sflag:s10] =	ssyncadd.s32 $0xFFFFF000  }
0x2e: {  	v3 =	vld.idx.msk [tilespmem:v3+s13+$0x0], $0xffff  }
0x2f: {  	v4 =	vadd.s32 s19, v1;
	s26 =	spop (v2sf)  }
0x30: {  	s28 =	sxor.u32 $0x80000000, s26  }
0x31: {  	p4 =	sgt.s32 s26, $0xFFFFFFFF;
	s19 =	sand.u32 $0x7F, s26;
	p5 =	slt.s32 s28, $0x1  }
0x32: {  	s29 =	sshra.s32 s28, $0x1F;
	p6 =	sne.s32 s19, $0x0;
	p0 =	por p4, p5  }
0x33: {  	[tilespmem:s17+$0xFFFFFC00] =	vst v3;
	s30 =	sshrl.u32 s29, $0x19;
	p0 =	por !p6, !p0  }
0x34: {  	s21 =	simm.s32 $0x1;
	v3 =	vld.idx.msk [tilespmem:v4+s13+$0x0], $0xffff;
	s19 =	sadd.s32 s30, s28;
	p0 =	por !p0, !p0  }
0x35: {  	s19 =	sshrl.u32 s19, $0x7;
	s21 =	simm.s32 @!p0 $0x0  }
0x36: {  	s19 =	ssub.s32 s19, s21  }
0x37: {  	s19 =	sshll.u32 s19, $0x7  }
0x38: {  	s31 =	sand.u32 $0x1FFFFF80, s19  }
0x39: {  	[tilespmem:s17+$0xFFFFFC10] =	vst v3;
	s21 =	sadd.s32 s1, s31  }
0x3a: {  	v3 =	vsel vm2, $0x0, v2;
	[tilespmem:s13], [sflag:$0x1] =	stream.strided.gather [hbm4b:s21+s11], $0x1000, s12, s11, $0x38;
	[tilespmem:$0x5080] =	vst v63  }
0x3b: {  	v3 =	vxor.u32 $0x80000000, v3;
	_ =	swait.ge [sflag:s10], $0x1000  }
0x3c: {  	(xrf0) =	vmax.scan.msk.u32 $0xffff, v3;
	_ =	sdelay $0x5  }
0x3d: {  	v3, _, _ =	vpop (xrf0)  }
0x3e: {  	(v2sf) =	vpush v3, $0xF;
	_ =	sdelay $0x7  }
0x3f: {  	s19 =	ssub.s32 s28, s19  }
0x40: {  	v3 =	vadd.s32 s19, v0;
	_ =	sdelay $0x2  }
0x41: {  	[sflag:s10] =	ssyncset.done $0x0  }
0x42: {  	[sflag:s10] =	ssyncadd.s32 $0xFFFFF000  }
0x43: {  	v3 =	vld.idx.msk [tilespmem:v3+s13+$0x0], $0xffff  }
0x44: {  	v51 =	vadd.s32 s19, v1;
	s21 =	spop (v2sf)  }
0x45: {  	s22 =	sxor.u32 $0x80000000, s21  }
0x46: {  	p1 =	sgt.s32 s21, $0xFFFFFFFF;
	s19 =	sand.u32 $0x7F, s21;
	p2 =	slt.s32 s22, $0x1  }
0x47: {  	s23 =	sshra.s32 s22, $0x1F;
	p3 =	sne.s32 s19, $0x0;
	p0 =	por p1, p2  }
0x48: {  	[tilespmem:s17+$0xFFFFFC80] =	vst v3;
	s24 =	sshrl.u32 s23, $0x19;
	p0 =	por !p3, !p0  }
0x49: {  	v3 =	vld.idx.msk [tilespmem:v51+s13+$0x0], $0xffff;
	s21 =	simm.s32 $0x1;
	s19 =	sadd.s32 s24, s22;
	p0 =	por !p0, !p0  }
0x4a: {  	s19 =	sshrl.u32 s19, $0x7;
	s21 =	simm.s32 @!p0 $0x0  }
0x4b: {  	s19 =	ssub.s32 s19, s21  }
0x4c: {  	s19 =	sshll.u32 s19, $0x7  }
0x4d: {  	s25 =	sand.u32 $0x1FFFFF80, s19  }
0x4e: {  	[tilespmem:s17+$0xFFFFFC90] =	vst v3;
	s21 =	sadd.s32 s1, s25  }
0x4f: {  	v3 =	vsel vm3, $0x0, v2;
	[tilespmem:s13], [sflag:$0x1] =	stream.strided.gather [hbm4b:s21+s11], $0x1000, s12, s11, $0x38;
	[tilespmem:$0x5080] =	vst v63  }
0x50: {  	v3 =	vxor.u32 $0x80000000, v3;
	_ =	swait.ge [sflag:s10], $0x1000  }
0x51: {  	(xrf0) =	vmax.scan.msk.u32 $0xffff, v3;
	_ =	sdelay $0x5  }
0x52: {  	v3, _, _ =	vpop (xrf0)  }
0x53: {  	(v2sf) =	vpush v3, $0xF;
	_ =	sdelay $0x7  }
0x54: {  	s19 =	ssub.s32 s22, s19  }
0x55: {  	v3 =	vadd.s32 s19, v0;
	_ =	sdelay $0x2  }
0x56: {  	[sflag:s10] =	ssyncset.done $0x0  }
0x57: {  	[sflag:s10] =	ssyncadd.s32 $0xFFFFF000  }
0x58: {  	v3 =	vld.idx.msk [tilespmem:v3+s13+$0x0], $0xffff  }
0x59: {  	v52 =	vadd.s32 s19, v1;
	s26 =	spop (v2sf)  }
0x5a: {  	s28 =	sxor.u32 $0x80000000, s26  }
0x5b: {  	p4 =	sgt.s32 s26, $0xFFFFFFFF;
	s19 =	sand.u32 $0x7F, s26;
	p5 =	slt.s32 s28, $0x1  }
0x5c: {  	s29 =	sshra.s32 s28, $0x1F;
	p6 =	sne.s32 s19, $0x0;
	p0 =	por p4, p5  }
0x5d: {  	[tilespmem:s17+$0xFFFFFD00] =	vst v3;
	s30 =	sshrl.u32 s29, $0x19;
	p0 =	por !p6, !p0  }
0x5e: {  	s21 =	simm.s32 $0x1;
	v3 =	vld.idx.msk [tilespmem:v52+s13+$0x0], $0xffff;
	s19 =	sadd.s32 s30, s28;
	p0 =	por !p0, !p0  }
0x5f: {  	s19 =	sshrl.u32 s19, $0x7;
	s21 =	simm.s32 @!p0 $0x0  }
0x60: {  	s19 =	ssub.s32 s19, s21  }
0x61: {  	s19 =	sshll.u32 s19, $0x7  }
0x62: {  	s31 =	sand.u32 $0x1FFFFF80, s19  }
0x63: {  	[tilespmem:s17+$0xFFFFFD10] =	vst v3;
	s21 =	sadd.s32 s1, s31  }
0x64: {  	v3 =	vsel vm4, $0x0, v2;
	[tilespmem:s13], [sflag:$0x1] =	stream.strided.gather [hbm4b:s21+s11], $0x1000, s12, s11, $0x38;
	[tilespmem:$0x5080] =	vst v63  }
0x65: {  	v3 =	vxor.u32 $0x80000000, v3;
	_ =	swait.ge [sflag:s10], $0x1000  }
0x66: {  	(xrf0) =	vmax.scan.msk.u32 $0xffff, v3;
	_ =	sdelay $0x5  }
0x67: {  	v3, _, _ =	vpop (xrf0)  }
0x68: {  	(v2sf) =	vpush v3, $0xF;
	_ =	sdelay $0x7  }
0x69: {  	s19 =	ssub.s32 s28, s19  }
0x6a: {  	v3 =	vadd.s32 s19, v0;
	_ =	sdelay $0x2  }
0x6b: {  	[sflag:s10] =	ssyncset.done $0x0  }
0x6c: {  	[sflag:s10] =	ssyncadd.s32 $0xFFFFF000  }
0x6d: {  	v3 =	vld.idx.msk [tilespmem:v3+s13+$0x0], $0xffff  }
0x6e: {  	v53 =	vadd.s32 s19, v1;
	s21 =	spop (v2sf)  }
0x6f: {  	s22 =	sxor.u32 $0x80000000, s21  }
0x70: {  	p1 =	sgt.s32 s21, $0xFFFFFFFF;
	s19 =	sand.u32 $0x7F, s21;
	p2 =	slt.s32 s22, $0x1  }
0x71: {  	s23 =	sshra.s32 s22, $0x1F;
	p3 =	sne.s32 s19, $0x0;
	p0 =	por p1, p2  }
0x72: {  	[tilespmem:s17+$0xFFFFFD80] =	vst v3;
	s24 =	sshrl.u32 s23, $0x19;
	p0 =	por !p3, !p0  }
0x73: {  	v3 =	vld.idx.msk [tilespmem:v53+s13+$0x0], $0xffff;
	s21 =	simm.s32 $0x1;
	s19 =	sadd.s32 s24, s22;
	p0 =	por !p0, !p0  }
0x74: {  	s19 =	sshrl.u32 s19, $0x7;
	s21 =	simm.s32 @!p0 $0x0  }
0x75: {  	s19 =	ssub.s32 s19, s21  }
0x76: {  	s19 =	sshll.u32 s19, $0x7  }
0x77: {  	s25 =	sand.u32 $0x1FFFFF80, s19  }
0x78: {  	[tilespmem:s17+$0xFFFFFD90] =	vst v3;
	s21 =	sadd.s32 s1, s25  }
0x79: {  	v3 =	vsel vm5, $0x0, v2;
	[tilespmem:s13], [sflag:$0x1] =	stream.strided.gather [hbm4b:s21+s11], $0x1000, s12, s11, $0x38;
	[tilespmem:$0x5080] =	vst v63  }
0x7a: {  	v3 =	vxor.u32 $0x80000000, v3;
	_ =	swait.ge [sflag:s10], $0x1000  }
0x7b: {  	(xrf0) =	vmax.scan.msk.u32 $0xffff, v3;
	_ =	sdelay $0x5  }
0x7c: {  	v3, _, _ =	vpop (xrf0)  }
0x7d: {  	(v2sf) =	vpush v3, $0xF;
	_ =	sdelay $0x7  }
0x7e: {  	s19 =	ssub.s32 s22, s19  }
0x7f: {  	v3 =	vadd.s32 s19, v0;
	_ =	sdelay $0x2  }
0x80: {  	[sflag:s10] =	ssyncset.done $0x0  }
0x81: {  	[sflag:s10] =	ssyncadd.s32 $0xFFFFF000  }
0x82: {  	v3 =	vld.idx.msk [tilespmem:v3+s13+$0x0], $0xffff  }
0x83: {  	v54 =	vadd.s32 s19, v1;
	s26 =	spop (v2sf)  }
0x84: {  	s28 =	sxor.u32 $0x80000000, s26  }
0x85: {  	p4 =	sgt.s32 s26, $0xFFFFFFFF;
	s19 =	sand.u32 $0x7F, s26;
	p5 =	slt.s32 s28, $0x1  }
0x86: {  	s29 =	sshra.s32 s28, $0x1F;
	p6 =	sne.s32 s19, $0x0;
	p0 =	por p4, p5  }
0x87: {  	[tilespmem:s17+$0xFFFFFE00] =	vst v3;
	s30 =	sshrl.u32 s29, $0x19;
	p0 =	por !p6, !p0  }
0x88: {  	s21 =	simm.s32 $0x1;
	v3 =	vld.idx.msk [tilespmem:v54+s13+$0x0], $0xffff;
	s19 =	sadd.s32 s30, s28;
	p0 =	por !p0, !p0  }
0x89: {  	s19 =	sshrl.u32 s19, $0x7;
	s21 =	simm.s32 @!p0 $0x0  }
0x8a: {  	s19 =	ssub.s32 s19, s21  }
0x8b: {  	s19 =	sshll.u32 s19, $0x7  }
0x8c: {  	s31 =	sand.u32 $0x1FFFFF80, s19  }
0x8d: {  	[tilespmem:s17+$0xFFFFFE10] =	vst v3;
	s21 =	sadd.s32 s1, s31  }
0x8e: {  	v3 =	vsel vm6, $0x0, v2;
	[tilespmem:s13], [sflag:$0x1] =	stream.strided.gather [hbm4b:s21+s11], $0x1000, s12, s11, $0x38;
	[tilespmem:$0x5080] =	vst v63  }
0x8f: {  	v3 =	vxor.u32 $0x80000000, v3;
	_ =	swait.ge [sflag:s10], $0x1000  }
0x90: {  	(xrf0) =	vmax.scan.msk.u32 $0xffff, v3;
	_ =	sdelay $0x5  }
0x91: {  	v3, _, _ =	vpop (xrf0)  }
0x92: {  	(v2sf) =	vpush v3, $0xF;
	_ =	sdelay $0x7  }
0x93: {  	s19 =	ssub.s32 s28, s19  }
0x94: {  	v3 =	vadd.s32 s19, v0;
	_ =	sdelay $0x2  }
0x95: {  	[sflag:s10] =	ssyncset.done $0x0  }
0x96: {  	[sflag:s10] =	ssyncadd.s32 $0xFFFFF000  }
0x97: {  	v3 =	vld.idx.msk [tilespmem:v3+s13+$0x0], $0xffff  }
0x98: {  	v55 =	vadd.s32 s19, v1;
	s21 =	spop (v2sf)  }
0x99: {  	s22 =	sxor.u32 $0x80000000, s21  }
0x9a: {  	p1 =	sgt.s32 s21, $0xFFFFFFFF;
	s19 =	sand.u32 $0x7F, s21;
	p2 =	slt.s32 s22, $0x1  }
0x9b: {  	s23 =	sshra.s32 s22, $0x1F;
	p3 =	sne.s32 s19, $0x0;
	p0 =	por p1, p2  }
0x9c: {  	[tilespmem:s17+$0xFFFFFE80] =	vst v3;
	s24 =	sshrl.u32 s23, $0x19;
	p0 =	por !p3, !p0  }
0x9d: {  	v3 =	vld.idx.msk [tilespmem:v55+s13+$0x0], $0xffff;
	s21 =	simm.s32 $0x1;
	s19 =	sadd.s32 s24, s22;
	p0 =	por !p0, !p0  }
0x9e: {  	s19 =	sshrl.u32 s19, $0x7;
	s21 =	simm.s32 @!p0 $0x0  }
0x9f: {  	s19 =	ssub.s32 s19, s21  }
0xa0: {  	s19 =	sshll.u32 s19, $0x7  }
0xa1: {  	s25 =	sand.u32 $0x1FFFFF80, s19  }
0xa2: {  	[tilespmem:s17+$0xFFFFFE90] =	vst v3;
	s21 =	sadd.s32 s1, s25  }
0xa3: {  	v3 =	vsel vm7, $0x0, v2;
	[tilespmem:s13], [sflag:$0x1] =	stream.strided.gather [hbm4b:s21+s11], $0x1000, s12, s11, $0x38;
	[tilespmem:$0x5080] =	vst v63  }
0xa4: {  	v3 =	vxor.u32 $0x80000000, v3;
	_ =	swait.ge [sflag:s10], $0x1000  }
0xa5: {  	(xrf0) =	vmax.scan.msk.u32 $0xffff, v3;
	_ =	sdelay $0x5  }
0xa6: {  	v3, _, _ =	vpop (xrf0)  }
0xa7: {  	(v2sf) =	vpush v3, $0xF;
	_ =	sdelay $0x7  }
0xa8: {  	s19 =	ssub.s32 s22, s19  }
0xa9: {  	v3 =	vadd.s32 s19, v0;
	_ =	sdelay $0x2  }
0xaa: {  	[sflag:s10] =	ssyncset.done $0x0  }
0xab: {  	[sflag:s10] =	ssyncadd.s32 $0xFFFFF000  }
0xac: {  	v3 =	vld.idx.msk [tilespmem:v3+s13+$0x0], $0xffff  }
0xad: {  	v56 =	vadd.s32 s19, v1;
	s26 =	spop (v2sf)  }
0xae: {  	s28 =	sxor.u32 $0x80000000, s26  }
0xaf: {  	p4 =	sgt.s32 s26, $0xFFFFFFFF;
	s19 =	sand.u32 $0x7F, s26;
	p5 =	slt.s32 s28, $0x1  }
0xb0: {  	s29 =	sshra.s32 s28, $0x1F;
	p6 =	sne.s32 s19, $0x0;
	p0 =	por p4, p5  }
0xb1: {  	[tilespmem:s17+$0xFFFFFF00] =	vst v3;
	s30 =	sshrl.u32 s29, $0x19;
	p0 =	por !p6, !p0  }
0xb2: {  	s21 =	simm.s32 $0x1;
	v3 =	vld.idx.msk [tilespmem:v56+s13+$0x0], $0xffff;
	s19 =	sadd.s32 s30, s28;
	p0 =	por !p0, !p0  }
0xb3: {  	s19 =	sshrl.u32 s19, $0x7;
	s21 =	simm.s32 @!p0 $0x0  }
0xb4: {  	s19 =	ssub.s32 s19, s21  }
0xb5: {  	s19 =	sshll.u32 s19, $0x7  }
0xb6: {  	s31 =	sand.u32 $0x1FFFFF80, s19  }
0xb7: {  	[tilespmem:s17+$0xFFFFFF10] =	vst v3;
	s21 =	sadd.s32 s1, s31  }
0xb8: {  	v3 =	vsel vm8, $0x0, v2;
	[tilespmem:s13], [sflag:$0x1] =	stream.strided.gather [hbm4b:s21+s11], $0x1000, s12, s11, $0x38;
	[tilespmem:$0x5080] =	vst v63  }
0xb9: {  	v3 =	vxor.u32 $0x80000000, v3;
	_ =	swait.ge [sflag:s10], $0x1000  }
0xba: {  	(xrf0) =	vmax.scan.msk.u32 $0xffff, v3;
	_ =	sdelay $0x5  }
0xbb: {  	v3, _, _ =	vpop (xrf0)  }
0xbc: {  	(v2sf) =	vpush v3, $0xF;
	_ =	sdelay $0x7  }
0xbd: {  	s19 =	ssub.s32 s28, s19  }
0xbe: {  	v3 =	vadd.s32 s19, v0;
	_ =	sdelay $0x2  }
0xbf: {  	[sflag:s10] =	ssyncset.done $0x0  }
0xc0: {  	[sflag:s10] =	ssyncadd.s32 $0xFFFFF000  }
0xc1: {  	v3 =	vld.idx.msk [tilespmem:v3+s13+$0x0], $0xffff  }
0xc2: {  	v57 =	vadd.s32 s19, v1;
	s21 =	spop (v2sf)  }
0xc3: {  	s22 =	sxor.u32 $0x80000000, s21  }
0xc4: {  	p1 =	sgt.s32 s21, $0xFFFFFFFF;
	s19 =	sand.u32 $0x7F, s21;
	p2 =	slt.s32 s22, $0x1  }
0xc5: {  	s23 =	sshra.s32 s22, $0x1F;
	p3 =	sne.s32 s19, $0x0;
	p0 =	por p1, p2  }
0xc6: {  	[tilespmem:s17+$0xFFFFFF80] =	vst v3;
	s24 =	sshrl.u32 s23, $0x19;
	p0 =	por !p3, !p0  }
0xc7: {  	v3 =	vld.idx.msk [tilespmem:v57+s13+$0x0], $0xffff;
	s21 =	simm.s32 $0x1;
	s19 =	sadd.s32 s24, s22;
	p0 =	por !p0, !p0  }
0xc8: {  	s19 =	sshrl.u32 s19, $0x7;
	s21 =	simm.s32 @!p0 $0x0  }
0xc9: {  	s19 =	ssub.s32 s19, s21  }
0xca: {  	s19 =	sshll.u32 s19, $0x7  }
0xcb: {  	s25 =	sand.u32 $0x1FFFFF80, s19  }
0xcc: {  	[tilespmem:s17+$0xFFFFFF90] =	vst v3;
	s21 =	sadd.s32 s1, s25  }
0xcd: {  	v3 =	vsel vm9, $0x0, v2;
	[tilespmem:s13], [sflag:$0x1] =	stream.strided.gather [hbm4b:s21+s11], $0x1000, s12, s11, $0x38;
	[tilespmem:$0x5080] =	vst v63  }
0xce: {  	v3 =	vxor.u32 $0x80000000, v3;
	_ =	swait.ge [sflag:s10], $0x1000  }
0xcf: {  	(xrf0) =	vmax.scan.msk.u32 $0xffff, v3;
	_ =	sdelay $0x5  }
0xd0: {  	v3, _, _ =	vpop (xrf0)  }
0xd1: {  	(v2sf) =	vpush v3, $0xF;
	_ =	sdelay $0x7  }
0xd2: {  	s19 =	ssub.s32 s22, s19  }
0xd3: {  	v3 =	vadd.s32 s19, v0;
	_ =	sdelay $0x2  }
0xd4: {  	[sflag:s10] =	ssyncset.done $0x0  }
0xd5: {  	[sflag:s10] =	ssyncadd.s32 $0xFFFFF000  }
0xd6: {  	v3 =	vld.idx.msk [tilespmem:v3+s13+$0x0], $0xffff  }
0xd7: {  	v58 =	vadd.s32 s19, v1;
	s26 =	spop (v2sf)  }
0xd8: {  	s28 =	sxor.u32 $0x80000000, s26  }
0xd9: {  	p4 =	sgt.s32 s26, $0xFFFFFFFF;
	s19 =	sand.u32 $0x7F, s26;
	p5 =	slt.s32 s28, $0x1  }
0xda: {  	s29 =	sshra.s32 s28, $0x1F;
	p6 =	sne.s32 s19, $0x0;
	p0 =	por p4, p5  }
0xdb: {  	[tilespmem:s17+$0x0] =	vst v3;
	s30 =	sshrl.u32 s29, $0x19;
	p0 =	por !p6, !p0  }
0xdc: {  	s21 =	simm.s32 $0x1;
	v3 =	vld.idx.msk [tilespmem:v58+s13+$0x0], $0xffff;
	s19 =	sadd.s32 s30, s28;
	p0 =	por !p0, !p0  }
0xdd: {  	s19 =	sshrl.u32 s19, $0x7;
	s21 =	simm.s32 @!p0 $0x0  }
0xde: {  	s19 =	ssub.s32 s19, s21  }
0xdf: {  	s19 =	sshll.u32 s19, $0x7  }
0xe0: {  	s31 =	sand.u32 $0x1FFFFF80, s19  }
0xe1: {  	[tilespmem:s17+$0x10] =	vst v3;
	s21 =	sadd.s32 s1, s31  }
0xe2: {  	v3 =	vsel vm10, $0x0, v2;
	[tilespmem:s13], [sflag:$0x1] =	stream.strided.gather [hbm4b:s21+s11], $0x1000, s12, s11, $0x38;
	[tilespmem:$0x5080] =	vst v63  }
0xe3: {  	v3 =	vxor.u32 $0x80000000, v3;
	_ =	swait.ge [sflag:s10], $0x1000  }
0xe4: {  	(xrf0) =	vmax.scan.msk.u32 $0xffff, v3;
	_ =	sdelay $0x5  }
0xe5: {  	v3, _, _ =	vpop (xrf0)  }
0xe6: {  	(v2sf) =	vpush v3, $0xF;
	_ =	sdelay $0x7  }
0xe7: {  	s19 =	ssub.s32 s28, s19  }
0xe8: {  	v3 =	vadd.s32 s19, v0;
	_ =	sdelay $0x2  }
0xe9: {  	[sflag:s10] =	ssyncset.done $0x0  }
0xea: {  	[sflag:s10] =	ssyncadd.s32 $0xFFFFF000  }
0xeb: {  	v3 =	vld.idx.msk [tilespmem:v3+s13+$0x0], $0xffff  }
0xec: {  	v59 =	vadd.s32 s19, v1;
	s21 =	spop (v2sf)  }
0xed: {  	s22 =	sxor.u32 $0x80000000, s21  }
0xee: {  	p1 =	sgt.s32 s21, $0xFFFFFFFF;
	s19 =	sand.u32 $0x7F, s21;
	p2 =	slt.s32 s22, $0x1  }
0xef: {  	s23 =	sshra.s32 s22, $0x1F;
	p3 =	sne.s32 s19, $0x0;
	p0 =	por p1, p2  }
0xf0: {  	[tilespmem:s17+$0x80] =	vst v3;
	s24 =	sshrl.u32 s23, $0x19;
	p0 =	por !p3, !p0  }
0xf1: {  	v3 =	vld.idx.msk [tilespmem:v59+s13+$0x0], $0xffff;
	s21 =	simm.s32 $0x1;
	s19 =	sadd.s32 s24, s22;
	p0 =	por !p0, !p0  }
0xf2: {  	s19 =	sshrl.u32 s19, $0x7;
	s21 =	simm.s32 @!p0 $0x0  }
0xf3: {  	s19 =	ssub.s32 s19, s21  }
0xf4: {  	s19 =	sshll.u32 s19, $0x7  }
0xf5: {  	s25 =	sand.u32 $0x1FFFFF80, s19  }
0xf6: {  	[tilespmem:s17+$0x90] =	vst v3;
	s21 =	sadd.s32 s1, s25  }
0xf7: {  	v3 =	vsel vm11, $0x0, v2;
	[tilespmem:s13], [sflag:$0x1] =	stream.strided.gather [hbm4b:s21+s11], $0x1000, s12, s11, $0x38;
	[tilespmem:$0x5080] =	vst v63  }
0xf8: {  	v3 =	vxor.u32 $0x80000000, v3;
	_ =	swait.ge [sflag:s10], $0x1000  }
0xf9: {  	(xrf0) =	vmax.scan.msk.u32 $0xffff, v3;
	_ =	sdelay $0x5  }
0xfa: {  	v3, _, _ =	vpop (xrf0)  }
0xfb: {  	(v2sf) =	vpush v3, $0xF;
	_ =	sdelay $0x7  }
0xfc: {  	s19 =	ssub.s32 s22, s19  }
0xfd: {  	v3 =	vadd.s32 s19, v0;
	_ =	sdelay $0x2  }
0xfe: {  	[sflag:s10] =	ssyncset.done $0x0  }
0xff: {  	[sflag:s10] =	ssyncadd.s32 $0xFFFFF000  }
0x100: {  	v3 =	vld.idx.msk [tilespmem:v3+s13+$0x0], $0xffff  }
0x101: {  	v60 =	vadd.s32 s19, v1;
	s26 =	spop (v2sf)  }
0x102: {  	s28 =	sxor.u32 $0x80000000, s26  }
0x103: {  	p4 =	sgt.s32 s26, $0xFFFFFFFF;
	s19 =	sand.u32 $0x7F, s26;
	p5 =	slt.s32 s28, $0x1  }
0x104: {  	s29 =	sshra.s32 s28, $0x1F;
	p6 =	sne.s32 s19, $0x0;
	p0 =	por p4, p5  }
0x105: {  	[tilespmem:s17+$0x100] =	vst v3;
	s30 =	sshrl.u32 s29, $0x19;
	p0 =	por !p6, !p0  }
0x106: {  	s21 =	simm.s32 $0x1;
	v3 =	vld.idx.msk [tilespmem:v60+s13+$0x0], $0xffff;
	s19 =	sadd.s32 s30, s28;
	p0 =	por !p0, !p0  }
0x107: {  	s19 =	sshrl.u32 s19, $0x7;
	s21 =	simm.s32 @!p0 $0x0  }
0x108: {  	s19 =	ssub.s32 s19, s21  }
0x109: {  	s19 =	sshll.u32 s19, $0x7  }
0x10a: {  	s31 =	sand.u32 $0x1FFFFF80, s19  }
0x10b: {  	[tilespmem:s17+$0x110] =	vst v3;
	s21 =	sadd.s32 s1, s31  }
0x10c: {  	v3 =	vsel vm12, $0x0, v2;
	[tilespmem:s13], [sflag:$0x1] =	stream.strided.gather [hbm4b:s21+s11], $0x1000, s12, s11, $0x38;
	[tilespmem:$0x5080] =	vst v63  }
0x10d: {  	v3 =	vxor.u32 $0x80000000, v3;
	_ =	swait.ge [sflag:s10], $0x1000  }
0x10e: {  	(xrf0) =	vmax.scan.msk.u32 $0xffff, v3;
	_ =	sdelay $0x5  }
0x10f: {  	v3, _, _ =	vpop (xrf0)  }
0x110: {  	(v2sf) =	vpush v3, $0xF;
	_ =	sdelay $0x7  }
0x111: {  	s19 =	ssub.s32 s28, s19  }
0x112: {  	v3 =	vadd.s32 s19, v0;
	_ =	sdelay $0x2  }
0x113: {  	[sflag:s10] =	ssyncset.done $0x0  }
0x114: {  	[sflag:s10] =	ssyncadd.s32 $0xFFFFF000  }
0x115: {  	v3 =	vld.idx.msk [tilespmem:v3+s13+$0x0], $0xffff  }
0x116: {  	v61 =	vadd.s32 s19, v1;
	s21 =	spop (v2sf)  }
0x117: {  	s22 =	sxor.u32 $0x80000000, s21  }
0x118: {  	p1 =	sgt.s32 s21, $0xFFFFFFFF;
	s19 =	sand.u32 $0x7F, s21;
	p2 =	slt.s32 s22, $0x1  }
0x119: {  	s23 =	sshra.s32 s22, $0x1F;
	p3 =	sne.s32 s19, $0x0;
	p0 =	por p1, p2  }
0x11a: {  	[tilespmem:s17+$0x180] =	vst v3;
	s24 =	sshrl.u32 s23, $0x19;
	p0 =	por !p3, !p0  }
0x11b: {  	v3 =	vld.idx.msk [tilespmem:v61+s13+$0x0], $0xffff;
	s21 =	simm.s32 $0x1;
	s19 =	sadd.s32 s24, s22;
	p0 =	por !p0, !p0  }
0x11c: {  	s19 =	sshrl.u32 s19, $0x7;
	s21 =	simm.s32 @!p0 $0x0  }
0x11d: {  	s19 =	ssub.s32 s19, s21  }
0x11e: {  	s19 =	sshll.u32 s19, $0x7  }
0x11f: {  	s25 =	sand.u32 $0x1FFFFF80, s19  }
0x120: {  	[tilespmem:s17+$0x190] =	vst v3;
	s21 =	sadd.s32 s1, s25  }
0x121: {  	v3 =	vsel vm13, $0x0, v2;
	[tilespmem:s13], [sflag:$0x1] =	stream.strided.gather [hbm4b:s21+s11], $0x1000, s12, s11, $0x38;
	[tilespmem:$0x5080] =	vst v63  }
0x122: {  	v3 =	vxor.u32 $0x80000000, v3;
	_ =	swait.ge [sflag:s10], $0x1000  }
0x123: {  	(xrf0) =	vmax.scan.msk.u32 $0xffff, v3;
	_ =	sdelay $0x5  }
0x124: {  	v3, _, _ =	vpop (xrf0)  }
0x125: {  	(v2sf) =	vpush v3, $0xF;
	_ =	sdelay $0x7  }
0x126: {  	s19 =	ssub.s32 s22, s19  }
0x127: {  	v3 =	vadd.s32 s19, v0;
	_ =	sdelay $0x2  }
0x128: {  	[sflag:s10] =	ssyncset.done $0x0  }
0x129: {  	[sflag:s10] =	ssyncadd.s32 $0xFFFFF000  }
0x12a: {  	v3 =	vld.idx.msk [tilespmem:v3+s13+$0x0], $0xffff  }
0x12b: {  	v62 =	vadd.s32 s19, v1;
	s26 =	spop (v2sf)  }
0x12c: {  	s28 =	sxor.u32 $0x80000000, s26  }
0x12d: {  	p4 =	sgt.s32 s26, $0xFFFFFFFF;
	s19 =	sand.u32 $0x7F, s26;
	p5 =	slt.s32 s28, $0x1  }
0x12e: {  	s29 =	sshra.s32 s28, $0x1F;
	p6 =	sne.s32 s19, $0x0;
	p0 =	por p4, p5  }
0x12f: {  	[tilespmem:s17+$0x200] =	vst v3;
	s30 =	sshrl.u32 s29, $0x19;
	p0 =	por !p6, !p0  }
0x130: {  	s21 =	simm.s32 $0x1;
	v3 =	vld.idx.msk [tilespmem:v62+s13+$0x0], $0xffff;
	s19 =	sadd.s32 s30, s28;
	p0 =	por !p0, !p0  }
0x131: {  	s19 =	sshrl.u32 s19, $0x7;
	s21 =	simm.s32 @!p0 $0x0  }
0x132: {  	s19 =	ssub.s32 s19, s21  }
0x133: {  	s19 =	sshll.u32 s19, $0x7  }
0x134: {  	s31 =	sand.u32 $0x1FFFFF80, s19  }
0x135: {  	[tilespmem:s17+$0x210] =	vst v3;
	s21 =	sadd.s32 s1, s31  }
0x136: {  	v3 =	vsel vm14, $0x0, v2;
	[tilespmem:s13], [sflag:$0x1] =	stream.strided.gather [hbm4b:s21+s11], $0x1000, s12, s11, $0x38;
	[tilespmem:$0x5080] =	vst v63  }
0x137: {  	v3 =	vxor.u32 $0x80000000, v3;
	_ =	swait.ge [sflag:s10], $0x1000  }
0x138: {  	(xrf0) =	vmax.scan.msk.u32 $0xffff, v3;
	_ =	sdelay $0x5  }
0x139: {  	v3, _, _ =	vpop (xrf0)  }
0x13a: {  	(v2sf) =	vpush v3, $0xF;
	_ =	sdelay $0x7  }
0x13b: {  	s19 =	ssub.s32 s28, s19  }
0x13c: {  	v3 =	vadd.s32 s19, v0;
	_ =	sdelay $0x2  }
0x13d: {  	[sflag:s10] =	ssyncset.done $0x0  }
0x13e: {  	[sflag:s10] =	ssyncadd.s32 $0xFFFFF000  }
0x13f: {  	v3 =	vld.idx.msk [tilespmem:v3+s13+$0x0], $0xffff  }
0x140: {  	v63 =	vadd.s32 s19, v1;
	s22 =	spop (v2sf)  }
0x141: {  	s23 =	sxor.u32 $0x80000000, s22  }
0x142: {  	p1 =	sgt.s32 s22, $0xFFFFFFFF;
	s19 =	sand.u32 $0x7F, s22;
	p2 =	slt.s32 s23, $0x1  }
0x143: {  	s24 =	sshra.s32 s23, $0x1F;
	p3 =	sne.s32 s19, $0x0;
	p0 =	por p1, p2  }
0x144: {  	[tilespmem:s17+$0x280] =	vst v3;
	s25 =	sshrl.u32 s24, $0x19;
	p0 =	por !p3, !p0  }
0x145: {  	s21 =	simm.s32 $0x1;
	v3 =	vld.idx.msk [tilespmem:v63+s13+$0x0], $0xffff;
	s19 =	sadd.s32 s25, s23;
	p0 =	por !p0, !p0  }
0x146: {  	s19 =	sshrl.u32 s19, $0x7;
	s21 =	simm.s32 @!p0 $0x0  }
0x147: {  	s19 =	ssub.s32 s19, s21  }
0x148: {  	s19 =	sshll.u32 s19, $0x7  }
0x149: {  	s26 =	sand.u32 $0x1FFFFF80, s19  }
0x14a: {  	[tilespmem:s17+$0x290] =	vst v3;
	s21 =	sadd.s32 s1, s26  }
0x14b: {  	v2 =	vsel vm15, $0x0, v2;
	[tilespmem:s13], [sflag:$0x1] =	stream.strided.gather [hbm4b:s21+s11], $0x1000, s12, s11, $0x38;
	[tilespmem:$0x5080] =	vst v63  }
0x14c: {  	v2 =	vxor.u32 $0x80000000, v2;
	_ =	swait.ge [sflag:s10], $0x1000  }
0x14d: {  	(xrf0) =	vmax.scan.msk.u32 $0xffff, v2;
	_ =	sdelay $0x5  }
0x14e: {  	v2, _, _ =	vpop (xrf0)  }
0x14f: {  	(v2sf) =	vpush v2, $0xF;
	_ =	sdelay $0x7  }
0x150: {  	s19 =	ssub.s32 s23, s19  }
0x151: {  	v2 =	vadd.s32 s19, v0;
	_ =	sdelay $0x2  }
0x152: {  	[sflag:s10] =	ssyncset.done $0x0  }
0x153: {  	[sflag:s10] =	ssyncadd.s32 $0xFFFFF000  }
0x154: {  	v2 =	vld.idx.msk [tilespmem:v2+s13+$0x0], $0xffff  }
0x155: {  	v3 =	vadd.s32 s19, v1;
	s28 =	spop (v2sf)  }
0x156: {  	s29 =	sxor.u32 $0x80000000, s28  }
0x157: {  	p4 =	sgt.s32 s28, $0xFFFFFFFF;
	s19 =	sand.u32 $0x7F, s28;
	p5 =	slt.s32 s29, $0x1  }
0x158: {  	s30 =	sshra.s32 s29, $0x1F;
	p6 =	sne.s32 s19, $0x0;
	p0 =	por p4, p5  }
0x159: {  	[tilespmem:s17+$0x300] =	vst v2;
	s31 =	sshrl.u32 s30, $0x19;
	p0 =	por !p6, !p0  }
0x15a: {  	s21 =	simm.s32 $0x1;
	v2 =	vld.idx.msk [tilespmem:v3+s13+$0x0], $0xffff;
	s19 =	sadd.s32 s31, s29;
	p0 =	por !p0, !p0  }
0x15b: {  	s19 =	sshrl.u32 s19, $0x7;
	s21 =	simm.s32 @!p0 $0x0  }
0x15c: {  	s19 =	ssub.s32 s19, s21  }
0x15d: {  	s19 =	sshll.u32 s19, $0x7  }
0x15e: {  	s20 =	ssub.s32 s29, s19;
	s19 =	sand.u32 $0x1FFFFF80, s19  }
0x15f: {  	[tilespmem:s17+$0x310] =	vst v2;
	s19 =	sadd.s32 s1, s19;
	v2 =	vadd.s32 s20, v0  }
0x160: {  	[tilespmem:s13], [sflag:$0x1] =	stream.strided.gather [hbm4b:s19+s11], $0x1000, s12, s11, $0x38;
	[tilespmem:$0x5080] =	vst v63  }
0x161: {  	_ =	swait.ge [sflag:s10], $0x1000  }
0x162: {  	[sflag:s10] =	ssyncset.done $0x0  }
0x163: {  	[sflag:s10] =	ssyncadd.s32 $0xFFFFF000  }
0x164: {  	v2 =	vld.idx.msk [tilespmem:v2+s13+$0x0], $0xffff  }
0x165: {  	v3 =	vadd.s32 s20, v1;
	_ =	sdelay $0x3  }
0x166: {  	[tilespmem:s17+$0x380] =	vst v2  }
0x167: {  	p0 =	sne.s32 s18, $0x1C0;
	v2 =	vld.idx.msk [tilespmem:v3+s13+$0x0], $0xffff  }
.Ltmp0:
0x168: {  	_ = 	snop;
	(pc) =	sbr.rel @p0 .LBB2_2-.Ltmp0, $2  }
0x169: {  	_ =	sdelay $0x2  }
0x16a: {  	s18 =	sadd.s32 $0x40, s18;
	[tilespmem:s17+$0x390] =	vst v2;
	s17 =	sadd.s32 $0x800, s17  }
0x16b: {  	s17 =	simm.s32 $0x0  }
0x16c: {  	[hbm4b:s6+s17] =	stream.linear.scatter [tilespmem:s14], [sflag:$0x1], $0x4000, $0x38;
	[tilespmem:$0x5080] =	vst v63  }
0x16d: {  	_ =	swait.ge [sflag:s10], $0x4000  }
0x16e: {  	[sflag:s10] =	ssyncset.done $0x0  }
0x16f: {  	[sflag:s10] =	ssyncadd.s32 $0xFFFFC000  }
0x170: {  	[tilespmem:s17], [sflag:$0x1] =	stream.linear.gather [hbm4b:s7+s17], $0x80, $0x38;
	[tilespmem:$0x5080] =	vst v63  }
0x171: {  	_ =	swait.ge [sflag:s10], $0x80  }
0x172: {  	[sflag:s10] =	ssyncset.done $0x0  }
0x173: {  	s18 =	simm.s32 $0x1480;
	[sflag:s10] =	ssyncadd.s32 $0xFFFFFF80  }
.LBB2_4:
0x174: {  	s19 =	sshra.s32 s17, $0x2  }
0x175: {  	v2 =	vld [tilespmem:s19+$0x0];
	_ =	sdelay $0x4  }
0x176: {  	v3 =	vnsel vm0, $0x0, v2  }
0x177: {  	v3 =	vxor.u32 $0x80000000, v3  }
0x178: {  	(xrf0) =	vmax.scan.msk.u32 $0xffff, v3;
	_ =	sdelay $0x5  }
0x179: {  	v3, _, _ =	vpop (xrf0)  }
0x17a: {  	(v2sf) =	vpush v3, $0xF;
	_ =	sdelay $0xe  }
0x17b: {  	s23 =	spop (v2sf)  }
0x17c: {  	s20 =	sxor.u32 $0x80000000, s23  }
0x17d: {  	p0 =	sgt.s32 s23, $0xFFFFFFFF;
	s19 =	sand.u32 $0x7F, s23;
	p1 =	slt.s32 s20, $0x1  }
0x17e: {  	s21 =	sshra.s32 s20, $0x1F;
	p3 =	sne.s32 s19, $0x0;
	p0 =	por p0, p1  }
0x17f: {  	s24 =	sshrl.u32 s21, $0x19;
	p0 =	por !p3, !p0  }
0x180: {  	s21 =	simm.s32 $0x1;
	s19 =	sadd.s32 s24, s20;
	p0 =	por !p0, !p0  }
0x181: {  	s19 =	sshrl.u32 s19, $0x7;
	s21 =	simm.s32 @!p0 $0x0  }
0x182: {  	s19 =	ssub.s32 s19, s21  }
0x183: {  	s19 =	sshll.u32 s19, $0x7  }
0x184: {  	s25 =	sand.u32 $0x1FFFFF80, s19  }
0x185: {  	s21 =	sadd.s32 s3, s25  }
0x186: {  	v3 =	vsel vm1, $0x0, v2;
	[tilespmem:s13], [sflag:$0x1] =	stream.strided.gather [hbm4b:s21+s11], $0x1000, s15, s11, $0x38;
	[tilespmem:$0x5080] =	vst v63  }
0x187: {  	v3 =	vxor.u32 $0x80000000, v3;
	_ =	swait.ge [sflag:s10], $0x1000  }
0x188: {  	(xrf0) =	vmax.scan.msk.u32 $0xffff, v3;
	_ =	sdelay $0x5  }
0x189: {  	v3, _, _ =	vpop (xrf0)  }
0x18a: {  	(v2sf) =	vpush v3, $0xF;
	_ =	sdelay $0x7  }
0x18b: {  	s19 =	ssub.s32 s20, s19  }
0x18c: {  	v3 =	vadd.s32 s19, v0;
	_ =	sdelay $0x2  }
0x18d: {  	[sflag:s10] =	ssyncset.done $0x0  }
0x18e: {  	[sflag:s10] =	ssyncadd.s32 $0xFFFFF000  }
0x18f: {  	v3 =	vld.idx.msk [tilespmem:v3+s13+$0x0], $0xffff  }
0x190: {  	v4 =	vadd.s32 s19, v1;
	s26 =	spop (v2sf)  }
0x191: {  	s28 =	sxor.u32 $0x80000000, s26  }
0x192: {  	p4 =	sgt.s32 s26, $0xFFFFFFFF;
	s19 =	sand.u32 $0x7F, s26;
	p5 =	slt.s32 s28, $0x1  }
0x193: {  	s29 =	sshra.s32 s28, $0x1F;
	p6 =	sne.s32 s19, $0x0;
	p0 =	por p4, p5  }
0x194: {  	[tilespmem:s18+$0xFFFFFC00] =	vst v3;
	s30 =	sshrl.u32 s29, $0x19;
	p0 =	por !p6, !p0  }
0x195: {  	s21 =	simm.s32 $0x1;
	v3 =	vld.idx.msk [tilespmem:v4+s13+$0x0], $0xffff;
	s19 =	sadd.s32 s30, s28;
	p0 =	por !p0, !p0  }
0x196: {  	s19 =	sshrl.u32 s19, $0x7;
	s21 =	simm.s32 @!p0 $0x0  }
0x197: {  	s19 =	ssub.s32 s19, s21  }
0x198: {  	s19 =	sshll.u32 s19, $0x7  }
0x199: {  	s31 =	sand.u32 $0x1FFFFF80, s19  }
0x19a: {  	[tilespmem:s18+$0xFFFFFC10] =	vst v3;
	s21 =	sadd.s32 s3, s31  }
0x19b: {  	v3 =	vsel vm2, $0x0, v2;
	[tilespmem:s13], [sflag:$0x1] =	stream.strided.gather [hbm4b:s21+s11], $0x1000, s15, s11, $0x38;
	[tilespmem:$0x5080] =	vst v63  }
0x19c: {  	v3 =	vxor.u32 $0x80000000, v3;
	_ =	swait.ge [sflag:s10], $0x1000  }
0x19d: {  	(xrf0) =	vmax.scan.msk.u32 $0xffff, v3;
	_ =	sdelay $0x5  }
0x19e: {  	v3, _, _ =	vpop (xrf0)  }
0x19f: {  	(v2sf) =	vpush v3, $0xF;
	_ =	sdelay $0x7  }
0x1a0: {  	s19 =	ssub.s32 s28, s19  }
0x1a1: {  	v3 =	vadd.s32 s19, v0;
	_ =	sdelay $0x2  }
0x1a2: {  	[sflag:s10] =	ssyncset.done $0x0  }
0x1a3: {  	[sflag:s10] =	ssyncadd.s32 $0xFFFFF000  }
0x1a4: {  	v3 =	vld.idx.msk [tilespmem:v3+s13+$0x0], $0xffff  }
0x1a5: {  	v51 =	vadd.s32 s19, v1;
	s21 =	spop (v2sf)  }
0x1a6: {  	s22 =	sxor.u32 $0x80000000, s21  }
0x1a7: {  	p1 =	sgt.s32 s21, $0xFFFFFFFF;
	s19 =	sand.u32 $0x7F, s21;
	p2 =	slt.s32 s22, $0x1  }
0x1a8: {  	s23 =	sshra.s32 s22, $0x1F;
	p3 =	sne.s32 s19, $0x0;
	p0 =	por p1, p2  }
0x1a9: {  	[tilespmem:s18+$0xFFFFFC80] =	vst v3;
	s24 =	sshrl.u32 s23, $0x19;
	p0 =	por !p3, !p0  }
0x1aa: {  	v3 =	vld.idx.msk [tilespmem:v51+s13+$0x0], $0xffff;
	s21 =	simm.s32 $0x1;
	s19 =	sadd.s32 s24, s22;
	p0 =	por !p0, !p0  }
0x1ab: {  	s19 =	sshrl.u32 s19, $0x7;
	s21 =	simm.s32 @!p0 $0x0  }
0x1ac: {  	s19 =	ssub.s32 s19, s21  }
0x1ad: {  	s19 =	sshll.u32 s19, $0x7  }
0x1ae: {  	s25 =	sand.u32 $0x1FFFFF80, s19  }
0x1af: {  	[tilespmem:s18+$0xFFFFFC90] =	vst v3;
	s21 =	sadd.s32 s3, s25  }
0x1b0: {  	v3 =	vsel vm3, $0x0, v2;
	[tilespmem:s13], [sflag:$0x1] =	stream.strided.gather [hbm4b:s21+s11], $0x1000, s15, s11, $0x38;
	[tilespmem:$0x5080] =	vst v63  }
0x1b1: {  	v3 =	vxor.u32 $0x80000000, v3;
	_ =	swait.ge [sflag:s10], $0x1000  }
0x1b2: {  	(xrf0) =	vmax.scan.msk.u32 $0xffff, v3;
	_ =	sdelay $0x5  }
0x1b3: {  	v3, _, _ =	vpop (xrf0)  }
0x1b4: {  	(v2sf) =	vpush v3, $0xF;
	_ =	sdelay $0x7  }
0x1b5: {  	s19 =	ssub.s32 s22, s19  }
0x1b6: {  	v3 =	vadd.s32 s19, v0;
	_ =	sdelay $0x2  }
0x1b7: {  	[sflag:s10] =	ssyncset.done $0x0  }
0x1b8: {  	[sflag:s10] =	ssyncadd.s32 $0xFFFFF000  }
0x1b9: {  	v3 =	vld.idx.msk [tilespmem:v3+s13+$0x0], $0xffff  }
0x1ba: {  	v52 =	vadd.s32 s19, v1;
	s26 =	spop (v2sf)  }
0x1bb: {  	s28 =	sxor.u32 $0x80000000, s26  }
0x1bc: {  	p4 =	sgt.s32 s26, $0xFFFFFFFF;
	s19 =	sand.u32 $0x7F, s26;
	p5 =	slt.s32 s28, $0x1  }
0x1bd: {  	s29 =	sshra.s32 s28, $0x1F;
	p6 =	sne.s32 s19, $0x0;
	p0 =	por p4, p5  }
0x1be: {  	[tilespmem:s18+$0xFFFFFD00] =	vst v3;
	s30 =	sshrl.u32 s29, $0x19;
	p0 =	por !p6, !p0  }
0x1bf: {  	s21 =	simm.s32 $0x1;
	v3 =	vld.idx.msk [tilespmem:v52+s13+$0x0], $0xffff;
	s19 =	sadd.s32 s30, s28;
	p0 =	por !p0, !p0  }
0x1c0: {  	s19 =	sshrl.u32 s19, $0x7;
	s21 =	simm.s32 @!p0 $0x0  }
0x1c1: {  	s19 =	ssub.s32 s19, s21  }
0x1c2: {  	s19 =	sshll.u32 s19, $0x7  }
0x1c3: {  	s31 =	sand.u32 $0x1FFFFF80, s19  }
0x1c4: {  	[tilespmem:s18+$0xFFFFFD10] =	vst v3;
	s21 =	sadd.s32 s3, s31  }
0x1c5: {  	v3 =	vsel vm4, $0x0, v2;
	[tilespmem:s13], [sflag:$0x1] =	stream.strided.gather [hbm4b:s21+s11], $0x1000, s15, s11, $0x38;
	[tilespmem:$0x5080] =	vst v63  }
0x1c6: {  	v3 =	vxor.u32 $0x80000000, v3;
	_ =	swait.ge [sflag:s10], $0x1000  }
0x1c7: {  	(xrf0) =	vmax.scan.msk.u32 $0xffff, v3;
	_ =	sdelay $0x5  }
0x1c8: {  	v3, _, _ =	vpop (xrf0)  }
0x1c9: {  	(v2sf) =	vpush v3, $0xF;
	_ =	sdelay $0x7  }
0x1ca: {  	s19 =	ssub.s32 s28, s19  }
0x1cb: {  	v3 =	vadd.s32 s19, v0;
	_ =	sdelay $0x2  }
0x1cc: {  	[sflag:s10] =	ssyncset.done $0x0  }
0x1cd: {  	[sflag:s10] =	ssyncadd.s32 $0xFFFFF000  }
0x1ce: {  	v3 =	vld.idx.msk [tilespmem:v3+s13+$0x0], $0xffff  }
0x1cf: {  	v53 =	vadd.s32 s19, v1;
	s21 =	spop (v2sf)  }
0x1d0: {  	s22 =	sxor.u32 $0x80000000, s21  }
0x1d1: {  	p1 =	sgt.s32 s21, $0xFFFFFFFF;
	s19 =	sand.u32 $0x7F, s21;
	p2 =	slt.s32 s22, $0x1  }
0x1d2: {  	s23 =	sshra.s32 s22, $0x1F;
	p3 =	sne.s32 s19, $0x0;
	p0 =	por p1, p2  }
0x1d3: {  	[tilespmem:s18+$0xFFFFFD80] =	vst v3;
	s24 =	sshrl.u32 s23, $0x19;
	p0 =	por !p3, !p0  }
0x1d4: {  	v3 =	vld.idx.msk [tilespmem:v53+s13+$0x0], $0xffff;
	s21 =	simm.s32 $0x1;
	s19 =	sadd.s32 s24, s22;
	p0 =	por !p0, !p0  }
0x1d5: {  	s19 =	sshrl.u32 s19, $0x7;
	s21 =	simm.s32 @!p0 $0x0  }
0x1d6: {  	s19 =	ssub.s32 s19, s21  }
0x1d7: {  	s19 =	sshll.u32 s19, $0x7  }
0x1d8: {  	s25 =	sand.u32 $0x1FFFFF80, s19  }
0x1d9: {  	[tilespmem:s18+$0xFFFFFD90] =	vst v3;
	s21 =	sadd.s32 s3, s25  }
0x1da: {  	v3 =	vsel vm5, $0x0, v2;
	[tilespmem:s13], [sflag:$0x1] =	stream.strided.gather [hbm4b:s21+s11], $0x1000, s15, s11, $0x38;
	[tilespmem:$0x5080] =	vst v63  }
0x1db: {  	v3 =	vxor.u32 $0x80000000, v3;
	_ =	swait.ge [sflag:s10], $0x1000  }
0x1dc: {  	(xrf0) =	vmax.scan.msk.u32 $0xffff, v3;
	_ =	sdelay $0x5  }
0x1dd: {  	v3, _, _ =	vpop (xrf0)  }
0x1de: {  	(v2sf) =	vpush v3, $0xF;
	_ =	sdelay $0x7  }
0x1df: {  	s19 =	ssub.s32 s22, s19  }
0x1e0: {  	v3 =	vadd.s32 s19, v0;
	_ =	sdelay $0x2  }
0x1e1: {  	[sflag:s10] =	ssyncset.done $0x0  }
0x1e2: {  	[sflag:s10] =	ssyncadd.s32 $0xFFFFF000  }
0x1e3: {  	v3 =	vld.idx.msk [tilespmem:v3+s13+$0x0], $0xffff  }
0x1e4: {  	v54 =	vadd.s32 s19, v1;
	s26 =	spop (v2sf)  }
0x1e5: {  	s28 =	sxor.u32 $0x80000000, s26  }
0x1e6: {  	p4 =	sgt.s32 s26, $0xFFFFFFFF;
	s19 =	sand.u32 $0x7F, s26;
	p5 =	slt.s32 s28, $0x1  }
0x1e7: {  	s29 =	sshra.s32 s28, $0x1F;
	p6 =	sne.s32 s19, $0x0;
	p0 =	por p4, p5  }
0x1e8: {  	[tilespmem:s18+$0xFFFFFE00] =	vst v3;
	s30 =	sshrl.u32 s29, $0x19;
	p0 =	por !p6, !p0  }
0x1e9: {  	s21 =	simm.s32 $0x1;
	v3 =	vld.idx.msk [tilespmem:v54+s13+$0x0], $0xffff;
	s19 =	sadd.s32 s30, s28;
	p0 =	por !p0, !p0  }
0x1ea: {  	s19 =	sshrl.u32 s19, $0x7;
	s21 =	simm.s32 @!p0 $0x0  }
0x1eb: {  	s19 =	ssub.s32 s19, s21  }
0x1ec: {  	s19 =	sshll.u32 s19, $0x7  }
0x1ed: {  	s31 =	sand.u32 $0x1FFFFF80, s19  }
0x1ee: {  	[tilespmem:s18+$0xFFFFFE10] =	vst v3;
	s21 =	sadd.s32 s3, s31  }
0x1ef: {  	v3 =	vsel vm6, $0x0, v2;
	[tilespmem:s13], [sflag:$0x1] =	stream.strided.gather [hbm4b:s21+s11], $0x1000, s15, s11, $0x38;
	[tilespmem:$0x5080] =	vst v63  }
0x1f0: {  	v3 =	vxor.u32 $0x80000000, v3;
	_ =	swait.ge [sflag:s10], $0x1000  }
0x1f1: {  	(xrf0) =	vmax.scan.msk.u32 $0xffff, v3;
	_ =	sdelay $0x5  }
0x1f2: {  	v3, _, _ =	vpop (xrf0)  }
0x1f3: {  	(v2sf) =	vpush v3, $0xF;
	_ =	sdelay $0x7  }
0x1f4: {  	s19 =	ssub.s32 s28, s19  }
0x1f5: {  	v3 =	vadd.s32 s19, v0;
	_ =	sdelay $0x2  }
0x1f6: {  	[sflag:s10] =	ssyncset.done $0x0  }
0x1f7: {  	[sflag:s10] =	ssyncadd.s32 $0xFFFFF000  }
0x1f8: {  	v3 =	vld.idx.msk [tilespmem:v3+s13+$0x0], $0xffff  }
0x1f9: {  	v55 =	vadd.s32 s19, v1;
	s21 =	spop (v2sf)  }
0x1fa: {  	s22 =	sxor.u32 $0x80000000, s21  }
0x1fb: {  	p1 =	sgt.s32 s21, $0xFFFFFFFF;
	s19 =	sand.u32 $0x7F, s21;
	p2 =	slt.s32 s22, $0x1  }
0x1fc: {  	s23 =	sshra.s32 s22, $0x1F;
	p3 =	sne.s32 s19, $0x0;
	p0 =	por p1, p2  }
0x1fd: {  	[tilespmem:s18+$0xFFFFFE80] =	vst v3;
	s24 =	sshrl.u32 s23, $0x19;
	p0 =	por !p3, !p0  }
0x1fe: {  	v3 =	vld.idx.msk [tilespmem:v55+s13+$0x0], $0xffff;
	s21 =	simm.s32 $0x1;
	s19 =	sadd.s32 s24, s22;
	p0 =	por !p0, !p0  }
0x1ff: {  	s19 =	sshrl.u32 s19, $0x7;
	s21 =	simm.s32 @!p0 $0x0  }
0x200: {  	s19 =	ssub.s32 s19, s21  }
0x201: {  	s19 =	sshll.u32 s19, $0x7  }
0x202: {  	s25 =	sand.u32 $0x1FFFFF80, s19  }
0x203: {  	[tilespmem:s18+$0xFFFFFE90] =	vst v3;
	s21 =	sadd.s32 s3, s25  }
0x204: {  	v3 =	vsel vm7, $0x0, v2;
	[tilespmem:s13], [sflag:$0x1] =	stream.strided.gather [hbm4b:s21+s11], $0x1000, s15, s11, $0x38;
	[tilespmem:$0x5080] =	vst v63  }
0x205: {  	v3 =	vxor.u32 $0x80000000, v3;
	_ =	swait.ge [sflag:s10], $0x1000  }
0x206: {  	(xrf0) =	vmax.scan.msk.u32 $0xffff, v3;
	_ =	sdelay $0x5  }
0x207: {  	v3, _, _ =	vpop (xrf0)  }
0x208: {  	(v2sf) =	vpush v3, $0xF;
	_ =	sdelay $0x7  }
0x209: {  	s19 =	ssub.s32 s22, s19  }
0x20a: {  	v3 =	vadd.s32 s19, v0;
	_ =	sdelay $0x2  }
0x20b: {  	[sflag:s10] =	ssyncset.done $0x0  }
0x20c: {  	[sflag:s10] =	ssyncadd.s32 $0xFFFFF000  }
0x20d: {  	v3 =	vld.idx.msk [tilespmem:v3+s13+$0x0], $0xffff  }
0x20e: {  	v56 =	vadd.s32 s19, v1;
	s26 =	spop (v2sf)  }
0x20f: {  	s28 =	sxor.u32 $0x80000000, s26  }
0x210: {  	p4 =	sgt.s32 s26, $0xFFFFFFFF;
	s19 =	sand.u32 $0x7F, s26;
	p5 =	slt.s32 s28, $0x1  }
0x211: {  	s29 =	sshra.s32 s28, $0x1F;
	p6 =	sne.s32 s19, $0x0;
	p0 =	por p4, p5  }
0x212: {  	[tilespmem:s18+$0xFFFFFF00] =	vst v3;
	s30 =	sshrl.u32 s29, $0x19;
	p0 =	por !p6, !p0  }
0x213: {  	s21 =	simm.s32 $0x1;
	v3 =	vld.idx.msk [tilespmem:v56+s13+$0x0], $0xffff;
	s19 =	sadd.s32 s30, s28;
	p0 =	por !p0, !p0  }
0x214: {  	s19 =	sshrl.u32 s19, $0x7;
	s21 =	simm.s32 @!p0 $0x0  }
0x215: {  	s19 =	ssub.s32 s19, s21  }
0x216: {  	s19 =	sshll.u32 s19, $0x7  }
0x217: {  	s31 =	sand.u32 $0x1FFFFF80, s19  }
0x218: {  	[tilespmem:s18+$0xFFFFFF10] =	vst v3;
	s21 =	sadd.s32 s3, s31  }
0x219: {  	v3 =	vsel vm8, $0x0, v2;
	[tilespmem:s13], [sflag:$0x1] =	stream.strided.gather [hbm4b:s21+s11], $0x1000, s15, s11, $0x38;
	[tilespmem:$0x5080] =	vst v63  }
0x21a: {  	v3 =	vxor.u32 $0x80000000, v3;
	_ =	swait.ge [sflag:s10], $0x1000  }
0x21b: {  	(xrf0) =	vmax.scan.msk.u32 $0xffff, v3;
	_ =	sdelay $0x5  }
0x21c: {  	v3, _, _ =	vpop (xrf0)  }
0x21d: {  	(v2sf) =	vpush v3, $0xF;
	_ =	sdelay $0x7  }
0x21e: {  	s19 =	ssub.s32 s28, s19  }
0x21f: {  	v3 =	vadd.s32 s19, v0;
	_ =	sdelay $0x2  }
0x220: {  	[sflag:s10] =	ssyncset.done $0x0  }
0x221: {  	[sflag:s10] =	ssyncadd.s32 $0xFFFFF000  }
0x222: {  	v3 =	vld.idx.msk [tilespmem:v3+s13+$0x0], $0xffff  }
0x223: {  	v57 =	vadd.s32 s19, v1;
	s21 =	spop (v2sf)  }
0x224: {  	s22 =	sxor.u32 $0x80000000, s21  }
0x225: {  	p1 =	sgt.s32 s21, $0xFFFFFFFF;
	s19 =	sand.u32 $0x7F, s21;
	p2 =	slt.s32 s22, $0x1  }
0x226: {  	s23 =	sshra.s32 s22, $0x1F;
	p3 =	sne.s32 s19, $0x0;
	p0 =	por p1, p2  }
0x227: {  	[tilespmem:s18+$0xFFFFFF80] =	vst v3;
	s24 =	sshrl.u32 s23, $0x19;
	p0 =	por !p3, !p0  }
0x228: {  	v3 =	vld.idx.msk [tilespmem:v57+s13+$0x0], $0xffff;
	s21 =	simm.s32 $0x1;
	s19 =	sadd.s32 s24, s22;
	p0 =	por !p0, !p0  }
0x229: {  	s19 =	sshrl.u32 s19, $0x7;
	s21 =	simm.s32 @!p0 $0x0  }
0x22a: {  	s19 =	ssub.s32 s19, s21  }
0x22b: {  	s19 =	sshll.u32 s19, $0x7  }
0x22c: {  	s25 =	sand.u32 $0x1FFFFF80, s19  }
0x22d: {  	[tilespmem:s18+$0xFFFFFF90] =	vst v3;
	s21 =	sadd.s32 s3, s25  }
0x22e: {  	v3 =	vsel vm9, $0x0, v2;
	[tilespmem:s13], [sflag:$0x1] =	stream.strided.gather [hbm4b:s21+s11], $0x1000, s15, s11, $0x38;
	[tilespmem:$0x5080] =	vst v63  }
0x22f: {  	v3 =	vxor.u32 $0x80000000, v3;
	_ =	swait.ge [sflag:s10], $0x1000  }
0x230: {  	(xrf0) =	vmax.scan.msk.u32 $0xffff, v3;
	_ =	sdelay $0x5  }
0x231: {  	v3, _, _ =	vpop (xrf0)  }
0x232: {  	(v2sf) =	vpush v3, $0xF;
	_ =	sdelay $0x7  }
0x233: {  	s19 =	ssub.s32 s22, s19  }
0x234: {  	v3 =	vadd.s32 s19, v0;
	_ =	sdelay $0x2  }
0x235: {  	[sflag:s10] =	ssyncset.done $0x0  }
0x236: {  	[sflag:s10] =	ssyncadd.s32 $0xFFFFF000  }
0x237: {  	v3 =	vld.idx.msk [tilespmem:v3+s13+$0x0], $0xffff  }
0x238: {  	v58 =	vadd.s32 s19, v1;
	s26 =	spop (v2sf)  }
0x239: {  	s28 =	sxor.u32 $0x80000000, s26  }
0x23a: {  	p4 =	sgt.s32 s26, $0xFFFFFFFF;
	s19 =	sand.u32 $0x7F, s26;
	p5 =	slt.s32 s28, $0x1  }
0x23b: {  	s29 =	sshra.s32 s28, $0x1F;
	p6 =	sne.s32 s19, $0x0;
	p0 =	por p4, p5  }
0x23c: {  	[tilespmem:s18+$0x0] =	vst v3;
	s30 =	sshrl.u32 s29, $0x19;
	p0 =	por !p6, !p0  }
0x23d: {  	s21 =	simm.s32 $0x1;
	v3 =	vld.idx.msk [tilespmem:v58+s13+$0x0], $0xffff;
	s19 =	sadd.s32 s30, s28;
	p0 =	por !p0, !p0  }
0x23e: {  	s19 =	sshrl.u32 s19, $0x7;
	s21 =	simm.s32 @!p0 $0x0  }
0x23f: {  	s19 =	ssub.s32 s19, s21  }
0x240: {  	s19 =	sshll.u32 s19, $0x7  }
0x241: {  	s31 =	sand.u32 $0x1FFFFF80, s19  }
0x242: {  	[tilespmem:s18+$0x10] =	vst v3;
	s21 =	sadd.s32 s3, s31  }
0x243: {  	v3 =	vsel vm10, $0x0, v2;
	[tilespmem:s13], [sflag:$0x1] =	stream.strided.gather [hbm4b:s21+s11], $0x1000, s15, s11, $0x38;
	[tilespmem:$0x5080] =	vst v63  }
0x244: {  	v3 =	vxor.u32 $0x80000000, v3;
	_ =	swait.ge [sflag:s10], $0x1000  }
0x245: {  	(xrf0) =	vmax.scan.msk.u32 $0xffff, v3;
	_ =	sdelay $0x5  }
0x246: {  	v3, _, _ =	vpop (xrf0)  }
0x247: {  	(v2sf) =	vpush v3, $0xF;
	_ =	sdelay $0x7  }
0x248: {  	s19 =	ssub.s32 s28, s19  }
0x249: {  	v3 =	vadd.s32 s19, v0;
	_ =	sdelay $0x2  }
0x24a: {  	[sflag:s10] =	ssyncset.done $0x0  }
0x24b: {  	[sflag:s10] =	ssyncadd.s32 $0xFFFFF000  }
0x24c: {  	v3 =	vld.idx.msk [tilespmem:v3+s13+$0x0], $0xffff  }
0x24d: {  	v59 =	vadd.s32 s19, v1;
	s21 =	spop (v2sf)  }
0x24e: {  	s22 =	sxor.u32 $0x80000000, s21  }
0x24f: {  	p1 =	sgt.s32 s21, $0xFFFFFFFF;
	s19 =	sand.u32 $0x7F, s21;
	p2 =	slt.s32 s22, $0x1  }
0x250: {  	s23 =	sshra.s32 s22, $0x1F;
	p3 =	sne.s32 s19, $0x0;
	p0 =	por p1, p2  }
0x251: {  	[tilespmem:s18+$0x80] =	vst v3;
	s24 =	sshrl.u32 s23, $0x19;
	p0 =	por !p3, !p0  }
0x252: {  	v3 =	vld.idx.msk [tilespmem:v59+s13+$0x0], $0xffff;
	s21 =	simm.s32 $0x1;
	s19 =	sadd.s32 s24, s22;
	p0 =	por !p0, !p0  }
0x253: {  	s19 =	sshrl.u32 s19, $0x7;
	s21 =	simm.s32 @!p0 $0x0  }
0x254: {  	s19 =	ssub.s32 s19, s21  }
0x255: {  	s19 =	sshll.u32 s19, $0x7  }
0x256: {  	s25 =	sand.u32 $0x1FFFFF80, s19  }
0x257: {  	[tilespmem:s18+$0x90] =	vst v3;
	s21 =	sadd.s32 s3, s25  }
0x258: {  	v3 =	vsel vm11, $0x0, v2;
	[tilespmem:s13], [sflag:$0x1] =	stream.strided.gather [hbm4b:s21+s11], $0x1000, s15, s11, $0x38;
	[tilespmem:$0x5080] =	vst v63  }
0x259: {  	v3 =	vxor.u32 $0x80000000, v3;
	_ =	swait.ge [sflag:s10], $0x1000  }
0x25a: {  	(xrf0) =	vmax.scan.msk.u32 $0xffff, v3;
	_ =	sdelay $0x5  }
0x25b: {  	v3, _, _ =	vpop (xrf0)  }
0x25c: {  	(v2sf) =	vpush v3, $0xF;
	_ =	sdelay $0x7  }
0x25d: {  	s19 =	ssub.s32 s22, s19  }
0x25e: {  	v3 =	vadd.s32 s19, v0;
	_ =	sdelay $0x2  }
0x25f: {  	[sflag:s10] =	ssyncset.done $0x0  }
0x260: {  	[sflag:s10] =	ssyncadd.s32 $0xFFFFF000  }
0x261: {  	v3 =	vld.idx.msk [tilespmem:v3+s13+$0x0], $0xffff  }
0x262: {  	v60 =	vadd.s32 s19, v1;
	s26 =	spop (v2sf)  }
0x263: {  	s28 =	sxor.u32 $0x80000000, s26  }
0x264: {  	p4 =	sgt.s32 s26, $0xFFFFFFFF;
	s19 =	sand.u32 $0x7F, s26;
	p5 =	slt.s32 s28, $0x1  }
0x265: {  	s29 =	sshra.s32 s28, $0x1F;
	p6 =	sne.s32 s19, $0x0;
	p0 =	por p4, p5  }
0x266: {  	[tilespmem:s18+$0x100] =	vst v3;
	s30 =	sshrl.u32 s29, $0x19;
	p0 =	por !p6, !p0  }
0x267: {  	s21 =	simm.s32 $0x1;
	v3 =	vld.idx.msk [tilespmem:v60+s13+$0x0], $0xffff;
	s19 =	sadd.s32 s30, s28;
	p0 =	por !p0, !p0  }
0x268: {  	s19 =	sshrl.u32 s19, $0x7;
	s21 =	simm.s32 @!p0 $0x0  }
0x269: {  	s19 =	ssub.s32 s19, s21  }
0x26a: {  	s19 =	sshll.u32 s19, $0x7  }
0x26b: {  	s31 =	sand.u32 $0x1FFFFF80, s19  }
0x26c: {  	[tilespmem:s18+$0x110] =	vst v3;
	s21 =	sadd.s32 s3, s31  }
0x26d: {  	v3 =	vsel vm12, $0x0, v2;
	[tilespmem:s13], [sflag:$0x1] =	stream.strided.gather [hbm4b:s21+s11], $0x1000, s15, s11, $0x38;
	[tilespmem:$0x5080] =	vst v63  }
0x26e: {  	v3 =	vxor.u32 $0x80000000, v3;
	_ =	swait.ge [sflag:s10], $0x1000  }
0x26f: {  	(xrf0) =	vmax.scan.msk.u32 $0xffff, v3;
	_ =	sdelay $0x5  }
0x270: {  	v3, _, _ =	vpop (xrf0)  }
0x271: {  	(v2sf) =	vpush v3, $0xF;
	_ =	sdelay $0x7  }
0x272: {  	s19 =	ssub.s32 s28, s19  }
0x273: {  	v3 =	vadd.s32 s19, v0;
	_ =	sdelay $0x2  }
0x274: {  	[sflag:s10] =	ssyncset.done $0x0  }
0x275: {  	[sflag:s10] =	ssyncadd.s32 $0xFFFFF000  }
0x276: {  	v3 =	vld.idx.msk [tilespmem:v3+s13+$0x0], $0xffff  }
0x277: {  	v61 =	vadd.s32 s19, v1;
	s21 =	spop (v2sf)  }
0x278: {  	s22 =	sxor.u32 $0x80000000, s21  }
0x279: {  	p1 =	sgt.s32 s21, $0xFFFFFFFF;
	s19 =	sand.u32 $0x7F, s21;
	p2 =	slt.s32 s22, $0x1  }
0x27a: {  	s23 =	sshra.s32 s22, $0x1F;
	p3 =	sne.s32 s19, $0x0;
	p0 =	por p1, p2  }
0x27b: {  	[tilespmem:s18+$0x180] =	vst v3;
	s24 =	sshrl.u32 s23, $0x19;
	p0 =	por !p3, !p0  }
0x27c: {  	v3 =	vld.idx.msk [tilespmem:v61+s13+$0x0], $0xffff;
	s21 =	simm.s32 $0x1;
	s19 =	sadd.s32 s24, s22;
	p0 =	por !p0, !p0  }
0x27d: {  	s19 =	sshrl.u32 s19, $0x7;
	s21 =	simm.s32 @!p0 $0x0  }
0x27e: {  	s19 =	ssub.s32 s19, s21  }
0x27f: {  	s19 =	sshll.u32 s19, $0x7  }
0x280: {  	s25 =	sand.u32 $0x1FFFFF80, s19  }
0x281: {  	[tilespmem:s18+$0x190] =	vst v3;
	s21 =	sadd.s32 s3, s25  }
0x282: {  	v3 =	vsel vm13, $0x0, v2;
	[tilespmem:s13], [sflag:$0x1] =	stream.strided.gather [hbm4b:s21+s11], $0x1000, s15, s11, $0x38;
	[tilespmem:$0x5080] =	vst v63  }
0x283: {  	v3 =	vxor.u32 $0x80000000, v3;
	_ =	swait.ge [sflag:s10], $0x1000  }
0x284: {  	(xrf0) =	vmax.scan.msk.u32 $0xffff, v3;
	_ =	sdelay $0x5  }
0x285: {  	v3, _, _ =	vpop (xrf0)  }
0x286: {  	(v2sf) =	vpush v3, $0xF;
	_ =	sdelay $0x7  }
0x287: {  	s19 =	ssub.s32 s22, s19  }
0x288: {  	v3 =	vadd.s32 s19, v0;
	_ =	sdelay $0x2  }
0x289: {  	[sflag:s10] =	ssyncset.done $0x0  }
0x28a: {  	[sflag:s10] =	ssyncadd.s32 $0xFFFFF000  }
0x28b: {  	v3 =	vld.idx.msk [tilespmem:v3+s13+$0x0], $0xffff  }
0x28c: {  	v62 =	vadd.s32 s19, v1;
	s26 =	spop (v2sf)  }
0x28d: {  	s28 =	sxor.u32 $0x80000000, s26  }
0x28e: {  	p4 =	sgt.s32 s26, $0xFFFFFFFF;
	s19 =	sand.u32 $0x7F, s26;
	p5 =	slt.s32 s28, $0x1  }
0x28f: {  	s29 =	sshra.s32 s28, $0x1F;
	p6 =	sne.s32 s19, $0x0;
	p0 =	por p4, p5  }
0x290: {  	[tilespmem:s18+$0x200] =	vst v3;
	s30 =	sshrl.u32 s29, $0x19;
	p0 =	por !p6, !p0  }
0x291: {  	s21 =	simm.s32 $0x1;
	v3 =	vld.idx.msk [tilespmem:v62+s13+$0x0], $0xffff;
	s19 =	sadd.s32 s30, s28;
	p0 =	por !p0, !p0  }
0x292: {  	s19 =	sshrl.u32 s19, $0x7;
	s21 =	simm.s32 @!p0 $0x0  }
0x293: {  	s19 =	ssub.s32 s19, s21  }
0x294: {  	s19 =	sshll.u32 s19, $0x7  }
0x295: {  	s31 =	sand.u32 $0x1FFFFF80, s19  }
0x296: {  	[tilespmem:s18+$0x210] =	vst v3;
	s21 =	sadd.s32 s3, s31  }
0x297: {  	v3 =	vsel vm14, $0x0, v2;
	[tilespmem:s13], [sflag:$0x1] =	stream.strided.gather [hbm4b:s21+s11], $0x1000, s15, s11, $0x38;
	[tilespmem:$0x5080] =	vst v63  }
0x298: {  	v3 =	vxor.u32 $0x80000000, v3;
	_ =	swait.ge [sflag:s10], $0x1000  }
0x299: {  	(xrf0) =	vmax.scan.msk.u32 $0xffff, v3;
	_ =	sdelay $0x5  }
0x29a: {  	v3, _, _ =	vpop (xrf0)  }
0x29b: {  	(v2sf) =	vpush v3, $0xF;
	_ =	sdelay $0x7  }
0x29c: {  	s19 =	ssub.s32 s28, s19  }
0x29d: {  	v3 =	vadd.s32 s19, v0;
	_ =	sdelay $0x2  }
0x29e: {  	[sflag:s10] =	ssyncset.done $0x0  }
0x29f: {  	[sflag:s10] =	ssyncadd.s32 $0xFFFFF000  }
0x2a0: {  	v3 =	vld.idx.msk [tilespmem:v3+s13+$0x0], $0xffff  }
0x2a1: {  	v63 =	vadd.s32 s19, v1;
	s22 =	spop (v2sf)  }
0x2a2: {  	s23 =	sxor.u32 $0x80000000, s22  }
0x2a3: {  	p1 =	sgt.s32 s22, $0xFFFFFFFF;
	s19 =	sand.u32 $0x7F, s22;
	p2 =	slt.s32 s23, $0x1  }
0x2a4: {  	s24 =	sshra.s32 s23, $0x1F;
	p3 =	sne.s32 s19, $0x0;
	p0 =	por p1, p2  }
0x2a5: {  	[tilespmem:s18+$0x280] =	vst v3;
	s25 =	sshrl.u32 s24, $0x19;
	p0 =	por !p3, !p0  }
0x2a6: {  	s21 =	simm.s32 $0x1;
	v3 =	vld.idx.msk [tilespmem:v63+s13+$0x0], $0xffff;
	s19 =	sadd.s32 s25, s23;
	p0 =	por !p0, !p0  }
0x2a7: {  	s19 =	sshrl.u32 s19, $0x7;
	s21 =	simm.s32 @!p0 $0x0  }
0x2a8: {  	s19 =	ssub.s32 s19, s21  }
0x2a9: {  	s19 =	sshll.u32 s19, $0x7  }
0x2aa: {  	s26 =	sand.u32 $0x1FFFFF80, s19  }
0x2ab: {  	[tilespmem:s18+$0x290] =	vst v3;
	s21 =	sadd.s32 s3, s26  }
0x2ac: {  	v2 =	vsel vm15, $0x0, v2;
	[tilespmem:s13], [sflag:$0x1] =	stream.strided.gather [hbm4b:s21+s11], $0x1000, s15, s11, $0x38;
	[tilespmem:$0x5080] =	vst v63  }
0x2ad: {  	v2 =	vxor.u32 $0x80000000, v2;
	_ =	swait.ge [sflag:s10], $0x1000  }
0x2ae: {  	(xrf0) =	vmax.scan.msk.u32 $0xffff, v2;
	_ =	sdelay $0x5  }
0x2af: {  	v2, _, _ =	vpop (xrf0)  }
0x2b0: {  	(v2sf) =	vpush v2, $0xF;
	_ =	sdelay $0x7  }
0x2b1: {  	s19 =	ssub.s32 s23, s19  }
0x2b2: {  	v2 =	vadd.s32 s19, v0;
	_ =	sdelay $0x2  }
0x2b3: {  	[sflag:s10] =	ssyncset.done $0x0  }
0x2b4: {  	[sflag:s10] =	ssyncadd.s32 $0xFFFFF000  }
0x2b5: {  	v2 =	vld.idx.msk [tilespmem:v2+s13+$0x0], $0xffff  }
0x2b6: {  	v3 =	vadd.s32 s19, v1;
	s28 =	spop (v2sf)  }
0x2b7: {  	s29 =	sxor.u32 $0x80000000, s28  }
0x2b8: {  	p4 =	sgt.s32 s28, $0xFFFFFFFF;
	s19 =	sand.u32 $0x7F, s28;
	p5 =	slt.s32 s29, $0x1  }
0x2b9: {  	s30 =	sshra.s32 s29, $0x1F;
	p6 =	sne.s32 s19, $0x0;
	p0 =	por p4, p5  }
0x2ba: {  	[tilespmem:s18+$0x300] =	vst v2;
	s31 =	sshrl.u32 s30, $0x19;
	p0 =	por !p6, !p0  }
0x2bb: {  	s21 =	simm.s32 $0x1;
	v2 =	vld.idx.msk [tilespmem:v3+s13+$0x0], $0xffff;
	s19 =	sadd.s32 s31, s29;
	p0 =	por !p0, !p0  }
0x2bc: {  	s19 =	sshrl.u32 s19, $0x7;
	s21 =	simm.s32 @!p0 $0x0  }
0x2bd: {  	s19 =	ssub.s32 s19, s21  }
0x2be: {  	s19 =	sshll.u32 s19, $0x7  }
0x2bf: {  	s20 =	ssub.s32 s29, s19;
	s19 =	sand.u32 $0x1FFFFF80, s19  }
0x2c0: {  	[tilespmem:s18+$0x310] =	vst v2;
	s19 =	sadd.s32 s3, s19;
	v2 =	vadd.s32 s20, v0  }
0x2c1: {  	[tilespmem:s13], [sflag:$0x1] =	stream.strided.gather [hbm4b:s19+s11], $0x1000, s15, s11, $0x38;
	[tilespmem:$0x5080] =	vst v63  }
0x2c2: {  	_ =	swait.ge [sflag:s10], $0x1000  }
0x2c3: {  	[sflag:s10] =	ssyncset.done $0x0  }
0x2c4: {  	[sflag:s10] =	ssyncadd.s32 $0xFFFFF000  }
0x2c5: {  	v2 =	vld.idx.msk [tilespmem:v2+s13+$0x0], $0xffff  }
0x2c6: {  	v3 =	vadd.s32 s20, v1;
	_ =	sdelay $0x3  }
0x2c7: {  	[tilespmem:s18+$0x380] =	vst v2  }
0x2c8: {  	p0 =	sne.s32 s17, $0x1C0;
	v2 =	vld.idx.msk [tilespmem:v3+s13+$0x0], $0xffff  }
.Ltmp1:
0x2c9: {  	_ = 	snop;
	(pc) =	sbr.rel @p0 .LBB2_4-.Ltmp1, $2  }
0x2ca: {  	_ =	sdelay $0x2  }
0x2cb: {  	s17 =	sadd.s32 $0x40, s17;
	[tilespmem:s18+$0x390] =	vst v2;
	s18 =	sadd.s32 $0x800, s18  }
0x2cc: {  	s16 =	sadd.s32 $0x1, s16  }
0x2cd: {  	p0 =	sne.s32 s16, s9  }
.Ltmp2:
0x2ce: {  	_ = 	snop;
	(pc) =	sbr.rel @p0 .LBB2_1-.Ltmp2, $4  }
0x2cf: {  	[hbm4b:s8+s4] =	stream.linear.scatter [tilespmem:s14], [sflag:$0x1], $0x4000, $0x38;
	[tilespmem:$0x5080] =	vst v63  }
0x2d0: {  	_ =	swait.ge [sflag:s10], $0x4000  }
0x2d1: {  	[sflag:s10] =	ssyncset.done $0x0  }
0x2d2: {  	[sflag:s10] =	ssyncadd.s32 $0xFFFFC000  }
0x2d3: {  	_ =	sfence.sel $0x180000  }
0x2d4: {  	[bflag:$0x0] =	sbarrier.arrive $0xFFFF  }
0x2d5: {  	p0 =	sne.s32 s2, $0x0;
	_ =	strace $0x90000047  }
0x2d6: {  	s0 =	sadd.s32 @!p0 $0x100000, s0;
	[bflag:$0x2] =	sbarrier.arrive $0xFFFF  }
0x2d7: {  	[sflag:s0] =	ssyncadd.tile.s32 @!p0 $0x1;
	_ =	shalt  }
.Lfunc_end2:
_tile_overlayer_lowered:
.L_overlay_start_2:
0x2d8: {  	(tag) =	ssettag $0x2  }
0x2d9: {  	s0 =	rddreg [dreg:$0x0];
	s2 =	stileid.u32  }
0x2da: {  	s1 =	rddreg [dreg:$0x1];
	p0 =	sne.s32 s2, $0x0  }
0x2db: {  	s3 =	rddreg [dreg:$0x2];
	[bflag:$0x3] =	sbarrier.arrive $0xFFFF;
	s2 =	simm.s32 @!p0 $0x1C01  }
0x2dc: {  	[timem:s3], [sflag:s2] =	dma.local @!p0 [hbm:s0], s1  }
0x2dd: {  	s0 =	simm.s32 @!p0 $0x1  }
0x2de: {  	_ =	swait.ge @!p0 [sflag:s0], s1  }
0x2df: {  	s1 =	ssub.s32 @!p0 $0x0, s1;
	[sflag:s0] =	ssyncset.done @!p0 $0x0  }
0x2e0: {  	[sflag:s0] =	ssyncadd.s32 @!p0 s1  }
0x2e1: {  	[bflag:$0x3] =	sbarrier.arrive $0xFFFF  }
0x2e2: {  	_ =	shalt  }

// kernel: kernel.8.cloned.1.call-start
scs
__scs_entry_jumppad:
0x0: {  	(pc) =	sbr.rel $0x88, $3  }
0x1: {  	(tag) =	ssettag $0x0;
	lr =	simm.s32 $0x1  }
0x2: {  	[smem:$0x3F92] =	sst lr;
	_ =	strace $0xD0000000  }
0x3: {  	_ = 	snop  }
0x4: {  	_ = 	snop  }
0x5: {  	_ = 	snop  }
0x6: {  	_ = 	snop  }
0x7: {  	_ = 	snop  }
__scs_overlays_trampoline_lowered:
0x8: {  	[smem:$0x3FA1] =	sst s0  }
0x9: {  	[smem:$0x3FA2] =	sst s1  }
0xa: {  	[smem:$0x3FA3] =	sst s2  }
0xb: {  	[smem:$0x3FA4] =	sst s3  }
0xc: {  	[smem:$0x3FA5] =	sst s4  }
0xd: {  	[smem:$0x3FA6] =	sst s5  }
0xe: {  	[smem:$0x3FA7] =	sst s6  }
0xf: {  	[smem:$0x3FA8] =	sst s7  }
0x10: {  	[smem:$0x3FA9] =	sst s8  }
0x11: {  	[smem:$0x3FAA] =	sst s9;
	s0 =	simm.s32 @!p0 $0x0  }
0x12: {  	s1 =	sld [smem:$0x3F90];
	s0 =	simm.s32 @p0 $0x1  }
0x13: {  	[smem:$0x3FAB] =	sst s0;
	s0 =	simm.s32 @!p1 $0x0  }
0x14: {  	s2 =	sld [smem:$0x3F8F];
	s0 =	simm.s32 @p1 $0x1  }
0x15: {  	[smem:$0x3FAC] =	sst s0;
	s0 =	simm.s32 @!p2 $0x0  }
0x16: {  	s3 =	sld [smem:$0x3FDB];
	s0 =	simm.s32 @p2 $0x1  }
0x17: {  	s4 =	simm.s32 $0x1BF5;
	[smem:$0x3FAE] =	sst s0  }
0x18: {  	s0 =	sld [smem:$0x3F91];
	_ =	swait.ge [sflag:s4], $0x0  }
0x19: {  	s7 =	sld [smem:$0x3F92]  }
0x1a: {  	s8 =	sadd.s32 $0xFFFFE003, lr  }
0x1b: {  	s9 =	sadd.s32 $0xFFFFFEF7, lr;
	s5 =	simm.s32 $0xFFFFFFFF;
	p2 =	slt.u32 s8, $0xFFFFF086  }
0x1c: {  	p1 =	slt.u32 s9, $0xF7A;
	s5 =	simm.s32 @!p2 $0x0  }
0x1d: {  	s5 =	simm.s32 @p1 $0x1;
	p0 =	seq.s32 s7, s2  }
0x1e: {  	s7 =	smul.u32 @!p0 $0xF7A, s2;
	p2 =	seq.s32 @!p0 s5, $0x0  }
0x1f: {  	s9 =	smul.u32 $0xF7A, s1;
	s8 =	simm.s32 @!p0 $0x1BF5;
	p2 =	por !p2, p0  }
0x20: {  	[sflag:s8] =	ssyncset.s32 @!p0 $0xFFFFF086;
	s6 =	sadd.s32 @!p0 s3, s7;
	s7 =	simm.s32 @!p0 $0x108  }
0x21: {  	s3 =	sadd.s32 s3, s9;
	s6 =	sadd.s32 @!p0 $0x88, s6;
	s7 =	simm.s32 @p2 $0x1082  }
0x22: {  	[simem:s7], [sflag:s8] =	dma.local @!p0 [hbm:s6], $0xF7A  }
0x23: {  	s9 =	sor.u32 $0xD0000000, s2;
	s6 =	simm.s32 $0x108;
	_ =	swait.ge @!p0 [sflag:s8], $0x0  }
0x24: {  	s3 =	sadd.s32 $0x88, s3;
	s6 =	simm.s32 @!p1 $0x1082;
	[sflag:s4] =	ssyncset.s32 $0xFFFFF086  }
0x25: {  	[simem:s6], [sflag:s4] =	dma.local [hbm:s3], $0xF7A  }
0x26: {  	[smem:$0x3F92] =	sst s1;
	(tag) =	ssettag s2;
	_ =	strace s9  }
0x27: {  	s1 =	sld [smem:$0x3FA2]  }
0x28: {  	s2 =	sld [smem:$0x3FA3]  }
0x29: {  	s4 =	sld [smem:$0x3FA5]  }
0x2a: {  	p0 =	seq.s32 s5, $0x0;
	s5 =	sld [smem:$0x3FA6]  }
0x2b: {  	s6 =	sld [smem:$0x3FA7]  }
0x2c: {  	s7 =	sld [smem:$0x3FA8]  }
0x2d: {  	s3 =	simm.s32 $0x108;
	s8 =	sld [smem:$0x3FA9]  }
0x2e: {  	s3 =	simm.s32 @!p0 $0x1082;
	s9 =	sld [smem:$0x3FAA]  }
0x2f: {  	lr =	sadd.s32 s0, s3;
	s0 =	sld [smem:$0x3FA1]  }
0x30: {  	s3 =	sld [smem:$0x3FA4]  }
0x31: {  	[smem:$0x3FAD] =	sst s10  }
0x32: {  	s10 =	sld [smem:$0x3FAB];
	_ =	sdelay $0x3  }
0x33: {  	p0 =	seq.s32 s10, $0x1;
	s10 =	sld [smem:$0x3FAD];
	_ =	sdelay $0x3  }
0x34: {  	[smem:$0x3FAD] =	sst s10  }
0x35: {  	s10 =	sld [smem:$0x3FAC];
	_ =	sdelay $0x3  }
0x36: {  	p1 =	seq.s32 s10, $0x1;
	s10 =	sld [smem:$0x3FAD];
	_ =	sdelay $0x3  }
0x37: {  	[smem:$0x3FAD] =	sst s10  }
0x38: {  	s10 =	sld [smem:$0x3FAE]  }
0x39: {  	_ = 	snop;
	(pc) =	sbr.ind lr, $3  }
0x3a: {  	_ = 	snop  }
0x3b: {  	_ = 	snop  }
0x3c: {  	p2 =	seq.s32 s10, $0x1;
	s10 =	sld [smem:$0x3FAD]  }
0x3d: {  	_ =	shalt  }
0x3e: {  	_ =	shalt  }
0x3f: {  	_ =	shalt  }
0x40: {  	_ =	shalt  }
0x41: {  	_ =	shalt  }
0x42: {  	_ =	shalt  }
0x43: {  	_ =	shalt  }
0x44: {  	_ =	shalt  }
0x45: {  	_ =	shalt  }
0x46: {  	_ =	shalt  }
0x47: {  	_ =	shalt  }
0x48: {  	_ =	shalt  }
0x49: {  	_ =	shalt  }
0x4a: {  	_ =	shalt  }
0x4b: {  	_ =	shalt  }
0x4c: {  	_ =	shalt  }
0x4d: {  	_ =	shalt  }
0x4e: {  	_ =	shalt  }
0x4f: {  	_ =	shalt  }
0x50: {  	_ =	shalt  }
0x51: {  	_ =	shalt  }
0x52: {  	_ =	shalt  }
0x53: {  	_ =	shalt  }
0x54: {  	_ =	shalt  }
0x55: {  	_ =	shalt  }
0x56: {  	_ =	shalt  }
0x57: {  	_ =	shalt  }
0x58: {  	_ =	shalt  }
0x59: {  	_ =	shalt  }
0x5a: {  	_ =	shalt  }
0x5b: {  	_ =	shalt  }
0x5c: {  	_ =	shalt  }
0x5d: {  	_ =	shalt  }
0x5e: {  	_ =	shalt  }
0x5f: {  	_ =	shalt  }
0x60: {  	_ =	shalt  }
0x61: {  	_ =	shalt  }
0x62: {  	_ =	shalt  }
0x63: {  	_ =	shalt  }
0x64: {  	_ =	shalt  }
0x65: {  	_ =	shalt  }
0x66: {  	_ =	shalt  }
0x67: {  	_ =	shalt  }
0x68: {  	_ =	shalt  }
0x69: {  	_ =	shalt  }
0x6a: {  	_ =	shalt  }
0x6b: {  	_ =	shalt  }
0x6c: {  	_ =	shalt  }
0x6d: {  	_ =	shalt  }
0x6e: {  	_ =	shalt  }
0x6f: {  	_ =	shalt  }
0x70: {  	_ =	shalt  }
0x71: {  	_ =	shalt  }
0x72: {  	_ =	shalt  }
0x73: {  	_ =	shalt  }
0x74: {  	_ =	shalt  }
0x75: {  	_ =	shalt  }
0x76: {  	_ =	shalt  }
0x77: {  	_ =	shalt  }
0x78: {  	_ =	shalt  }
0x79: {  	_ =	shalt  }
0x7a: {  	_ =	shalt  }
0x7b: {  	_ =	shalt  }
0x7c: {  	_ =	shalt  }
0x7d: {  	_ =	shalt  }
0x7e: {  	_ =	shalt  }
0x7f: {  	_ =	shalt  }
0x80: {  	_ =	shalt  }
0x81: {  	_ =	shalt  }
0x82: {  	_ =	shalt  }
0x83: {  	_ =	shalt  }
0x84: {  	_ =	shalt  }
0x85: {  	_ =	shalt  }
0x86: {  	_ =	shalt  }
0x87: {  	_ =	shalt  }
.Lfunc_end0:
.L_simem_size_0:
called_computation.1_lowered:
.L_overlay_start_0:
0x88: {  	s2 =	sld [smem:$0x3FD9]  }
0x89: {  	s3 =	sld [smem:$0x3FFE];
	_ =	sdelay $0x1  }
0x8a: {  	s1 =	srdreg.scid  }
0x8b: {  	s0 =	sand.u32 $0x1, s1  }
0x8c: {  	s17 =	sshll.u32 s0, $0xA;
	s2 =	sadd.s32 s3, s2  }
0x8d: {  	s2 =	sadd.s32 s2, s17  }
0x8e: {  	[smem:$0x3FB9] =	sst s2  }
0x8f: {  	_ = 	snop  }
0x90: {  	s2 =	sld [smem:$0x3FD0];
	(tm) =	ssettm $0x1  }
0x91: {  	s18 =	sld [smem:$0x3FFB];
	_ =	sdelay $0x3  }
0x92: {  	_ =	strace s18  }
0x93: {  	s3 =	sld [smem:$0x3FFC];
	_ =	sdelay $0x3  }
0x94: {  	_ =	strace s3  }
0x95: {  	s3 =	sld [smem:$0x3FFD];
	_ =	sdelay $0x3  }
0x96: {  	_ =	strace s3  }
0x97: {  	_ =	strace $0x8FFFFFFF  }
0x98: {  	s19 =	sld [smem:$0x3FDB];
	_ =	sdelay $0x1  }
0x99: {  	s4 =	simm.s32 $_scs_section_size  }
0x9a: {  	s5 =	simm.s32 $_size__tile_overlayer_lowered;
	s6 =	simm.s32 $_tile_overlayer_lowered  }
0x9b: {  	s22 =	simm.s32 $0x1BFF;
	s21 =	sshll.u32 s6, $0x1;
	s3 =	sadd.s32 s4, s19  }
0x9c: {  	s7 =	simm.s32 $0x0;
	s20 =	sshll.u32 s5, $0x1;
	s5 =	sadd.s32 s21, s3  }
0x9d: {  	[timem:s7], [sflag:s22] =	dma.local [hbm:s5], s20  }
0x9e: {  	_ =	swait.ge [sflag:s22], s20  }
0x9f: {  	s4 =	ssub.s32 $0x0, s20;
	[sflag:s22] =	ssyncset.done $0x0  }
0xa0: {  	[sflag:s22] =	ssyncadd.s32 s4;
	_ =	sdelay $0x1  }
0xa1: {  	s23 =	simm.s32 $0x1B8B  }
0xa2: {  	_ =	swait.ge [sflag:s23], $0x1  }
0xa3: {  	[sflag:s23] =	ssyncset.done $0x0  }
0xa4: {  	s25 =	simm.s32 $0x1B8E;
	s24 =	sld [smem:$0x3FFE];
	[sflag:s23] =	ssyncadd.s32 $0xFFFFFFFF  }
0xa5: {  	s26 =	simm.s32 $execute0_lowered;
	[smem:$0x3FD2] =	sst s25  }
0xa6: {  	s5 =	sshll.u32 s26, $0x1;
	_ =	strace $0x80000049;
	[dreg:$0x1] =	wrdreg $0xFFFFFFFF  }
0xa7: {  	s28 =	simm.s32 $_size_execute0_lowered;
	s3 =	sadd.s32 s3, s5;
	[dreg:$0x0] =	wrdreg $0x0  }
0xa8: {  	s5 =	sshll.u32 s28, $0x1;
	[dreg:$0x2] =	wrdreg s3  }
0xa9: {  	[dreg:$0x3] =	wrdreg s5  }
0xaa: {  	[dreg:$0x4] =	wrdreg $0xC0  }
0xab: {  	_ =	task [dreg:s7], $0x5FFFF  }
0xac: {  	[dreg:$0x1] =	wrdreg $0xFFFFFFFF  }
0xad: {  	[dreg:$0x0] =	wrdreg $0x60  }
0xae: {  	[dreg:$0x2] =	wrdreg s24  }
0xaf: {  	[dreg:$0x3] =	wrdreg s2  }
0xb0: {  	[dreg:$0x4] =	wrdreg $0x9  }
0xb1: {  	_ =	task.clear_ibuf [dreg:s7], $0x5FFFF;
	_ =	strace $0x90000049  }
0xb2: {  	s29 =	simm.s32 $0x9;
	_ =	strace $0x8000004B  }
0xb3: {  	_ =	swait.ge [sflag:s29], $0x1  }
0xb4: {  	[sflag:s29] =	ssyncadd.s32 $0xFFFFFFFF  }
0xb5: {  	_ =	strace $0x9000004B  }
0xb6: {  	_ =	sfence  }
0xb7: {  	s30 =	sld [smem:$0x0];
	_ =	sdelay $0x2  }
0xb8: {  	s31 =	sshll.u32 s1, $0xD;
	s1 =	sshrl.u32 s1, $0x2  }
0xb9: {  	s3 =	sand.u32 $0x4000, s31;
	s1 =	sadd.s32 s1, s30  }
0xba: {  	s0 =	sor.u32 s3, s0;
	s1 =	sshll.u32 s1, $0x11  }
0xbb: {  	s0 =	sor.u32 s1, s0  }
0xbc: {  	s0 =	sadd.s32 $0x8F2B, s0  }
0xbd: {  	[sflag:s0] =	ssyncadd.remote.s32 $0x1  }
0xbe: {  	_ =	sfence.sel $0xFFFF  }
0xbf: {  	[dreg:$0x0] =	wrdreg $0xFFFFFFFF;
	(pc) =	sbr.abs _section_cstart, $3  }
0xc0: {  	[dreg:$0x1] =	wrdreg $0xFFFFFFFF  }
0xc1: {  	_ =	task.clear_ibuf [dreg:s7], $0x2FFFF;
	_ =	strace $0x9FFFFFFF  }
0xc2: {  	(tm) =	ssettm $0x7FFFFFFF  }
0xc3: {  	_ =	shalt  }
tec
execute0_lowered:
.L_overlay_start_1:
0x0: {  	(tag) =	ssettag $0x1  }
0x1: {  	s4 =	rddreg [dreg:$0x0]  }
0x2: {  	s1 =	srdreg.scid;
	s0 =	stileid.u32  }
0x3: {  	s5 =	rddreg [dreg:$0x1];
	s2 =	simm.s32 $0x0;
	s3 =	smul.u32 $0x3200, s0  }
0x4: {  	s6 =	sand.u32 $0x1, s1;
	s1 =	rddreg [dreg:$0x2];
	s29 =	smul.u32 $0xC800, s0  }
0x5: {  	[smem:$0x7FF] =	sst s2;
	s8 =	sshll.u32 s0, $0x1;
	s7 =	smul.u32 $0x1900, s6  }
0x6: {  	_ =	strace $0x8000004A;
	s8 =	sor.u32 s6, s8;
	s11 =	ssub.s32 $0x2, s6  }
0x7: {  	s13 =	smul.u32 $0x6400, s6;
	s10 =	sshll.u32 s8, $0x9;
	s12 =	sshrl.u32 s11, $0x1  }
0x8: {  	s8 =	sshll.u32 s8, $0x4;
	s3 =	sadd.s32 s7, s3;
	s7 =	sadd.s32 s29, s4  }
0x9: {  	s30 =	sadd.s32 s10, s4;
	s31 =	ssub.s32 s11, s12;
	s10 =	simm.s32 $0x80  }
0xa: {  	s11 =	simm.s32 $0x1;
	s12 =	simm.s32 $0x0;
	s3 =	sshrl.u32 s3, $0x3  }
0xb: {  	s6 =	smax.u32 s31, $0x1;
	s7 =	sadd.s32 s13, s7;
	s9 =	sadd.s32 s3, s4  }
0xc: {  	s3 =	sadd.s32 $0xF64A00, s4;
	s4 =	sadd.s32 s5, s8;
	s5 =	sadd.s32 $0xF0A00, s30  }
0xd: {  	s7 =	sadd.s32 $0x28A00, s7;
	s8 =	sadd.s32 $0x22600, s9;
	s9 =	simm.s32 $0x2  }
.LBB2_1:
0xe: {  	[tilespmem:s2], [sflag:$0x2] =	stream.linear.gather [hbm4b:s4+s2], $0x80, $0x38;
	[tilespmem:$0x1080] =	vst v63  }
0xf: {  	_ =	swait.ge [sflag:s9], $0x80  }
0x10: {  	[sflag:s9] =	ssyncset.done $0x0  }
0x11: {  	[sflag:s9] =	ssyncadd.s32 $0xFFFFFF80  }
0x12: {  	[tilespmem:s10], [sflag:$0x1] =	stream.indirect.gather [hbm4b:s3+s10], $0x20, s2, s10, $0xb8;
	[tilespmem:$0x1080] =	vst v63  }
0x13: {  	_ =	swait.ge [sflag:s11], $0x1000  }
0x14: {  	[sflag:s11] =	ssyncset.done $0x0  }
0x15: {  	[sflag:s11] =	ssyncadd.s32 $0xFFFFF000  }
0x16: {  	[hbm4b:s5+s2] =	stream.linear.scatter [tilespmem:s10], [sflag:$0x2], $0x1000, $0x38;
	[tilespmem:$0x1080] =	vst v63  }
0x17: {  	_ =	swait.ge [sflag:s9], $0x1000  }
0x18: {  	[sflag:s9] =	ssyncset.done $0x0  }
0x19: {  	s13 =	sadd.s32 $0x0, s8;
	[sflag:s9] =	ssyncadd.s32 $0xFFFFF000  }
0x1a: {  	[tilespmem:s2], [sflag:$0x2] =	stream.linear.gather [hbm4b:s13+s2], $0x80, $0x38;
	[tilespmem:$0x1080] =	vst v63  }
0x1b: {  	_ =	swait.ge [sflag:s9], $0x80  }
0x1c: {  	[sflag:s9] =	ssyncset.done $0x0  }
0x1d: {  	[sflag:s9] =	ssyncadd.s32 $0xFFFFFF80  }
0x1e: {  	[tilespmem:s10], [sflag:$0x1] =	stream.indirect.gather [hbm4b:s3+s10], $0x20, s2, s10, $0xb8;
	[tilespmem:$0x1080] =	vst v63  }
0x1f: {  	_ =	swait.ge [sflag:s11], $0x1000  }
0x20: {  	[sflag:s11] =	ssyncset.done $0x0  }
0x21: {  	[sflag:s11] =	ssyncadd.s32 $0xFFFFF000  }
0x22: {  	[hbm4b:s7+s2] =	stream.linear.scatter [tilespmem:s10], [sflag:$0x2], $0x1000, $0x38;
	[tilespmem:$0x1080] =	vst v63  }
0x23: {  	s14 =	simm.s32 $0x10;
	_ =	swait.ge [sflag:s9], $0x1000  }
0x24: {  	s15 =	simm.s32 $0x20;
	s13 =	sadd.s32 $0x200, s7;
	[sflag:s9] =	ssyncset.done $0x0  }
.LBB2_2:
0x25: {  	s16 =	sadd.s32 s14, s8  }
0x26: {  	[sflag:s9] =	ssyncadd.s32 $0xFFFFF000;
	s14 =	smov.u32 s15;
	s17 =	sadd.s32 $0x10, s15  }
0x27: {  	[tilespmem:s2], [sflag:$0x2] =	stream.linear.gather [hbm4b:s16+s2], $0x80, $0x38;
	[tilespmem:$0x1080] =	vst v63  }
0x28: {  	p0 =	sne.s32 s15, $0x310;
	_ =	swait.ge [sflag:s9], $0x80  }
0x29: {  	[sflag:s9] =	ssyncset.done $0x0  }
0x2a: {  	[sflag:s9] =	ssyncadd.s32 $0xFFFFFF80  }
0x2b: {  	[tilespmem:s10], [sflag:$0x1] =	stream.indirect.gather [hbm4b:s3+s10], $0x20, s2, s10, $0xb8;
	[tilespmem:$0x1080] =	vst v63  }
0x2c: {  	_ =	swait.ge [sflag:s11], $0x1000  }
.Ltmp0:
0x2d: {  	[sflag:s11] =	ssyncset.done $0x0;
	(pc) =	sbr.rel @p0 .LBB2_2-.Ltmp0, $4  }
0x2e: {  	[sflag:s11] =	ssyncadd.s32 $0xFFFFF000  }
0x2f: {  	[hbm4b:s13+s2] =	stream.linear.scatter [tilespmem:s10], [sflag:$0x2], $0x1000, $0x38;
	[tilespmem:$0x1080] =	vst v63  }
0x30: {  	_ =	swait.ge [sflag:s9], $0x1000  }
0x31: {  	s15 =	smov.u32 s17;
	s13 =	sadd.s32 $0x200, s13;
	[sflag:s9] =	ssyncset.done $0x0  }
0x32: {  	s14 =	sadd.s32 s14, s8;
	[sflag:s9] =	ssyncadd.s32 $0xFFFFF000  }
0x33: {  	[tilespmem:s2], [sflag:$0x2] =	stream.linear.gather [hbm4b:s14+s2], $0x80, $0x38;
	[tilespmem:$0x1080] =	vst v63  }
0x34: {  	_ =	swait.ge [sflag:s9], $0x80  }
0x35: {  	[sflag:s9] =	ssyncset.done $0x0  }
0x36: {  	[sflag:s9] =	ssyncadd.s32 $0xFFFFFF80  }
0x37: {  	[tilespmem:s10], [sflag:$0x1] =	stream.indirect.gather [hbm4b:s3+s10], $0x20, s2, s10, $0xb8;
	[tilespmem:$0x1080] =	vst v63  }
0x38: {  	s12 =	sadd.s32 $0x1, s12;
	_ =	swait.ge [sflag:s11], $0x1000  }
0x39: {  	p0 =	sne.s32 s12, s6;
	[sflag:s11] =	ssyncset.done $0x0  }
.Ltmp1:
0x3a: {  	[sflag:s11] =	ssyncadd.s32 $0xFFFFF000;
	(pc) =	sbr.rel @p0 .LBB2_1-.Ltmp1, $4  }
0x3b: {  	[hbm4b:s13+s2] =	stream.linear.scatter [tilespmem:s10], [sflag:$0x2], $0x1000, $0x38;
	[tilespmem:$0x1080] =	vst v63  }
0x3c: {  	_ =	swait.ge [sflag:s9], $0x1000  }
0x3d: {  	[sflag:s9] =	ssyncset.done $0x0  }
0x3e: {  	[sflag:s9] =	ssyncadd.s32 $0xFFFFF000  }
0x3f: {  	_ =	sfence.sel $0x180000  }
0x40: {  	[bflag:$0x0] =	sbarrier.arrive $0xFFFF  }
0x41: {  	p0 =	sne.s32 s0, $0x0;
	_ =	strace $0x9000004A  }
0x42: {  	s0 =	sadd.s32 @!p0 $0x100000, s1;
	[bflag:$0x2] =	sbarrier.arrive $0xFFFF  }
0x43: {  	[sflag:s0] =	ssyncadd.tile.s32 @!p0 $0x1;
	_ =	shalt  }
.Lfunc_end2:
_tile_overlayer_lowered:
.L_overlay_start_2:
0x44: {  	(tag) =	ssettag $0x2  }
0x45: {  	s0 =	rddreg [dreg:$0x0];
	s2 =	stileid.u32  }
0x46: {  	s1 =	rddreg [dreg:$0x1];
	p0 =	sne.s32 s2, $0x0  }
0x47: {  	s3 =	rddreg [dreg:$0x2];
	[bflag:$0x3] =	sbarrier.arrive $0xFFFF;
	s2 =	simm.s32 @!p0 $0x1C02  }
0x48: {  	[timem:s3], [sflag:s2] =	dma.local @!p0 [hbm:s0], s1  }
0x49: {  	s0 =	simm.s32 @!p0 $0x2  }
0x4a: {  	_ =	swait.ge @!p0 [sflag:s0], s1  }
0x4b: {  	s1 =	ssub.s32 @!p0 $0x0, s1;
	[sflag:s0] =	ssyncset.done @!p0 $0x0  }
0x4c: {  	[sflag:s0] =	ssyncadd.s32 @!p0 s1  }
0x4d: {  	[bflag:$0x3] =	sbarrier.arrive $0xFFFF  }
0x4e: {  	_ =	shalt  }

</sc_bundles>
